<compile_context>
chip_gen: v7x
topology: tpu7x:2x2x1
jax: 0.10.2.dev20260603
libtpu: 0.0.44.dev20260713+nightly
codegen_flags: <defaults>
</compile_context>

<pallas_src>
import functools

import jax
import jax.numpy as jnp
from jax import lax
from jax.experimental import pallas as pl
from jax.experimental.pallas import tpu as pltpu
from jax.experimental.pallas import tpu_sc as plsc

TBL = 1000
TBL_PAD = 1024
IN_DIM = 256
D = 1024
B = 16384

NC = 2
NS = 16
NW = NC * NS
B_PER_W = B // NW
CHUNK = 16
NCH = B_PER_W // CHUNK
NBUF = 7


def _sigmoid(x):
    return 1.0 / (1.0 + jnp.exp(-x))


def _mlp_table_body(e_ref, w1_ref, b1_ref, w2_ref, b2_ref, y_ref):
    e = jnp.concatenate(
        [e_ref[...], jnp.zeros((TBL_PAD - TBL, IN_DIM), jnp.float32)], axis=0)
    h = jnp.dot(e, w1_ref[...], preferred_element_type=jnp.float32)
    h = h + b1_ref[...]
    h = h * _sigmoid(h)
    y = jnp.dot(h, w2_ref[...], preferred_element_type=jnp.float32)
    y = y + b2_ref[...]
    y_ref[...] = y * _sigmoid(y)


def _mlp_table(e, W1, b1, W2, b2):
    return pl.pallas_call(
        _mlp_table_body,
        out_shape=jax.ShapeDtypeStruct((TBL_PAD, D), jnp.float32),
    )(e, W1, b1.reshape(1, D), W2, b2.reshape(1, D))


_sc_mesh = plsc.VectorSubcoreMesh(core_axis_name="c", subcore_axis_name="s")


@functools.partial(
    pl.kernel,
    out_type=jax.ShapeDtypeStruct((B, D), jnp.float32),
    mesh=_sc_mesh,
    scratch_types=(
        [pltpu.VMEM((NCH, CHUNK), jnp.int32)]
        + [pltpu.VMEM((CHUNK, D), jnp.float32)] * NBUF
        + [pltpu.SemaphoreType.DMA] * (2 * NBUF)
    ),
)
def _sc_gather(table_hbm, idx_hbm, out_hbm, idx_v, *bufs_and_sems):
    bufs = bufs_and_sems[:NBUF]
    gsem = bufs_and_sems[NBUF:2 * NBUF]
    psem = bufs_and_sems[2 * NBUF:]
    wid = lax.axis_index("s") * NC + lax.axis_index("c")
    base = wid * B_PER_W
    pltpu.sync_copy(idx_hbm.at[wid], idx_v)
    gets = [None] * NBUF
    puts = [None] * NBUF

    def wait_put(slot):
        if puts[slot] is not None:
            puts[slot].wait()
            puts[slot] = None

    for c in range(min(4, NCH)):
        gets[c] = pltpu.async_copy(
            table_hbm.at[idx_v.at[c]], bufs[c], gsem[c])
    for c in range(NCH):
        b = c % NBUF
        gets[b].wait()
        c2 = c + 4
        if c2 < NCH:
            b2 = c2 % NBUF
            wait_put(b2)
            gets[b2] = pltpu.async_copy(
                table_hbm.at[idx_v.at[c2]], bufs[b2], gsem[b2])
        puts[b] = pltpu.async_copy(
            bufs[b], out_hbm.at[pl.ds(base + c * CHUNK, CHUNK)], psem[b])
    for b in range(NBUF):
        wait_put(b)


def kernel(diffusion_step, embedding, W1, b1, W2, b2):
    y = _mlp_table(embedding, W1, b1, W2, b2)
    idx = diffusion_step.reshape(NW, NCH, CHUNK)
    return _sc_gather(y, idx)

# --- scband reference (transcript-rebuilt; emitter-appended) ---
"""Pipeline reference for scband-diffusion-embedding-53987738911611 (READ-ONLY COPY).

The authoritative reference and input builder live on the scoring server;
editing this copy changes nothing except your own understanding.
"""

import jax, jax.numpy as jnp
import numpy as np

MAX_STEPS = 1000
EMB_DIM = 128
OUT_DIM = 1024
BATCH = 16384


def _build_embedding(max_steps, dim):
    steps = jnp.arange(max_steps, dtype=jnp.float32)[:, None]
    dims = jnp.arange(dim, dtype=jnp.float32)[None, :]
    table = steps * 10.0 ** (dims * 4.0 / (dim - 1.0))
    return jnp.concatenate([jnp.sin(table), jnp.cos(table)], axis=-1)


def setup_inputs(seed: int = 0) -> dict:
    key = jax.random.key(seed)
    k1, k2, k3 = jax.random.split(key, 3)
    embedding = _build_embedding(MAX_STEPS, EMB_DIM)  # [max_steps, 2*dim]
    W1 = jax.random.normal(k1, (2 * EMB_DIM, OUT_DIM), dtype=jnp.float32) * (1.0 / np.sqrt(2 * EMB_DIM))
    b1 = jnp.zeros((OUT_DIM,), dtype=jnp.float32)
    W2 = jax.random.normal(k2, (OUT_DIM, OUT_DIM), dtype=jnp.float32) * (1.0 / np.sqrt(OUT_DIM))
    b2 = jnp.zeros((OUT_DIM,), dtype=jnp.float32)
    diffusion_step = jax.random.randint(k3, (BATCH,), 0, MAX_STEPS, dtype=jnp.int32)
    return {
        "diffusion_step": diffusion_step,
        "embedding": embedding,
        "W1": W1,
        "b1": b1,
        "W2": W2,
        "b2": b2,
    }


def _silu(x):
    return x * jax.nn.sigmoid(x)


def reference(diffusion_step, embedding, W1, b1, W2, b2):
    # integer path: direct table gather
    x = jnp.take(embedding, diffusion_step, axis=0)  # [B, 2*dim]
    x = x @ W1 + b1
    x = _silu(x)
    x = x @ W2 + b2
    x = _silu(x)
    return x

if __name__ == "__main__":
    import jax
    _d = setup_inputs()
    print(jax.jit(kernel)(*tuple(_d.values())))

</pallas_src>

<mosaic_0001>
#map = affine_map<(d0, d1) -> (0, 0)>
#map1 = affine_map<(d0, d1) -> (0, 0, 0)>
module attributes {stable_mosaic.version = 14 : i64} {
  func.func @_sc_gather(%arg0: i32, %arg1: i32, %arg2: memref<1024x1024xf32, #tpu.memory_space<hbm>>, %arg3: memref<32x32x16xi32, #tpu.memory_space<hbm>>, %arg4: memref<16384x1024xf32, #tpu.memory_space<hbm>>, %arg5: memref<32x16xi32, #tpu.memory_space<vmem>>, %arg6: memref<16x1024xf32, #tpu.memory_space<vmem>>, %arg7: memref<16x1024xf32, #tpu.memory_space<vmem>>, %arg8: memref<16x1024xf32, #tpu.memory_space<vmem>>, %arg9: memref<16x1024xf32, #tpu.memory_space<vmem>>, %arg10: memref<16x1024xf32, #tpu.memory_space<vmem>>, %arg11: memref<16x1024xf32, #tpu.memory_space<vmem>>, %arg12: memref<16x1024xf32, #tpu.memory_space<vmem>>, %arg13: memref<!tpu.dma_semaphore, #tpu.memory_space<semaphore_mem>>, %arg14: memref<!tpu.dma_semaphore, #tpu.memory_space<semaphore_mem>>, %arg15: memref<!tpu.dma_semaphore, #tpu.memory_space<semaphore_mem>>, %arg16: memref<!tpu.dma_semaphore, #tpu.memory_space<semaphore_mem>>, %arg17: memref<!tpu.dma_semaphore, #tpu.memory_space<semaphore_mem>>, %arg18: memref<!tpu.dma_semaphore, #tpu.memory_space<semaphore_mem>>, %arg19: memref<!tpu.dma_semaphore, #tpu.memory_space<semaphore_mem>>, %arg20: memref<!tpu.dma_semaphore, #tpu.memory_space<semaphore_mem>>, %arg21: memref<!tpu.dma_semaphore, #tpu.memory_space<semaphore_mem>>, %arg22: memref<!tpu.dma_semaphore, #tpu.memory_space<semaphore_mem>>, %arg23: memref<!tpu.dma_semaphore, #tpu.memory_space<semaphore_mem>>, %arg24: memref<!tpu.dma_semaphore, #tpu.memory_space<semaphore_mem>>, %arg25: memref<!tpu.dma_semaphore, #tpu.memory_space<semaphore_mem>>, %arg26: memref<!tpu.dma_semaphore, #tpu.memory_space<semaphore_mem>>) attributes {dimension_semantics = [#tpu.dimension_semantics<core_parallel>, #tpu.dimension_semantics<subcore_parallel>], iteration_bounds = array<i64: 2, 16>, scalar_prefetch = 0 : i64, scratch_operands = 22 : i64, tpu.core_type = #tpu.core_type<sc_vector_subcore>, window_params = [{transform_indices = #map}, {transform_indices = #map1}, {transform_indices = #map}]} {
    %mul3A = arith.constant 2 : i32
    %mul3A_0 = arith.muli %arg1, %mul3A : i32
    %add3A = arith.addi %mul3A_0, %arg0 : i32
    %mul3A_1 = arith.constant 512 : i32
    %mul3A_2 = arith.muli %add3A, %mul3A_1 : i32
    "tpu.region"() ({
      %run_scoped3A = tpu.sem_alloc : memref<!tpu.dma_semaphore, #tpu.memory_space<semaphore_mem>>
      %dma_start3A_769 = arith.constant 0 : i32
      %dma_start3A_770 = arith.constant 0 : i32
      %dma_start3A_771 = tpu.memref_slice %arg3[%add3A, %dma_start3A_769, %dma_start3A_770] : memref<32x32x16xi32, #tpu.memory_space<hbm>> -> memref<1x32x16xi32, #tpu.memory_space<hbm>>
      %dma_start3A_772 = tpu.memref_squeeze %dma_start3A_771 : memref<1x32x16xi32, #tpu.memory_space<hbm>> -> memref<32x16xi32, #tpu.memory_space<hbm>>
      %dma_start3A_773 = arith.constant 0 : i32
      %dma_start3A_774 = arith.constant 0 : i32
      %dma_start3A_775 = tpu.memref_slice %arg3[%add3A, %dma_start3A_773, %dma_start3A_774] : memref<32x32x16xi32, #tpu.memory_space<hbm>> -> memref<1x32x16xi32, #tpu.memory_space<hbm>>
      %dma_start3A_776 = tpu.memref_squeeze %dma_start3A_775 : memref<1x32x16xi32, #tpu.memory_space<hbm>> -> memref<32x16xi32, #tpu.memory_space<hbm>>
      tpu.enqueue_dma source(%dma_start3A_776 : memref<32x16xi32, #tpu.memory_space<hbm>>) target(%arg5 : memref<32x16xi32, #tpu.memory_space<vmem>>) target_semaphore(%run_scoped3A : memref<!tpu.dma_semaphore, #tpu.memory_space<semaphore_mem>>)
      %dma_wait3A_777 = arith.constant 0 : i32
      %dma_wait3A_778 = arith.constant 0 : i32
      %dma_wait3A_779 = tpu.memref_slice %arg3[%add3A, %dma_wait3A_777, %dma_wait3A_778] : memref<32x32x16xi32, #tpu.memory_space<hbm>> -> memref<1x32x16xi32, #tpu.memory_space<hbm>>
      %dma_wait3A_780 = tpu.memref_squeeze %dma_wait3A_779 : memref<1x32x16xi32, #tpu.memory_space<hbm>> -> memref<32x16xi32, #tpu.memory_space<hbm>>
      %dma_wait3A_781 = arith.constant 0 : i32
      %dma_wait3A_782 = arith.constant 0 : i32
      %dma_wait3A_783 = tpu.memref_slice %arg3[%add3A, %dma_wait3A_781, %dma_wait3A_782] : memref<32x32x16xi32, #tpu.memory_space<hbm>> -> memref<1x32x16xi32, #tpu.memory_space<hbm>>
      %dma_wait3A_784 = tpu.memref_squeeze %dma_wait3A_783 : memref<1x32x16xi32, #tpu.memory_space<hbm>> -> memref<32x16xi32, #tpu.memory_space<hbm>>
      tpu.wait_dma2 semaphore(%run_scoped3A : memref<!tpu.dma_semaphore, #tpu.memory_space<semaphore_mem>>) src(%dma_wait3A_784 : memref<32x16xi32, #tpu.memory_space<hbm>>) dst(%arg5 : memref<32x16xi32, #tpu.memory_space<vmem>>)
      tpu.yield
    }) : () -> ()
    %dma_start3A = arith.constant 0 : i32
    %dma_start3A_3 = arith.constant 0 : i32
    %dma_start3A_4 = tpu.memref_slice %arg5[%dma_start3A, %dma_start3A_3] : memref<32x16xi32, #tpu.memory_space<vmem>> -> memref<1x16xi32, #tpu.memory_space<vmem>>
    %dma_start3A_5 = tpu.memref_squeeze %dma_start3A_4 : memref<1x16xi32, #tpu.memory_space<vmem>> -> memref<16xi32, #tpu.memory_space<vmem>>
    %dma_start3A_6 = arith.constant 0 : i32
    %dma_start3A_7 = arith.constant 0 : i32
    %dma_start3A_8 = tpu.memref_slice %arg2[%dma_start3A_6, %dma_start3A_7] : memref<1024x1024xf32, #tpu.memory_space<hbm>> -> memref<1024x1024xf32, #tpu.memory_space<hbm>>
    tpu.enqueue_indirect_dma source(%dma_start3A_8 : memref<1024x1024xf32, #tpu.memory_space<hbm>>) target(%arg6 : memref<16x1024xf32, #tpu.memory_space<vmem>>) offsets(%dma_start3A_5 : memref<16xi32, #tpu.memory_space<vmem>>) semaphore(%arg13 : memref<!tpu.dma_semaphore, #tpu.memory_space<semaphore_mem>>)
    %dma_start3A_9 = arith.constant 1 : i32
    %dma_start3A_10 = arith.constant 0 : i32
    %dma_start3A_11 = tpu.memref_slice %arg5[%dma_start3A_9, %dma_start3A_10] : memref<32x16xi32, #tpu.memory_space<vmem>> -> memref<1x16xi32, #tpu.memory_space<vmem>>
    %dma_start3A_12 = tpu.memref_squeeze %dma_start3A_11 : memref<1x16xi32, #tpu.memory_space<vmem>> -> memref<16xi32, #tpu.memory_space<vmem>>
    %dma_start3A_13 = arith.constant 0 : i32
    %dma_start3A_14 = arith.constant 0 : i32
    %dma_start3A_15 = tpu.memref_slice %arg2[%dma_start3A_13, %dma_start3A_14] : memref<1024x1024xf32, #tpu.memory_space<hbm>> -> memref<1024x1024xf32, #tpu.memory_space<hbm>>
    tpu.enqueue_indirect_dma source(%dma_start3A_15 : memref<1024x1024xf32, #tpu.memory_space<hbm>>) target(%arg7 : memref<16x1024xf32, #tpu.memory_space<vmem>>) offsets(%dma_start3A_12 : memref<16xi32, #tpu.memory_space<vmem>>) semaphore(%arg14 : memref<!tpu.dma_semaphore, #tpu.memory_space<semaphore_mem>>)
    %dma_start3A_16 = arith.constant 2 : i32
    %dma_start3A_17 = arith.constant 0 : i32
    %dma_start3A_18 = tpu.memref_slice %arg5[%dma_start3A_16, %dma_start3A_17] : memref<32x16xi32, #tpu.memory_space<vmem>> -> memref<1x16xi32, #tpu.memory_space<vmem>>
    %dma_start3A_19 = tpu.memref_squeeze %dma_start3A_18 : memref<1x16xi32, #tpu.memory_space<vmem>> -> memref<16xi32, #tpu.memory_space<vmem>>
    %dma_start3A_20 = arith.constant 0 : i32
    %dma_start3A_21 = arith.constant 0 : i32
    %dma_start3A_22 = tpu.memref_slice %arg2[%dma_start3A_20, %dma_start3A_21] : memref<1024x1024xf32, #tpu.memory_space<hbm>> -> memref<1024x1024xf32, #tpu.memory_space<hbm>>
    tpu.enqueue_indirect_dma source(%dma_start3A_22 : memref<1024x1024xf32, #tpu.memory_space<hbm>>) target(%arg8 : memref<16x1024xf32, #tpu.memory_space<vmem>>) offsets(%dma_start3A_19 : memref<16xi32, #tpu.memory_space<vmem>>) semaphore(%arg15 : memref<!tpu.dma_semaphore, #tpu.memory_space<semaphore_mem>>)
    %dma_start3A_23 = arith.constant 3 : i32
    %dma_start3A_24 = arith.constant 0 : i32
    %dma_start3A_25 = tpu.memref_slice %arg5[%dma_start3A_23, %dma_start3A_24] : memref<32x16xi32, #tpu.memory_space<vmem>> -> memref<1x16xi32, #tpu.memory_space<vmem>>
    %dma_start3A_26 = tpu.memref_squeeze %dma_start3A_25 : memref<1x16xi32, #tpu.memory_space<vmem>> -> memref<16xi32, #tpu.memory_space<vmem>>
    %dma_start3A_27 = arith.constant 0 : i32
    %dma_start3A_28 = arith.constant 0 : i32
    %dma_start3A_29 = tpu.memref_slice %arg2[%dma_start3A_27, %dma_start3A_28] : memref<1024x1024xf32, #tpu.memory_space<hbm>> -> memref<1024x1024xf32, #tpu.memory_space<hbm>>
    tpu.enqueue_indirect_dma source(%dma_start3A_29 : memref<1024x1024xf32, #tpu.memory_space<hbm>>) target(%arg9 : memref<16x1024xf32, #tpu.memory_space<vmem>>) offsets(%dma_start3A_26 : memref<16xi32, #tpu.memory_space<vmem>>) semaphore(%arg16 : memref<!tpu.dma_semaphore, #tpu.memory_space<semaphore_mem>>)
    %dma_wait3A = arith.constant 0 : i32
    %dma_wait3A_30 = arith.constant 0 : i32
    %dma_wait3A_31 = tpu.memref_slice %arg5[%dma_wait3A, %dma_wait3A_30] : memref<32x16xi32, #tpu.memory_space<vmem>> -> memref<1x16xi32, #tpu.memory_space<vmem>>
    %dma_wait3A_32 = tpu.memref_squeeze %dma_wait3A_31 : memref<1x16xi32, #tpu.memory_space<vmem>> -> memref<16xi32, #tpu.memory_space<vmem>>
    %dma_wait3A_33 = arith.constant 0 : i32
    %dma_wait3A_34 = arith.constant 0 : i32
    %dma_wait3A_35 = tpu.memref_slice %arg2[%dma_wait3A_33, %dma_wait3A_34] : memref<1024x1024xf32, #tpu.memory_space<hbm>> -> memref<1024x1024xf32, #tpu.memory_space<hbm>>
    tpu.wait_indirect_dma semaphore(%arg13 : memref<!tpu.dma_semaphore, #tpu.memory_space<semaphore_mem>>) src(%dma_wait3A_35 : memref<1024x1024xf32, #tpu.memory_space<hbm>>) dst(%arg6 : memref<16x1024xf32, #tpu.memory_space<vmem>>)
    %dma_start3A_36 = arith.constant 4 : i32
    %dma_start3A_37 = arith.constant 0 : i32
    %dma_start3A_38 = tpu.memref_slice %arg5[%dma_start3A_36, %dma_start3A_37] : memref<32x16xi32, #tpu.memory_space<vmem>> -> memref<1x16xi32, #tpu.memory_space<vmem>>
    %dma_start3A_39 = tpu.memref_squeeze %dma_start3A_38 : memref<1x16xi32, #tpu.memory_space<vmem>> -> memref<16xi32, #tpu.memory_space<vmem>>
    %dma_start3A_40 = arith.constant 0 : i32
    %dma_start3A_41 = arith.constant 0 : i32
    %dma_start3A_42 = tpu.memref_slice %arg2[%dma_start3A_40, %dma_start3A_41] : memref<1024x1024xf32, #tpu.memory_space<hbm>> -> memref<1024x1024xf32, #tpu.memory_space<hbm>>
    tpu.enqueue_indirect_dma source(%dma_start3A_42 : memref<1024x1024xf32, #tpu.memory_space<hbm>>) target(%arg10 : memref<16x1024xf32, #tpu.memory_space<vmem>>) offsets(%dma_start3A_39 : memref<16xi32, #tpu.memory_space<vmem>>) semaphore(%arg17 : memref<!tpu.dma_semaphore, #tpu.memory_space<semaphore_mem>>)
    %add3A_43 = arith.constant 0 : i32
    %add3A_44 = arith.addi %mul3A_2, %add3A_43 : i32
    %dma_start3A_45 = arith.constant 0 : i32
    %dma_start3A_46 = tpu.memref_slice %arg4[%add3A_44, %dma_start3A_45] : memref<16384x1024xf32, #tpu.memory_space<hbm>> -> memref<16x1024xf32, #tpu.memory_space<hbm>>
    %dma_start3A_47 = arith.constant 0 : i32
    %dma_start3A_48 = tpu.memref_slice %arg4[%add3A_44, %dma_start3A_47] : memref<16384x1024xf32, #tpu.memory_space<hbm>> -> memref<16x1024xf32, #tpu.memory_space<hbm>>
    tpu.enqueue_dma source(%arg6 : memref<16x1024xf32, #tpu.memory_space<vmem>>) target(%dma_start3A_48 : memref<16x1024xf32, #tpu.memory_space<hbm>>) target_semaphore(%arg20 : memref<!tpu.dma_semaphore, #tpu.memory_space<semaphore_mem>>)
    %dma_wait3A_49 = arith.constant 1 : i32
    %dma_wait3A_50 = arith.constant 0 : i32
    %dma_wait3A_51 = tpu.memref_slice %arg5[%dma_wait3A_49, %dma_wait3A_50] : memref<32x16xi32, #tpu.memory_space<vmem>> -> memref<1x16xi32, #tpu.memory_space<vmem>>
    %dma_wait3A_52 = tpu.memref_squeeze %dma_wait3A_51 : memref<1x16xi32, #tpu.memory_space<vmem>> -> memref<16xi32, #tpu.memory_space<vmem>>
    %dma_wait3A_53 = arith.constant 0 : i32
    %dma_wait3A_54 = arith.constant 0 : i32
    %dma_wait3A_55 = tpu.memref_slice %arg2[%dma_wait3A_53, %dma_wait3A_54] : memref<1024x1024xf32, #tpu.memory_space<hbm>> -> memref<1024x1024xf32, #tpu.memory_space<hbm>>
    tpu.wait_indirect_dma semaphore(%arg14 : memref<!tpu.dma_semaphore, #tpu.memory_space<semaphore_mem>>) src(%dma_wait3A_55 : memref<1024x1024xf32, #tpu.memory_space<hbm>>) dst(%arg7 : memref<16x1024xf32, #tpu.memory_space<vmem>>)
    %dma_start3A_56 = arith.constant 5 : i32
    %dma_start3A_57 = arith.constant 0 : i32
    %dma_start3A_58 = tpu.memref_slice %arg5[%dma_start3A_56, %dma_start3A_57] : memref<32x16xi32, #tpu.memory_space<vmem>> -> memref<1x16xi32, #tpu.memory_space<vmem>>
    %dma_start3A_59 = tpu.memref_squeeze %dma_start3A_58 : memref<1x16xi32, #tpu.memory_space<vmem>> -> memref<16xi32, #tpu.memory_space<vmem>>
    %dma_start3A_60 = arith.constant 0 : i32
    %dma_start3A_61 = arith.constant 0 : i32
    %dma_start3A_62 = tpu.memref_slice %arg2[%dma_start3A_60, %dma_start3A_61] : memref<1024x1024xf32, #tpu.memory_space<hbm>> -> memref<1024x1024xf32, #tpu.memory_space<hbm>>
    tpu.enqueue_indirect_dma source(%dma_start3A_62 : memref<1024x1024xf32, #tpu.memory_space<hbm>>) target(%arg11 : memref<16x1024xf32, #tpu.memory_space<vmem>>) offsets(%dma_start3A_59 : memref<16xi32, #tpu.memory_space<vmem>>) semaphore(%arg18 : memref<!tpu.dma_semaphore, #tpu.memory_space<semaphore_mem>>)
    %add3A_63 = arith.constant 16 : i32
    %add3A_64 = arith.addi %mul3A_2, %add3A_63 : i32
    %dma_start3A_65 = arith.constant 0 : i32
    %dma_start3A_66 = tpu.memref_slice %arg4[%add3A_64, %dma_start3A_65] : memref<16384x1024xf32, #tpu.memory_space<hbm>> -> memref<16x1024xf32, #tpu.memory_space<hbm>>
    %dma_start3A_67 = arith.constant 0 : i32
    %dma_start3A_68 = tpu.memref_slice %arg4[%add3A_64, %dma_start3A_67] : memref<16384x1024xf32, #tpu.memory_space<hbm>> -> memref<16x1024xf32, #tpu.memory_space<hbm>>
    tpu.enqueue_dma source(%arg7 : memref<16x1024xf32, #tpu.memory_space<vmem>>) target(%dma_start3A_68 : memref<16x1024xf32, #tpu.memory_space<hbm>>) target_semaphore(%arg21 : memref<!tpu.dma_semaphore, #tpu.memory_space<semaphore_mem>>)
    %dma_wait3A_69 = arith.constant 2 : i32
    %dma_wait3A_70 = arith.constant 0 : i32
    %dma_wait3A_71 = tpu.memref_slice %arg5[%dma_wait3A_69, %dma_wait3A_70] : memref<32x16xi32, #tpu.memory_space<vmem>> -> memref<1x16xi32, #tpu.memory_space<vmem>>
    %dma_wait3A_72 = tpu.memref_squeeze %dma_wait3A_71 : memref<1x16xi32, #tpu.memory_space<vmem>> -> memref<16xi32, #tpu.memory_space<vmem>>
    %dma_wait3A_73 = arith.constant 0 : i32
    %dma_wait3A_74 = arith.constant 0 : i32
    %dma_wait3A_75 = tpu.memref_slice %arg2[%dma_wait3A_73, %dma_wait3A_74] : memref<1024x1024xf32, #tpu.memory_space<hbm>> -> memref<1024x1024xf32, #tpu.memory_space<hbm>>
    tpu.wait_indirect_dma semaphore(%arg15 : memref<!tpu.dma_semaphore, #tpu.memory_space<semaphore_mem>>) src(%dma_wait3A_75 : memref<1024x1024xf32, #tpu.memory_space<hbm>>) dst(%arg8 : memref<16x1024xf32, #tpu.memory_space<vmem>>)
    %dma_start3A_76 = arith.constant 6 : i32
    %dma_start3A_77 = arith.constant 0 : i32
    %dma_start3A_78 = tpu.memref_slice %arg5[%dma_start3A_76, %dma_start3A_77] : memref<32x16xi32, #tpu.memory_space<vmem>> -> memref<1x16xi32, #tpu.memory_space<vmem>>
    %dma_start3A_79 = tpu.memref_squeeze %dma_start3A_78 : memref<1x16xi32, #tpu.memory_space<vmem>> -> memref<16xi32, #tpu.memory_space<vmem>>
    %dma_start3A_80 = arith.constant 0 : i32
    %dma_start3A_81 = arith.constant 0 : i32
    %dma_start3A_82 = tpu.memref_slice %arg2[%dma_start3A_80, %dma_start3A_81] : memref<1024x1024xf32, #tpu.memory_space<hbm>> -> memref<1024x1024xf32, #tpu.memory_space<hbm>>
    tpu.enqueue_indirect_dma source(%dma_start3A_82 : memref<1024x1024xf32, #tpu.memory_space<hbm>>) target(%arg12 : memref<16x1024xf32, #tpu.memory_space<vmem>>) offsets(%dma_start3A_79 : memref<16xi32, #tpu.memory_space<vmem>>) semaphore(%arg19 : memref<!tpu.dma_semaphore, #tpu.memory_space<semaphore_mem>>)
    %add3A_83 = arith.constant 32 : i32
    %add3A_84 = arith.addi %mul3A_2, %add3A_83 : i32
    %dma_start3A_85 = arith.constant 0 : i32
    %dma_start3A_86 = tpu.memref_slice %arg4[%add3A_84, %dma_start3A_85] : memref<16384x1024xf32, #tpu.memory_space<hbm>> -> memref<16x1024xf32, #tpu.memory_space<hbm>>
    %dma_start3A_87 = arith.constant 0 : i32
    %dma_start3A_88 = tpu.memref_slice %arg4[%add3A_84, %dma_start3A_87] : memref<16384x1024xf32, #tpu.memory_space<hbm>> -> memref<16x1024xf32, #tpu.memory_space<hbm>>
    tpu.enqueue_dma source(%arg8 : memref<16x1024xf32, #tpu.memory_space<vmem>>) target(%dma_start3A_88 : memref<16x1024xf32, #tpu.memory_space<hbm>>) target_semaphore(%arg22 : memref<!tpu.dma_semaphore, #tpu.memory_space<semaphore_mem>>)
    %dma_wait3A_89 = arith.constant 3 : i32
    %dma_wait3A_90 = arith.constant 0 : i32
    %dma_wait3A_91 = tpu.memref_slice %arg5[%dma_wait3A_89, %dma_wait3A_90] : memref<32x16xi32, #tpu.memory_space<vmem>> -> memref<1x16xi32, #tpu.memory_space<vmem>>
    %dma_wait3A_92 = tpu.memref_squeeze %dma_wait3A_91 : memref<1x16xi32, #tpu.memory_space<vmem>> -> memref<16xi32, #tpu.memory_space<vmem>>
    %dma_wait3A_93 = arith.constant 0 : i32
    %dma_wait3A_94 = arith.constant 0 : i32
    %dma_wait3A_95 = tpu.memref_slice %arg2[%dma_wait3A_93, %dma_wait3A_94] : memref<1024x1024xf32, #tpu.memory_space<hbm>> -> memref<1024x1024xf32, #tpu.memory_space<hbm>>
    tpu.wait_indirect_dma semaphore(%arg16 : memref<!tpu.dma_semaphore, #tpu.memory_space<semaphore_mem>>) src(%dma_wait3A_95 : memref<1024x1024xf32, #tpu.memory_space<hbm>>) dst(%arg9 : memref<16x1024xf32, #tpu.memory_space<vmem>>)
    %dma_wait3A_96 = arith.constant 0 : i32
    %dma_wait3A_97 = tpu.memref_slice %arg4[%add3A_44, %dma_wait3A_96] : memref<16384x1024xf32, #tpu.memory_space<hbm>> -> memref<16x1024xf32, #tpu.memory_space<hbm>>
    %dma_wait3A_98 = arith.constant 0 : i32
    %dma_wait3A_99 = tpu.memref_slice %arg4[%add3A_44, %dma_wait3A_98] : memref<16384x1024xf32, #tpu.memory_space<hbm>> -> memref<16x1024xf32, #tpu.memory_space<hbm>>
    tpu.wait_dma2 semaphore(%arg20 : memref<!tpu.dma_semaphore, #tpu.memory_space<semaphore_mem>>) src(%arg6 : memref<16x1024xf32, #tpu.memory_space<vmem>>) dst(%dma_wait3A_99 : memref<16x1024xf32, #tpu.memory_space<hbm>>)
    %dma_start3A_100 = arith.constant 7 : i32
    %dma_start3A_101 = arith.constant 0 : i32
    %dma_start3A_102 = tpu.memref_slice %arg5[%dma_start3A_100, %dma_start3A_101] : memref<32x16xi32, #tpu.memory_space<vmem>> -> memref<1x16xi32, #tpu.memory_space<vmem>>
    %dma_start3A_103 = tpu.memref_squeeze %dma_start3A_102 : memref<1x16xi32, #tpu.memory_space<vmem>> -> memref<16xi32, #tpu.memory_space<vmem>>
    %dma_start3A_104 = arith.constant 0 : i32
    %dma_start3A_105 = arith.constant 0 : i32
    %dma_start3A_106 = tpu.memref_slice %arg2[%dma_start3A_104, %dma_start3A_105] : memref<1024x1024xf32, #tpu.memory_space<hbm>> -> memref<1024x1024xf32, #tpu.memory_space<hbm>>
    tpu.enqueue_indirect_dma source(%dma_start3A_106 : memref<1024x1024xf32, #tpu.memory_space<hbm>>) target(%arg6 : memref<16x1024xf32, #tpu.memory_space<vmem>>) offsets(%dma_start3A_103 : memref<16xi32, #tpu.memory_space<vmem>>) semaphore(%arg13 : memref<!tpu.dma_semaphore, #tpu.memory_space<semaphore_mem>>)
    %add3A_107 = arith.constant 48 : i32
    %add3A_108 = arith.addi %mul3A_2, %add3A_107 : i32
    %dma_start3A_109 = arith.constant 0 : i32
    %dma_start3A_110 = tpu.memref_slice %arg4[%add3A_108, %dma_start3A_109] : memref<16384x1024xf32, #tpu.memory_space<hbm>> -> memref<16x1024xf32, #tpu.memory_space<hbm>>
    %dma_start3A_111 = arith.constant 0 : i32
    %dma_start3A_112 = tpu.memref_slice %arg4[%add3A_108, %dma_start3A_111] : memref<16384x1024xf32, #tpu.memory_space<hbm>> -> memref<16x1024xf32, #tpu.memory_space<hbm>>
    tpu.enqueue_dma source(%arg9 : memref<16x1024xf32, #tpu.memory_space<vmem>>) target(%dma_start3A_112 : memref<16x1024xf32, #tpu.memory_space<hbm>>) target_semaphore(%arg23 : memref<!tpu.dma_semaphore, #tpu.memory_space<semaphore_mem>>)
    %dma_wait3A_113 = arith.constant 4 : i32
    %dma_wait3A_114 = arith.constant 0 : i32
    %dma_wait3A_115 = tpu.memref_slice %arg5[%dma_wait3A_113, %dma_wait3A_114] : memref<32x16xi32, #tpu.memory_space<vmem>> -> memref<1x16xi32, #tpu.memory_space<vmem>>
    %dma_wait3A_116 = tpu.memref_squeeze %dma_wait3A_115 : memref<1x16xi32, #tpu.memory_space<vmem>> -> memref<16xi32, #tpu.memory_space<vmem>>
    %dma_wait3A_117 = arith.constant 0 : i32
    %dma_wait3A_118 = arith.constant 0 : i32
    %dma_wait3A_119 = tpu.memref_slice %arg2[%dma_wait3A_117, %dma_wait3A_118] : memref<1024x1024xf32, #tpu.memory_space<hbm>> -> memref<1024x1024xf32, #tpu.memory_space<hbm>>
    tpu.wait_indirect_dma semaphore(%arg17 : memref<!tpu.dma_semaphore, #tpu.memory_space<semaphore_mem>>) src(%dma_wait3A_119 : memref<1024x1024xf32, #tpu.memory_space<hbm>>) dst(%arg10 : memref<16x1024xf32, #tpu.memory_space<vmem>>)
    %dma_wait3A_120 = arith.constant 0 : i32
    %dma_wait3A_121 = tpu.memref_slice %arg4[%add3A_64, %dma_wait3A_120] : memref<16384x1024xf32, #tpu.memory_space<hbm>> -> memref<16x1024xf32, #tpu.memory_space<hbm>>
    %dma_wait3A_122 = arith.constant 0 : i32
    %dma_wait3A_123 = tpu.memref_slice %arg4[%add3A_64, %dma_wait3A_122] : memref<16384x1024xf32, #tpu.memory_space<hbm>> -> memref<16x1024xf32, #tpu.memory_space<hbm>>
    tpu.wait_dma2 semaphore(%arg21 : memref<!tpu.dma_semaphore, #tpu.memory_space<semaphore_mem>>) src(%arg7 : memref<16x1024xf32, #tpu.memory_space<vmem>>) dst(%dma_wait3A_123 : memref<16x1024xf32, #tpu.memory_space<hbm>>)
    %dma_start3A_124 = arith.constant 8 : i32
    %dma_start3A_125 = arith.constant 0 : i32
    %dma_start3A_126 = tpu.memref_slice %arg5[%dma_start3A_124, %dma_start3A_125] : memref<32x16xi32, #tpu.memory_space<vmem>> -> memref<1x16xi32, #tpu.memory_space<vmem>>
    %dma_start3A_127 = tpu.memref_squeeze %dma_start3A_126 : memref<1x16xi32, #tpu.memory_space<vmem>> -> memref<16xi32, #tpu.memory_space<vmem>>
    %dma_start3A_128 = arith.constant 0 : i32
    %dma_start3A_129 = arith.constant 0 : i32
    %dma_start3A_130 = tpu.memref_slice %arg2[%dma_start3A_128, %dma_start3A_129] : memref<1024x1024xf32, #tpu.memory_space<hbm>> -> memref<1024x1024xf32, #tpu.memory_space<hbm>>
    tpu.enqueue_indirect_dma source(%dma_start3A_130 : memref<1024x1024xf32, #tpu.memory_space<hbm>>) target(%arg7 : memref<16x1024xf32, #tpu.memory_space<vmem>>) offsets(%dma_start3A_127 : memref<16xi32, #tpu.memory_space<vmem>>) semaphore(%arg14 : memref<!tpu.dma_semaphore, #tpu.memory_space<semaphore_mem>>)
    %add3A_131 = arith.constant 64 : i32
    %add3A_132 = arith.addi %mul3A_2, %add3A_131 : i32
    %dma_start3A_133 = arith.constant 0 : i32
    %dma_start3A_134 = tpu.memref_slice %arg4[%add3A_132, %dma_start3A_133] : memref<16384x1024xf32, #tpu.memory_space<hbm>> -> memref<16x1024xf32, #tpu.memory_space<hbm>>
    %dma_start3A_135 = arith.constant 0 : i32
    %dma_start3A_136 = tpu.memref_slice %arg4[%add3A_132, %dma_start3A_135] : memref<16384x1024xf32, #tpu.memory_space<hbm>> -> memref<16x1024xf32, #tpu.memory_space<hbm>>
    tpu.enqueue_dma source(%arg10 : memref<16x1024xf32, #tpu.memory_space<vmem>>) target(%dma_start3A_136 : memref<16x1024xf32, #tpu.memory_space<hbm>>) target_semaphore(%arg24 : memref<!tpu.dma_semaphore, #tpu.memory_space<semaphore_mem>>)
    %dma_wait3A_137 = arith.constant 5 : i32
    %dma_wait3A_138 = arith.constant 0 : i32
    %dma_wait3A_139 = tpu.memref_slice %arg5[%dma_wait3A_137, %dma_wait3A_138] : memref<32x16xi32, #tpu.memory_space<vmem>> -> memref<1x16xi32, #tpu.memory_space<vmem>>
    %dma_wait3A_140 = tpu.memref_squeeze %dma_wait3A_139 : memref<1x16xi32, #tpu.memory_space<vmem>> -> memref<16xi32, #tpu.memory_space<vmem>>
    %dma_wait3A_141 = arith.constant 0 : i32
    %dma_wait3A_142 = arith.constant 0 : i32
    %dma_wait3A_143 = tpu.memref_slice %arg2[%dma_wait3A_141, %dma_wait3A_142] : memref<1024x1024xf32, #tpu.memory_space<hbm>> -> memref<1024x1024xf32, #tpu.memory_space<hbm>>
    tpu.wait_indirect_dma semaphore(%arg18 : memref<!tpu.dma_semaphore, #tpu.memory_space<semaphore_mem>>) src(%dma_wait3A_143 : memref<1024x1024xf32, #tpu.memory_space<hbm>>) dst(%arg11 : memref<16x1024xf32, #tpu.memory_space<vmem>>)
    %dma_wait3A_144 = arith.constant 0 : i32
    %dma_wait3A_145 = tpu.memref_slice %arg4[%add3A_84, %dma_wait3A_144] : memref<16384x1024xf32, #tpu.memory_space<hbm>> -> memref<16x1024xf32, #tpu.memory_space<hbm>>
    %dma_wait3A_146 = arith.constant 0 : i32
    %dma_wait3A_147 = tpu.memref_slice %arg4[%add3A_84, %dma_wait3A_146] : memref<16384x1024xf32, #tpu.memory_space<hbm>> -> memref<16x1024xf32, #tpu.memory_space<hbm>>
    tpu.wait_dma2 semaphore(%arg22 : memref<!tpu.dma_semaphore, #tpu.memory_space<semaphore_mem>>) src(%arg8 : memref<16x1024xf32, #tpu.memory_space<vmem>>) dst(%dma_wait3A_147 : memref<16x1024xf32, #tpu.memory_space<hbm>>)
    %dma_start3A_148 = arith.constant 9 : i32
    %dma_start3A_149 = arith.constant 0 : i32
    %dma_start3A_150 = tpu.memref_slice %arg5[%dma_start3A_148, %dma_start3A_149] : memref<32x16xi32, #tpu.memory_space<vmem>> -> memref<1x16xi32, #tpu.memory_space<vmem>>
    %dma_start3A_151 = tpu.memref_squeeze %dma_start3A_150 : memref<1x16xi32, #tpu.memory_space<vmem>> -> memref<16xi32, #tpu.memory_space<vmem>>
    %dma_start3A_152 = arith.constant 0 : i32
    %dma_start3A_153 = arith.constant 0 : i32
    %dma_start3A_154 = tpu.memref_slice %arg2[%dma_start3A_152, %dma_start3A_153] : memref<1024x1024xf32, #tpu.memory_space<hbm>> -> memref<1024x1024xf32, #tpu.memory_space<hbm>>
    tpu.enqueue_indirect_dma source(%dma_start3A_154 : memref<1024x1024xf32, #tpu.memory_space<hbm>>) target(%arg8 : memref<16x1024xf32, #tpu.memory_space<vmem>>) offsets(%dma_start3A_151 : memref<16xi32, #tpu.memory_space<vmem>>) semaphore(%arg15 : memref<!tpu.dma_semaphore, #tpu.memory_space<semaphore_mem>>)
    %add3A_155 = arith.constant 80 : i32
    %add3A_156 = arith.addi %mul3A_2, %add3A_155 : i32
    %dma_start3A_157 = arith.constant 0 : i32
    %dma_start3A_158 = tpu.memref_slice %arg4[%add3A_156, %dma_start3A_157] : memref<16384x1024xf32, #tpu.memory_space<hbm>> -> memref<16x1024xf32, #tpu.memory_space<hbm>>
    %dma_start3A_159 = arith.constant 0 : i32
    %dma_start3A_160 = tpu.memref_slice %arg4[%add3A_156, %dma_start3A_159] : memref<16384x1024xf32, #tpu.memory_space<hbm>> -> memref<16x1024xf32, #tpu.memory_space<hbm>>
    tpu.enqueue_dma source(%arg11 : memref<16x1024xf32, #tpu.memory_space<vmem>>) target(%dma_start3A_160 : memref<16x1024xf32, #tpu.memory_space<hbm>>) target_semaphore(%arg25 : memref<!tpu.dma_semaphore, #tpu.memory_space<semaphore_mem>>)
    %dma_wait3A_161 = arith.constant 6 : i32
    %dma_wait3A_162 = arith.constant 0 : i32
    %dma_wait3A_163 = tpu.memref_slice %arg5[%dma_wait3A_161, %dma_wait3A_162] : memref<32x16xi32, #tpu.memory_space<vmem>> -> memref<1x16xi32, #tpu.memory_space<vmem>>
    %dma_wait3A_164 = tpu.memref_squeeze %dma_wait3A_163 : memref<1x16xi32, #tpu.memory_space<vmem>> -> memref<16xi32, #tpu.memory_space<vmem>>
    %dma_wait3A_165 = arith.constant 0 : i32
    %dma_wait3A_166 = arith.constant 0 : i32
    %dma_wait3A_167 = tpu.memref_slice %arg2[%dma_wait3A_165, %dma_wait3A_166] : memref<1024x1024xf32, #tpu.memory_space<hbm>> -> memref<1024x1024xf32, #tpu.memory_space<hbm>>
    tpu.wait_indirect_dma semaphore(%arg19 : memref<!tpu.dma_semaphore, #tpu.memory_space<semaphore_mem>>) src(%dma_wait3A_167 : memref<1024x1024xf32, #tpu.memory_space<hbm>>) dst(%arg12 : memref<16x1024xf32, #tpu.memory_space<vmem>>)
    %dma_wait3A_168 = arith.constant 0 : i32
    %dma_wait3A_169 = tpu.memref_slice %arg4[%add3A_108, %dma_wait3A_168] : memref<16384x1024xf32, #tpu.memory_space<hbm>> -> memref<16x1024xf32, #tpu.memory_space<hbm>>
    %dma_wait3A_170 = arith.constant 0 : i32
    %dma_wait3A_171 = tpu.memref_slice %arg4[%add3A_108, %dma_wait3A_170] : memref<16384x1024xf32, #tpu.memory_space<hbm>> -> memref<16x1024xf32, #tpu.memory_space<hbm>>
    tpu.wait_dma2 semaphore(%arg23 : memref<!tpu.dma_semaphore, #tpu.memory_space<semaphore_mem>>) src(%arg9 : memref<16x1024xf32, #tpu.memory_space<vmem>>) dst(%dma_wait3A_171 : memref<16x1024xf32, #tpu.memory_space<hbm>>)
    %dma_start3A_172 = arith.constant 10 : i32
    %dma_start3A_173 = arith.constant 0 : i32
    %dma_start3A_174 = tpu.memref_slice %arg5[%dma_start3A_172, %dma_start3A_173] : memref<32x16xi32, #tpu.memory_space<vmem>> -> memref<1x16xi32, #tpu.memory_space<vmem>>
    %dma_start3A_175 = tpu.memref_squeeze %dma_start3A_174 : memref<1x16xi32, #tpu.memory_space<vmem>> -> memref<16xi32, #tpu.memory_space<vmem>>
    %dma_start3A_176 = arith.constant 0 : i32
    %dma_start3A_177 = arith.constant 0 : i32
    %dma_start3A_178 = tpu.memref_slice %arg2[%dma_start3A_176, %dma_start3A_177] : memref<1024x1024xf32, #tpu.memory_space<hbm>> -> memref<1024x1024xf32, #tpu.memory_space<hbm>>
    tpu.enqueue_indirect_dma source(%dma_start3A_178 : memref<1024x1024xf32, #tpu.memory_space<hbm>>) target(%arg9 : memref<16x1024xf32, #tpu.memory_space<vmem>>) offsets(%dma_start3A_175 : memref<16xi32, #tpu.memory_space<vmem>>) semaphore(%arg16 : memref<!tpu.dma_semaphore, #tpu.memory_space<semaphore_mem>>)
    %add3A_179 = arith.constant 96 : i32
    %add3A_180 = arith.addi %mul3A_2, %add3A_179 : i32
    %dma_start3A_181 = arith.constant 0 : i32
    %dma_start3A_182 = tpu.memref_slice %arg4[%add3A_180, %dma_start3A_181] : memref<16384x1024xf32, #tpu.memory_space<hbm>> -> memref<16x1024xf32, #tpu.memory_space<hbm>>
    %dma_start3A_183 = arith.constant 0 : i32
    %dma_start3A_184 = tpu.memref_slice %arg4[%add3A_180, %dma_start3A_183] : memref<16384x1024xf32, #tpu.memory_space<hbm>> -> memref<16x1024xf32, #tpu.memory_space<hbm>>
    tpu.enqueue_dma source(%arg12 : memref<16x1024xf32, #tpu.memory_space<vmem>>) target(%dma_start3A_184 : memref<16x1024xf32, #tpu.memory_space<hbm>>) target_semaphore(%arg26 : memref<!tpu.dma_semaphore, #tpu.memory_space<semaphore_mem>>)
    %dma_wait3A_185 = arith.constant 7 : i32
    %dma_wait3A_186 = arith.constant 0 : i32
    %dma_wait3A_187 = tpu.memref_slice %arg5[%dma_wait3A_185, %dma_wait3A_186] : memref<32x16xi32, #tpu.memory_space<vmem>> -> memref<1x16xi32, #tpu.memory_space<vmem>>
    %dma_wait3A_188 = tpu.memref_squeeze %dma_wait3A_187 : memref<1x16xi32, #tpu.memory_space<vmem>> -> memref<16xi32, #tpu.memory_space<vmem>>
    %dma_wait3A_189 = arith.constant 0 : i32
    %dma_wait3A_190 = arith.constant 0 : i32
    %dma_wait3A_191 = tpu.memref_slice %arg2[%dma_wait3A_189, %dma_wait3A_190] : memref<1024x1024xf32, #tpu.memory_space<hbm>> -> memref<1024x1024xf32, #tpu.memory_space<hbm>>
    tpu.wait_indirect_dma semaphore(%arg13 : memref<!tpu.dma_semaphore, #tpu.memory_space<semaphore_mem>>) src(%dma_wait3A_191 : memref<1024x1024xf32, #tpu.memory_space<hbm>>) dst(%arg6 : memref<16x1024xf32, #tpu.memory_space<vmem>>)
    %dma_wait3A_192 = arith.constant 0 : i32
    %dma_wait3A_193 = tpu.memref_slice %arg4[%add3A_132, %dma_wait3A_192] : memref<16384x1024xf32, #tpu.memory_space<hbm>> -> memref<16x1024xf32, #tpu.memory_space<hbm>>
    %dma_wait3A_194 = arith.constant 0 : i32
    %dma_wait3A_195 = tpu.memref_slice %arg4[%add3A_132, %dma_wait3A_194] : memref<16384x1024xf32, #tpu.memory_space<hbm>> -> memref<16x1024xf32, #tpu.memory_space<hbm>>
    tpu.wait_dma2 semaphore(%arg24 : memref<!tpu.dma_semaphore, #tpu.memory_space<semaphore_mem>>) src(%arg10 : memref<16x1024xf32, #tpu.memory_space<vmem>>) dst(%dma_wait3A_195 : memref<16x1024xf32, #tpu.memory_space<hbm>>)
    %dma_start3A_196 = arith.constant 11 : i32
    %dma_start3A_197 = arith.constant 0 : i32
    %dma_start3A_198 = tpu.memref_slice %arg5[%dma_start3A_196, %dma_start3A_197] : memref<32x16xi32, #tpu.memory_space<vmem>> -> memref<1x16xi32, #tpu.memory_space<vmem>>
    %dma_start3A_199 = tpu.memref_squeeze %dma_start3A_198 : memref<1x16xi32, #tpu.memory_space<vmem>> -> memref<16xi32, #tpu.memory_space<vmem>>
    %dma_start3A_200 = arith.constant 0 : i32
    %dma_start3A_201 = arith.constant 0 : i32
    %dma_start3A_202 = tpu.memref_slice %arg2[%dma_start3A_200, %dma_start3A_201] : memref<1024x1024xf32, #tpu.memory_space<hbm>> -> memref<1024x1024xf32, #tpu.memory_space<hbm>>
    tpu.enqueue_indirect_dma source(%dma_start3A_202 : memref<1024x1024xf32, #tpu.memory_space<hbm>>) target(%arg10 : memref<16x1024xf32, #tpu.memory_space<vmem>>) offsets(%dma_start3A_199 : memref<16xi32, #tpu.memory_space<vmem>>) semaphore(%arg17 : memref<!tpu.dma_semaphore, #tpu.memory_space<semaphore_mem>>)
    %add3A_203 = arith.constant 112 : i32
    %add3A_204 = arith.addi %mul3A_2, %add3A_203 : i32
    %dma_start3A_205 = arith.constant 0 : i32
    %dma_start3A_206 = tpu.memref_slice %arg4[%add3A_204, %dma_start3A_205] : memref<16384x1024xf32, #tpu.memory_space<hbm>> -> memref<16x1024xf32, #tpu.memory_space<hbm>>
    %dma_start3A_207 = arith.constant 0 : i32
    %dma_start3A_208 = tpu.memref_slice %arg4[%add3A_204, %dma_start3A_207] : memref<16384x1024xf32, #tpu.memory_space<hbm>> -> memref<16x1024xf32, #tpu.memory_space<hbm>>
    tpu.enqueue_dma source(%arg6 : memref<16x1024xf32, #tpu.memory_space<vmem>>) target(%dma_start3A_208 : memref<16x1024xf32, #tpu.memory_space<hbm>>) target_semaphore(%arg20 : memref<!tpu.dma_semaphore, #tpu.memory_space<semaphore_mem>>)
    %dma_wait3A_209 = arith.constant 8 : i32
    %dma_wait3A_210 = arith.constant 0 : i32
    %dma_wait3A_211 = tpu.memref_slice %arg5[%dma_wait3A_209, %dma_wait3A_210] : memref<32x16xi32, #tpu.memory_space<vmem>> -> memref<1x16xi32, #tpu.memory_space<vmem>>
    %dma_wait3A_212 = tpu.memref_squeeze %dma_wait3A_211 : memref<1x16xi32, #tpu.memory_space<vmem>> -> memref<16xi32, #tpu.memory_space<vmem>>
    %dma_wait3A_213 = arith.constant 0 : i32
    %dma_wait3A_214 = arith.constant 0 : i32
    %dma_wait3A_215 = tpu.memref_slice %arg2[%dma_wait3A_213, %dma_wait3A_214] : memref<1024x1024xf32, #tpu.memory_space<hbm>> -> memref<1024x1024xf32, #tpu.memory_space<hbm>>
    tpu.wait_indirect_dma semaphore(%arg14 : memref<!tpu.dma_semaphore, #tpu.memory_space<semaphore_mem>>) src(%dma_wait3A_215 : memref<1024x1024xf32, #tpu.memory_space<hbm>>) dst(%arg7 : memref<16x1024xf32, #tpu.memory_space<vmem>>)
    %dma_wait3A_216 = arith.constant 0 : i32
    %dma_wait3A_217 = tpu.memref_slice %arg4[%add3A_156, %dma_wait3A_216] : memref<16384x1024xf32, #tpu.memory_space<hbm>> -> memref<16x1024xf32, #tpu.memory_space<hbm>>
    %dma_wait3A_218 = arith.constant 0 : i32
    %dma_wait3A_219 = tpu.memref_slice %arg4[%add3A_156, %dma_wait3A_218] : memref<16384x1024xf32, #tpu.memory_space<hbm>> -> memref<16x1024xf32, #tpu.memory_space<hbm>>
    tpu.wait_dma2 semaphore(%arg25 : memref<!tpu.dma_semaphore, #tpu.memory_space<semaphore_mem>>) src(%arg11 : memref<16x1024xf32, #tpu.memory_space<vmem>>) dst(%dma_wait3A_219 : memref<16x1024xf32, #tpu.memory_space<hbm>>)
    %dma_start3A_220 = arith.constant 12 : i32
    %dma_start3A_221 = arith.constant 0 : i32
    %dma_start3A_222 = tpu.memref_slice %arg5[%dma_start3A_220, %dma_start3A_221] : memref<32x16xi32, #tpu.memory_space<vmem>> -> memref<1x16xi32, #tpu.memory_space<vmem>>
    %dma_start3A_223 = tpu.memref_squeeze %dma_start3A_222 : memref<1x16xi32, #tpu.memory_space<vmem>> -> memref<16xi32, #tpu.memory_space<vmem>>
    %dma_start3A_224 = arith.constant 0 : i32
    %dma_start3A_225 = arith.constant 0 : i32
    %dma_start3A_226 = tpu.memref_slice %arg2[%dma_start3A_224, %dma_start3A_225] : memref<1024x1024xf32, #tpu.memory_space<hbm>> -> memref<1024x1024xf32, #tpu.memory_space<hbm>>
    tpu.enqueue_indirect_dma source(%dma_start3A_226 : memref<1024x1024xf32, #tpu.memory_space<hbm>>) target(%arg11 : memref<16x1024xf32, #tpu.memory_space<vmem>>) offsets(%dma_start3A_223 : memref<16xi32, #tpu.memory_space<vmem>>) semaphore(%arg18 : memref<!tpu.dma_semaphore, #tpu.memory_space<semaphore_mem>>)
    %add3A_227 = arith.constant 128 : i32
    %add3A_228 = arith.addi %mul3A_2, %add3A_227 : i32
    %dma_start3A_229 = arith.constant 0 : i32
    %dma_start3A_230 = tpu.memref_slice %arg4[%add3A_228, %dma_start3A_229] : memref<16384x1024xf32, #tpu.memory_space<hbm>> -> memref<16x1024xf32, #tpu.memory_space<hbm>>
    %dma_start3A_231 = arith.constant 0 : i32
    %dma_start3A_232 = tpu.memref_slice %arg4[%add3A_228, %dma_start3A_231] : memref<16384x1024xf32, #tpu.memory_space<hbm>> -> memref<16x1024xf32, #tpu.memory_space<hbm>>
    tpu.enqueue_dma source(%arg7 : memref<16x1024xf32, #tpu.memory_space<vmem>>) target(%dma_start3A_232 : memref<16x1024xf32, #tpu.memory_space<hbm>>) target_semaphore(%arg21 : memref<!tpu.dma_semaphore, #tpu.memory_space<semaphore_mem>>)
    %dma_wait3A_233 = arith.constant 9 : i32
    %dma_wait3A_234 = arith.constant 0 : i32
    %dma_wait3A_235 = tpu.memref_slice %arg5[%dma_wait3A_233, %dma_wait3A_234] : memref<32x16xi32, #tpu.memory_space<vmem>> -> memref<1x16xi32, #tpu.memory_space<vmem>>
    %dma_wait3A_236 = tpu.memref_squeeze %dma_wait3A_235 : memref<1x16xi32, #tpu.memory_space<vmem>> -> memref<16xi32, #tpu.memory_space<vmem>>
    %dma_wait3A_237 = arith.constant 0 : i32
    %dma_wait3A_238 = arith.constant 0 : i32
    %dma_wait3A_239 = tpu.memref_slice %arg2[%dma_wait3A_237, %dma_wait3A_238] : memref<1024x1024xf32, #tpu.memory_space<hbm>> -> memref<1024x1024xf32, #tpu.memory_space<hbm>>
    tpu.wait_indirect_dma semaphore(%arg15 : memref<!tpu.dma_semaphore, #tpu.memory_space<semaphore_mem>>) src(%dma_wait3A_239 : memref<1024x1024xf32, #tpu.memory_space<hbm>>) dst(%arg8 : memref<16x1024xf32, #tpu.memory_space<vmem>>)
    %dma_wait3A_240 = arith.constant 0 : i32
    %dma_wait3A_241 = tpu.memref_slice %arg4[%add3A_180, %dma_wait3A_240] : memref<16384x1024xf32, #tpu.memory_space<hbm>> -> memref<16x1024xf32, #tpu.memory_space<hbm>>
    %dma_wait3A_242 = arith.constant 0 : i32
    %dma_wait3A_243 = tpu.memref_slice %arg4[%add3A_180, %dma_wait3A_242] : memref<16384x1024xf32, #tpu.memory_space<hbm>> -> memref<16x1024xf32, #tpu.memory_space<hbm>>
    tpu.wait_dma2 semaphore(%arg26 : memref<!tpu.dma_semaphore, #tpu.memory_space<semaphore_mem>>) src(%arg12 : memref<16x1024xf32, #tpu.memory_space<vmem>>) dst(%dma_wait3A_243 : memref<16x1024xf32, #tpu.memory_space<hbm>>)
    %dma_start3A_244 = arith.constant 13 : i32
    %dma_start3A_245 = arith.constant 0 : i32
    %dma_start3A_246 = tpu.memref_slice %arg5[%dma_start3A_244, %dma_start3A_245] : memref<32x16xi32, #tpu.memory_space<vmem>> -> memref<1x16xi32, #tpu.memory_space<vmem>>
    %dma_start3A_247 = tpu.memref_squeeze %dma_start3A_246 : memref<1x16xi32, #tpu.memory_space<vmem>> -> memref<16xi32, #tpu.memory_space<vmem>>
    %dma_start3A_248 = arith.constant 0 : i32
    %dma_start3A_249 = arith.constant 0 : i32
    %dma_start3A_250 = tpu.memref_slice %arg2[%dma_start3A_248, %dma_start3A_249] : memref<1024x1024xf32, #tpu.memory_space<hbm>> -> memref<1024x1024xf32, #tpu.memory_space<hbm>>
    tpu.enqueue_indirect_dma source(%dma_start3A_250 : memref<1024x1024xf32, #tpu.memory_space<hbm>>) target(%arg12 : memref<16x1024xf32, #tpu.memory_space<vmem>>) offsets(%dma_start3A_247 : memref<16xi32, #tpu.memory_space<vmem>>) semaphore(%arg19 : memref<!tpu.dma_semaphore, #tpu.memory_space<semaphore_mem>>)
    %add3A_251 = arith.constant 144 : i32
    %add3A_252 = arith.addi %mul3A_2, %add3A_251 : i32
    %dma_start3A_253 = arith.constant 0 : i32
    %dma_start3A_254 = tpu.memref_slice %arg4[%add3A_252, %dma_start3A_253] : memref<16384x1024xf32, #tpu.memory_space<hbm>> -> memref<16x1024xf32, #tpu.memory_space<hbm>>
    %dma_start3A_255 = arith.constant 0 : i32
    %dma_start3A_256 = tpu.memref_slice %arg4[%add3A_252, %dma_start3A_255] : memref<16384x1024xf32, #tpu.memory_space<hbm>> -> memref<16x1024xf32, #tpu.memory_space<hbm>>
    tpu.enqueue_dma source(%arg8 : memref<16x1024xf32, #tpu.memory_space<vmem>>) target(%dma_start3A_256 : memref<16x1024xf32, #tpu.memory_space<hbm>>) target_semaphore(%arg22 : memref<!tpu.dma_semaphore, #tpu.memory_space<semaphore_mem>>)
    %dma_wait3A_257 = arith.constant 10 : i32
    %dma_wait3A_258 = arith.constant 0 : i32
    %dma_wait3A_259 = tpu.memref_slice %arg5[%dma_wait3A_257, %dma_wait3A_258] : memref<32x16xi32, #tpu.memory_space<vmem>> -> memref<1x16xi32, #tpu.memory_space<vmem>>
    %dma_wait3A_260 = tpu.memref_squeeze %dma_wait3A_259 : memref<1x16xi32, #tpu.memory_space<vmem>> -> memref<16xi32, #tpu.memory_space<vmem>>
    %dma_wait3A_261 = arith.constant 0 : i32
    %dma_wait3A_262 = arith.constant 0 : i32
    %dma_wait3A_263 = tpu.memref_slice %arg2[%dma_wait3A_261, %dma_wait3A_262] : memref<1024x1024xf32, #tpu.memory_space<hbm>> -> memref<1024x1024xf32, #tpu.memory_space<hbm>>
    tpu.wait_indirect_dma semaphore(%arg16 : memref<!tpu.dma_semaphore, #tpu.memory_space<semaphore_mem>>) src(%dma_wait3A_263 : memref<1024x1024xf32, #tpu.memory_space<hbm>>) dst(%arg9 : memref<16x1024xf32, #tpu.memory_space<vmem>>)
    %dma_wait3A_264 = arith.constant 0 : i32
    %dma_wait3A_265 = tpu.memref_slice %arg4[%add3A_204, %dma_wait3A_264] : memref<16384x1024xf32, #tpu.memory_space<hbm>> -> memref<16x1024xf32, #tpu.memory_space<hbm>>
    %dma_wait3A_266 = arith.constant 0 : i32
    %dma_wait3A_267 = tpu.memref_slice %arg4[%add3A_204, %dma_wait3A_266] : memref<16384x1024xf32, #tpu.memory_space<hbm>> -> memref<16x1024xf32, #tpu.memory_space<hbm>>
    tpu.wait_dma2 semaphore(%arg20 : memref<!tpu.dma_semaphore, #tpu.memory_space<semaphore_mem>>) src(%arg6 : memref<16x1024xf32, #tpu.memory_space<vmem>>) dst(%dma_wait3A_267 : memref<16x1024xf32, #tpu.memory_space<hbm>>)
    %dma_start3A_268 = arith.constant 14 : i32
    %dma_start3A_269 = arith.constant 0 : i32
    %dma_start3A_270 = tpu.memref_slice %arg5[%dma_start3A_268, %dma_start3A_269] : memref<32x16xi32, #tpu.memory_space<vmem>> -> memref<1x16xi32, #tpu.memory_space<vmem>>
    %dma_start3A_271 = tpu.memref_squeeze %dma_start3A_270 : memref<1x16xi32, #tpu.memory_space<vmem>> -> memref<16xi32, #tpu.memory_space<vmem>>
    %dma_start3A_272 = arith.constant 0 : i32
    %dma_start3A_273 = arith.constant 0 : i32
    %dma_start3A_274 = tpu.memref_slice %arg2[%dma_start3A_272, %dma_start3A_273] : memref<1024x1024xf32, #tpu.memory_space<hbm>> -> memref<1024x1024xf32, #tpu.memory_space<hbm>>
    tpu.enqueue_indirect_dma source(%dma_start3A_274 : memref<1024x1024xf32, #tpu.memory_space<hbm>>) target(%arg6 : memref<16x1024xf32, #tpu.memory_space<vmem>>) offsets(%dma_start3A_271 : memref<16xi32, #tpu.memory_space<vmem>>) semaphore(%arg13 : memref<!tpu.dma_semaphore, #tpu.memory_space<semaphore_mem>>)
    %add3A_275 = arith.constant 160 : i32
    %add3A_276 = arith.addi %mul3A_2, %add3A_275 : i32
    %dma_start3A_277 = arith.constant 0 : i32
    %dma_start3A_278 = tpu.memref_slice %arg4[%add3A_276, %dma_start3A_277] : memref<16384x1024xf32, #tpu.memory_space<hbm>> -> memref<16x1024xf32, #tpu.memory_space<hbm>>
    %dma_start3A_279 = arith.constant 0 : i32
    %dma_start3A_280 = tpu.memref_slice %arg4[%add3A_276, %dma_start3A_279] : memref<16384x1024xf32, #tpu.memory_space<hbm>> -> memref<16x1024xf32, #tpu.memory_space<hbm>>
    tpu.enqueue_dma source(%arg9 : memref<16x1024xf32, #tpu.memory_space<vmem>>) target(%dma_start3A_280 : memref<16x1024xf32, #tpu.memory_space<hbm>>) target_semaphore(%arg23 : memref<!tpu.dma_semaphore, #tpu.memory_space<semaphore_mem>>)
    %dma_wait3A_281 = arith.constant 11 : i32
    %dma_wait3A_282 = arith.constant 0 : i32
    %dma_wait3A_283 = tpu.memref_slice %arg5[%dma_wait3A_281, %dma_wait3A_282] : memref<32x16xi32, #tpu.memory_space<vmem>> -> memref<1x16xi32, #tpu.memory_space<vmem>>
    %dma_wait3A_284 = tpu.memref_squeeze %dma_wait3A_283 : memref<1x16xi32, #tpu.memory_space<vmem>> -> memref<16xi32, #tpu.memory_space<vmem>>
    %dma_wait3A_285 = arith.constant 0 : i32
    %dma_wait3A_286 = arith.constant 0 : i32
    %dma_wait3A_287 = tpu.memref_slice %arg2[%dma_wait3A_285, %dma_wait3A_286] : memref<1024x1024xf32, #tpu.memory_space<hbm>> -> memref<1024x1024xf32, #tpu.memory_space<hbm>>
    tpu.wait_indirect_dma semaphore(%arg17 : memref<!tpu.dma_semaphore, #tpu.memory_space<semaphore_mem>>) src(%dma_wait3A_287 : memref<1024x1024xf32, #tpu.memory_space<hbm>>) dst(%arg10 : memref<16x1024xf32, #tpu.memory_space<vmem>>)
    %dma_wait3A_288 = arith.constant 0 : i32
    %dma_wait3A_289 = tpu.memref_slice %arg4[%add3A_228, %dma_wait3A_288] : memref<16384x1024xf32, #tpu.memory_space<hbm>> -> memref<16x1024xf32, #tpu.memory_space<hbm>>
    %dma_wait3A_290 = arith.constant 0 : i32
    %dma_wait3A_291 = tpu.memref_slice %arg4[%add3A_228, %dma_wait3A_290] : memref<16384x1024xf32, #tpu.memory_space<hbm>> -> memref<16x1024xf32, #tpu.memory_space<hbm>>
    tpu.wait_dma2 semaphore(%arg21 : memref<!tpu.dma_semaphore, #tpu.memory_space<semaphore_mem>>) src(%arg7 : memref<16x1024xf32, #tpu.memory_space<vmem>>) dst(%dma_wait3A_291 : memref<16x1024xf32, #tpu.memory_space<hbm>>)
    %dma_start3A_292 = arith.constant 15 : i32
    %dma_start3A_293 = arith.constant 0 : i32
    %dma_start3A_294 = tpu.memref_slice %arg5[%dma_start3A_292, %dma_start3A_293] : memref<32x16xi32, #tpu.memory_space<vmem>> -> memref<1x16xi32, #tpu.memory_space<vmem>>
    %dma_start3A_295 = tpu.memref_squeeze %dma_start3A_294 : memref<1x16xi32, #tpu.memory_space<vmem>> -> memref<16xi32, #tpu.memory_space<vmem>>
    %dma_start3A_296 = arith.constant 0 : i32
    %dma_start3A_297 = arith.constant 0 : i32
    %dma_start3A_298 = tpu.memref_slice %arg2[%dma_start3A_296, %dma_start3A_297] : memref<1024x1024xf32, #tpu.memory_space<hbm>> -> memref<1024x1024xf32, #tpu.memory_space<hbm>>
    tpu.enqueue_indirect_dma source(%dma_start3A_298 : memref<1024x1024xf32, #tpu.memory_space<hbm>>) target(%arg7 : memref<16x1024xf32, #tpu.memory_space<vmem>>) offsets(%dma_start3A_295 : memref<16xi32, #tpu.memory_space<vmem>>) semaphore(%arg14 : memref<!tpu.dma_semaphore, #tpu.memory_space<semaphore_mem>>)
    %add3A_299 = arith.constant 176 : i32
    %add3A_300 = arith.addi %mul3A_2, %add3A_299 : i32
    %dma_start3A_301 = arith.constant 0 : i32
    %dma_start3A_302 = tpu.memref_slice %arg4[%add3A_300, %dma_start3A_301] : memref<16384x1024xf32, #tpu.memory_space<hbm>> -> memref<16x1024xf32, #tpu.memory_space<hbm>>
    %dma_start3A_303 = arith.constant 0 : i32
    %dma_start3A_304 = tpu.memref_slice %arg4[%add3A_300, %dma_start3A_303] : memref<16384x1024xf32, #tpu.memory_space<hbm>> -> memref<16x1024xf32, #tpu.memory_space<hbm>>
    tpu.enqueue_dma source(%arg10 : memref<16x1024xf32, #tpu.memory_space<vmem>>) target(%dma_start3A_304 : memref<16x1024xf32, #tpu.memory_space<hbm>>) target_semaphore(%arg24 : memref<!tpu.dma_semaphore, #tpu.memory_space<semaphore_mem>>)
    %dma_wait3A_305 = arith.constant 12 : i32
    %dma_wait3A_306 = arith.constant 0 : i32
    %dma_wait3A_307 = tpu.memref_slice %arg5[%dma_wait3A_305, %dma_wait3A_306] : memref<32x16xi32, #tpu.memory_space<vmem>> -> memref<1x16xi32, #tpu.memory_space<vmem>>
    %dma_wait3A_308 = tpu.memref_squeeze %dma_wait3A_307 : memref<1x16xi32, #tpu.memory_space<vmem>> -> memref<16xi32, #tpu.memory_space<vmem>>
    %dma_wait3A_309 = arith.constant 0 : i32
    %dma_wait3A_310 = arith.constant 0 : i32
    %dma_wait3A_311 = tpu.memref_slice %arg2[%dma_wait3A_309, %dma_wait3A_310] : memref<1024x1024xf32, #tpu.memory_space<hbm>> -> memref<1024x1024xf32, #tpu.memory_space<hbm>>
    tpu.wait_indirect_dma semaphore(%arg18 : memref<!tpu.dma_semaphore, #tpu.memory_space<semaphore_mem>>) src(%dma_wait3A_311 : memref<1024x1024xf32, #tpu.memory_space<hbm>>) dst(%arg11 : memref<16x1024xf32, #tpu.memory_space<vmem>>)
    %dma_wait3A_312 = arith.constant 0 : i32
    %dma_wait3A_313 = tpu.memref_slice %arg4[%add3A_252, %dma_wait3A_312] : memref<16384x1024xf32, #tpu.memory_space<hbm>> -> memref<16x1024xf32, #tpu.memory_space<hbm>>
    %dma_wait3A_314 = arith.constant 0 : i32
    %dma_wait3A_315 = tpu.memref_slice %arg4[%add3A_252, %dma_wait3A_314] : memref<16384x1024xf32, #tpu.memory_space<hbm>> -> memref<16x1024xf32, #tpu.memory_space<hbm>>
    tpu.wait_dma2 semaphore(%arg22 : memref<!tpu.dma_semaphore, #tpu.memory_space<semaphore_mem>>) src(%arg8 : memref<16x1024xf32, #tpu.memory_space<vmem>>) dst(%dma_wait3A_315 : memref<16x1024xf32, #tpu.memory_space<hbm>>)
    %dma_start3A_316 = arith.constant 16 : i32
    %dma_start3A_317 = arith.constant 0 : i32
    %dma_start3A_318 = tpu.memref_slice %arg5[%dma_start3A_316, %dma_start3A_317] : memref<32x16xi32, #tpu.memory_space<vmem>> -> memref<1x16xi32, #tpu.memory_space<vmem>>
    %dma_start3A_319 = tpu.memref_squeeze %dma_start3A_318 : memref<1x16xi32, #tpu.memory_space<vmem>> -> memref<16xi32, #tpu.memory_space<vmem>>
    %dma_start3A_320 = arith.constant 0 : i32
    %dma_start3A_321 = arith.constant 0 : i32
    %dma_start3A_322 = tpu.memref_slice %arg2[%dma_start3A_320, %dma_start3A_321] : memref<1024x1024xf32, #tpu.memory_space<hbm>> -> memref<1024x1024xf32, #tpu.memory_space<hbm>>
    tpu.enqueue_indirect_dma source(%dma_start3A_322 : memref<1024x1024xf32, #tpu.memory_space<hbm>>) target(%arg8 : memref<16x1024xf32, #tpu.memory_space<vmem>>) offsets(%dma_start3A_319 : memref<16xi32, #tpu.memory_space<vmem>>) semaphore(%arg15 : memref<!tpu.dma_semaphore, #tpu.memory_space<semaphore_mem>>)
    %add3A_323 = arith.constant 192 : i32
    %add3A_324 = arith.addi %mul3A_2, %add3A_323 : i32
    %dma_start3A_325 = arith.constant 0 : i32
    %dma_start3A_326 = tpu.memref_slice %arg4[%add3A_324, %dma_start3A_325] : memref<16384x1024xf32, #tpu.memory_space<hbm>> -> memref<16x1024xf32, #tpu.memory_space<hbm>>
    %dma_start3A_327 = arith.constant 0 : i32
    %dma_start3A_328 = tpu.memref_slice %arg4[%add3A_324, %dma_start3A_327] : memref<16384x1024xf32, #tpu.memory_space<hbm>> -> memref<16x1024xf32, #tpu.memory_space<hbm>>
    tpu.enqueue_dma source(%arg11 : memref<16x1024xf32, #tpu.memory_space<vmem>>) target(%dma_start3A_328 : memref<16x1024xf32, #tpu.memory_space<hbm>>) target_semaphore(%arg25 : memref<!tpu.dma_semaphore, #tpu.memory_space<semaphore_mem>>)
    %dma_wait3A_329 = arith.constant 13 : i32
    %dma_wait3A_330 = arith.constant 0 : i32
    %dma_wait3A_331 = tpu.memref_slice %arg5[%dma_wait3A_329, %dma_wait3A_330] : memref<32x16xi32, #tpu.memory_space<vmem>> -> memref<1x16xi32, #tpu.memory_space<vmem>>
    %dma_wait3A_332 = tpu.memref_squeeze %dma_wait3A_331 : memref<1x16xi32, #tpu.memory_space<vmem>> -> memref<16xi32, #tpu.memory_space<vmem>>
    %dma_wait3A_333 = arith.constant 0 : i32
    %dma_wait3A_334 = arith.constant 0 : i32
    %dma_wait3A_335 = tpu.memref_slice %arg2[%dma_wait3A_333, %dma_wait3A_334] : memref<1024x1024xf32, #tpu.memory_space<hbm>> -> memref<1024x1024xf32, #tpu.memory_space<hbm>>
    tpu.wait_indirect_dma semaphore(%arg19 : memref<!tpu.dma_semaphore, #tpu.memory_space<semaphore_mem>>) src(%dma_wait3A_335 : memref<1024x1024xf32, #tpu.memory_space<hbm>>) dst(%arg12 : memref<16x1024xf32, #tpu.memory_space<vmem>>)
    %dma_wait3A_336 = arith.constant 0 : i32
    %dma_wait3A_337 = tpu.memref_slice %arg4[%add3A_276, %dma_wait3A_336] : memref<16384x1024xf32, #tpu.memory_space<hbm>> -> memref<16x1024xf32, #tpu.memory_space<hbm>>
    %dma_wait3A_338 = arith.constant 0 : i32
    %dma_wait3A_339 = tpu.memref_slice %arg4[%add3A_276, %dma_wait3A_338] : memref<16384x1024xf32, #tpu.memory_space<hbm>> -> memref<16x1024xf32, #tpu.memory_space<hbm>>
    tpu.wait_dma2 semaphore(%arg23 : memref<!tpu.dma_semaphore, #tpu.memory_space<semaphore_mem>>) src(%arg9 : memref<16x1024xf32, #tpu.memory_space<vmem>>) dst(%dma_wait3A_339 : memref<16x1024xf32, #tpu.memory_space<hbm>>)
    %dma_start3A_340 = arith.constant 17 : i32
    %dma_start3A_341 = arith.constant 0 : i32
    %dma_start3A_342 = tpu.memref_slice %arg5[%dma_start3A_340, %dma_start3A_341] : memref<32x16xi32, #tpu.memory_space<vmem>> -> memref<1x16xi32, #tpu.memory_space<vmem>>
    %dma_start3A_343 = tpu.memref_squeeze %dma_start3A_342 : memref<1x16xi32, #tpu.memory_space<vmem>> -> memref<16xi32, #tpu.memory_space<vmem>>
    %dma_start3A_344 = arith.constant 0 : i32
    %dma_start3A_345 = arith.constant 0 : i32
    %dma_start3A_346 = tpu.memref_slice %arg2[%dma_start3A_344, %dma_start3A_345] : memref<1024x1024xf32, #tpu.memory_space<hbm>> -> memref<1024x1024xf32, #tpu.memory_space<hbm>>
    tpu.enqueue_indirect_dma source(%dma_start3A_346 : memref<1024x1024xf32, #tpu.memory_space<hbm>>) target(%arg9 : memref<16x1024xf32, #tpu.memory_space<vmem>>) offsets(%dma_start3A_343 : memref<16xi32, #tpu.memory_space<vmem>>) semaphore(%arg16 : memref<!tpu.dma_semaphore, #tpu.memory_space<semaphore_mem>>)
    %add3A_347 = arith.constant 208 : i32
    %add3A_348 = arith.addi %mul3A_2, %add3A_347 : i32
    %dma_start3A_349 = arith.constant 0 : i32
    %dma_start3A_350 = tpu.memref_slice %arg4[%add3A_348, %dma_start3A_349] : memref<16384x1024xf32, #tpu.memory_space<hbm>> -> memref<16x1024xf32, #tpu.memory_space<hbm>>
    %dma_start3A_351 = arith.constant 0 : i32
    %dma_start3A_352 = tpu.memref_slice %arg4[%add3A_348, %dma_start3A_351] : memref<16384x1024xf32, #tpu.memory_space<hbm>> -> memref<16x1024xf32, #tpu.memory_space<hbm>>
    tpu.enqueue_dma source(%arg12 : memref<16x1024xf32, #tpu.memory_space<vmem>>) target(%dma_start3A_352 : memref<16x1024xf32, #tpu.memory_space<hbm>>) target_semaphore(%arg26 : memref<!tpu.dma_semaphore, #tpu.memory_space<semaphore_mem>>)
    %dma_wait3A_353 = arith.constant 14 : i32
    %dma_wait3A_354 = arith.constant 0 : i32
    %dma_wait3A_355 = tpu.memref_slice %arg5[%dma_wait3A_353, %dma_wait3A_354] : memref<32x16xi32, #tpu.memory_space<vmem>> -> memref<1x16xi32, #tpu.memory_space<vmem>>
    %dma_wait3A_356 = tpu.memref_squeeze %dma_wait3A_355 : memref<1x16xi32, #tpu.memory_space<vmem>> -> memref<16xi32, #tpu.memory_space<vmem>>
    %dma_wait3A_357 = arith.constant 0 : i32
    %dma_wait3A_358 = arith.constant 0 : i32
    %dma_wait3A_359 = tpu.memref_slice %arg2[%dma_wait3A_357, %dma_wait3A_358] : memref<1024x1024xf32, #tpu.memory_space<hbm>> -> memref<1024x1024xf32, #tpu.memory_space<hbm>>
    tpu.wait_indirect_dma semaphore(%arg13 : memref<!tpu.dma_semaphore, #tpu.memory_space<semaphore_mem>>) src(%dma_wait3A_359 : memref<1024x1024xf32, #tpu.memory_space<hbm>>) dst(%arg6 : memref<16x1024xf32, #tpu.memory_space<vmem>>)
    %dma_wait3A_360 = arith.constant 0 : i32
    %dma_wait3A_361 = tpu.memref_slice %arg4[%add3A_300, %dma_wait3A_360] : memref<16384x1024xf32, #tpu.memory_space<hbm>> -> memref<16x1024xf32, #tpu.memory_space<hbm>>
    %dma_wait3A_362 = arith.constant 0 : i32
    %dma_wait3A_363 = tpu.memref_slice %arg4[%add3A_300, %dma_wait3A_362] : memref<16384x1024xf32, #tpu.memory_space<hbm>> -> memref<16x1024xf32, #tpu.memory_space<hbm>>
    tpu.wait_dma2 semaphore(%arg24 : memref<!tpu.dma_semaphore, #tpu.memory_space<semaphore_mem>>) src(%arg10 : memref<16x1024xf32, #tpu.memory_space<vmem>>) dst(%dma_wait3A_363 : memref<16x1024xf32, #tpu.memory_space<hbm>>)
    %dma_start3A_364 = arith.constant 18 : i32
    %dma_start3A_365 = arith.constant 0 : i32
    %dma_start3A_366 = tpu.memref_slice %arg5[%dma_start3A_364, %dma_start3A_365] : memref<32x16xi32, #tpu.memory_space<vmem>> -> memref<1x16xi32, #tpu.memory_space<vmem>>
    %dma_start3A_367 = tpu.memref_squeeze %dma_start3A_366 : memref<1x16xi32, #tpu.memory_space<vmem>> -> memref<16xi32, #tpu.memory_space<vmem>>
    %dma_start3A_368 = arith.constant 0 : i32
    %dma_start3A_369 = arith.constant 0 : i32
    %dma_start3A_370 = tpu.memref_slice %arg2[%dma_start3A_368, %dma_start3A_369] : memref<1024x1024xf32, #tpu.memory_space<hbm>> -> memref<1024x1024xf32, #tpu.memory_space<hbm>>
    tpu.enqueue_indirect_dma source(%dma_start3A_370 : memref<1024x1024xf32, #tpu.memory_space<hbm>>) target(%arg10 : memref<16x1024xf32, #tpu.memory_space<vmem>>) offsets(%dma_start3A_367 : memref<16xi32, #tpu.memory_space<vmem>>) semaphore(%arg17 : memref<!tpu.dma_semaphore, #tpu.memory_space<semaphore_mem>>)
    %add3A_371 = arith.constant 224 : i32
    %add3A_372 = arith.addi %mul3A_2, %add3A_371 : i32
    %dma_start3A_373 = arith.constant 0 : i32
    %dma_start3A_374 = tpu.memref_slice %arg4[%add3A_372, %dma_start3A_373] : memref<16384x1024xf32, #tpu.memory_space<hbm>> -> memref<16x1024xf32, #tpu.memory_space<hbm>>
    %dma_start3A_375 = arith.constant 0 : i32
    %dma_start3A_376 = tpu.memref_slice %arg4[%add3A_372, %dma_start3A_375] : memref<16384x1024xf32, #tpu.memory_space<hbm>> -> memref<16x1024xf32, #tpu.memory_space<hbm>>
    tpu.enqueue_dma source(%arg6 : memref<16x1024xf32, #tpu.memory_space<vmem>>) target(%dma_start3A_376 : memref<16x1024xf32, #tpu.memory_space<hbm>>) target_semaphore(%arg20 : memref<!tpu.dma_semaphore, #tpu.memory_space<semaphore_mem>>)
    %dma_wait3A_377 = arith.constant 15 : i32
    %dma_wait3A_378 = arith.constant 0 : i32
    %dma_wait3A_379 = tpu.memref_slice %arg5[%dma_wait3A_377, %dma_wait3A_378] : memref<32x16xi32, #tpu.memory_space<vmem>> -> memref<1x16xi32, #tpu.memory_space<vmem>>
    %dma_wait3A_380 = tpu.memref_squeeze %dma_wait3A_379 : memref<1x16xi32, #tpu.memory_space<vmem>> -> memref<16xi32, #tpu.memory_space<vmem>>
    %dma_wait3A_381 = arith.constant 0 : i32
    %dma_wait3A_382 = arith.constant 0 : i32
    %dma_wait3A_383 = tpu.memref_slice %arg2[%dma_wait3A_381, %dma_wait3A_382] : memref<1024x1024xf32, #tpu.memory_space<hbm>> -> memref<1024x1024xf32, #tpu.memory_space<hbm>>
    tpu.wait_indirect_dma semaphore(%arg14 : memref<!tpu.dma_semaphore, #tpu.memory_space<semaphore_mem>>) src(%dma_wait3A_383 : memref<1024x1024xf32, #tpu.memory_space<hbm>>) dst(%arg7 : memref<16x1024xf32, #tpu.memory_space<vmem>>)
    %dma_wait3A_384 = arith.constant 0 : i32
    %dma_wait3A_385 = tpu.memref_slice %arg4[%add3A_324, %dma_wait3A_384] : memref<16384x1024xf32, #tpu.memory_space<hbm>> -> memref<16x1024xf32, #tpu.memory_space<hbm>>
    %dma_wait3A_386 = arith.constant 0 : i32
    %dma_wait3A_387 = tpu.memref_slice %arg4[%add3A_324, %dma_wait3A_386] : memref<16384x1024xf32, #tpu.memory_space<hbm>> -> memref<16x1024xf32, #tpu.memory_space<hbm>>
    tpu.wait_dma2 semaphore(%arg25 : memref<!tpu.dma_semaphore, #tpu.memory_space<semaphore_mem>>) src(%arg11 : memref<16x1024xf32, #tpu.memory_space<vmem>>) dst(%dma_wait3A_387 : memref<16x1024xf32, #tpu.memory_space<hbm>>)
    %dma_start3A_388 = arith.constant 19 : i32
    %dma_start3A_389 = arith.constant 0 : i32
    %dma_start3A_390 = tpu.memref_slice %arg5[%dma_start3A_388, %dma_start3A_389] : memref<32x16xi32, #tpu.memory_space<vmem>> -> memref<1x16xi32, #tpu.memory_space<vmem>>
    %dma_start3A_391 = tpu.memref_squeeze %dma_start3A_390 : memref<1x16xi32, #tpu.memory_space<vmem>> -> memref<16xi32, #tpu.memory_space<vmem>>
    %dma_start3A_392 = arith.constant 0 : i32
    %dma_start3A_393 = arith.constant 0 : i32
    %dma_start3A_394 = tpu.memref_slice %arg2[%dma_start3A_392, %dma_start3A_393] : memref<1024x1024xf32, #tpu.memory_space<hbm>> -> memref<1024x1024xf32, #tpu.memory_space<hbm>>
    tpu.enqueue_indirect_dma source(%dma_start3A_394 : memref<1024x1024xf32, #tpu.memory_space<hbm>>) target(%arg11 : memref<16x1024xf32, #tpu.memory_space<vmem>>) offsets(%dma_start3A_391 : memref<16xi32, #tpu.memory_space<vmem>>) semaphore(%arg18 : memref<!tpu.dma_semaphore, #tpu.memory_space<semaphore_mem>>)
    %add3A_395 = arith.constant 240 : i32
    %add3A_396 = arith.addi %mul3A_2, %add3A_395 : i32
    %dma_start3A_397 = arith.constant 0 : i32
    %dma_start3A_398 = tpu.memref_slice %arg4[%add3A_396, %dma_start3A_397] : memref<16384x1024xf32, #tpu.memory_space<hbm>> -> memref<16x1024xf32, #tpu.memory_space<hbm>>
    %dma_start3A_399 = arith.constant 0 : i32
    %dma_start3A_400 = tpu.memref_slice %arg4[%add3A_396, %dma_start3A_399] : memref<16384x1024xf32, #tpu.memory_space<hbm>> -> memref<16x1024xf32, #tpu.memory_space<hbm>>
    tpu.enqueue_dma source(%arg7 : memref<16x1024xf32, #tpu.memory_space<vmem>>) target(%dma_start3A_400 : memref<16x1024xf32, #tpu.memory_space<hbm>>) target_semaphore(%arg21 : memref<!tpu.dma_semaphore, #tpu.memory_space<semaphore_mem>>)
    %dma_wait3A_401 = arith.constant 16 : i32
    %dma_wait3A_402 = arith.constant 0 : i32
    %dma_wait3A_403 = tpu.memref_slice %arg5[%dma_wait3A_401, %dma_wait3A_402] : memref<32x16xi32, #tpu.memory_space<vmem>> -> memref<1x16xi32, #tpu.memory_space<vmem>>
    %dma_wait3A_404 = tpu.memref_squeeze %dma_wait3A_403 : memref<1x16xi32, #tpu.memory_space<vmem>> -> memref<16xi32, #tpu.memory_space<vmem>>
    %dma_wait3A_405 = arith.constant 0 : i32
    %dma_wait3A_406 = arith.constant 0 : i32
    %dma_wait3A_407 = tpu.memref_slice %arg2[%dma_wait3A_405, %dma_wait3A_406] : memref<1024x1024xf32, #tpu.memory_space<hbm>> -> memref<1024x1024xf32, #tpu.memory_space<hbm>>
    tpu.wait_indirect_dma semaphore(%arg15 : memref<!tpu.dma_semaphore, #tpu.memory_space<semaphore_mem>>) src(%dma_wait3A_407 : memref<1024x1024xf32, #tpu.memory_space<hbm>>) dst(%arg8 : memref<16x1024xf32, #tpu.memory_space<vmem>>)
    %dma_wait3A_408 = arith.constant 0 : i32
    %dma_wait3A_409 = tpu.memref_slice %arg4[%add3A_348, %dma_wait3A_408] : memref<16384x1024xf32, #tpu.memory_space<hbm>> -> memref<16x1024xf32, #tpu.memory_space<hbm>>
    %dma_wait3A_410 = arith.constant 0 : i32
    %dma_wait3A_411 = tpu.memref_slice %arg4[%add3A_348, %dma_wait3A_410] : memref<16384x1024xf32, #tpu.memory_space<hbm>> -> memref<16x1024xf32, #tpu.memory_space<hbm>>
    tpu.wait_dma2 semaphore(%arg26 : memref<!tpu.dma_semaphore, #tpu.memory_space<semaphore_mem>>) src(%arg12 : memref<16x1024xf32, #tpu.memory_space<vmem>>) dst(%dma_wait3A_411 : memref<16x1024xf32, #tpu.memory_space<hbm>>)
    %dma_start3A_412 = arith.constant 20 : i32
    %dma_start3A_413 = arith.constant 0 : i32
    %dma_start3A_414 = tpu.memref_slice %arg5[%dma_start3A_412, %dma_start3A_413] : memref<32x16xi32, #tpu.memory_space<vmem>> -> memref<1x16xi32, #tpu.memory_space<vmem>>
    %dma_start3A_415 = tpu.memref_squeeze %dma_start3A_414 : memref<1x16xi32, #tpu.memory_space<vmem>> -> memref<16xi32, #tpu.memory_space<vmem>>
    %dma_start3A_416 = arith.constant 0 : i32
    %dma_start3A_417 = arith.constant 0 : i32
    %dma_start3A_418 = tpu.memref_slice %arg2[%dma_start3A_416, %dma_start3A_417] : memref<1024x1024xf32, #tpu.memory_space<hbm>> -> memref<1024x1024xf32, #tpu.memory_space<hbm>>
    tpu.enqueue_indirect_dma source(%dma_start3A_418 : memref<1024x1024xf32, #tpu.memory_space<hbm>>) target(%arg12 : memref<16x1024xf32, #tpu.memory_space<vmem>>) offsets(%dma_start3A_415 : memref<16xi32, #tpu.memory_space<vmem>>) semaphore(%arg19 : memref<!tpu.dma_semaphore, #tpu.memory_space<semaphore_mem>>)
    %add3A_419 = arith.constant 256 : i32
    %add3A_420 = arith.addi %mul3A_2, %add3A_419 : i32
    %dma_start3A_421 = arith.constant 0 : i32
    %dma_start3A_422 = tpu.memref_slice %arg4[%add3A_420, %dma_start3A_421] : memref<16384x1024xf32, #tpu.memory_space<hbm>> -> memref<16x1024xf32, #tpu.memory_space<hbm>>
    %dma_start3A_423 = arith.constant 0 : i32
    %dma_start3A_424 = tpu.memref_slice %arg4[%add3A_420, %dma_start3A_423] : memref<16384x1024xf32, #tpu.memory_space<hbm>> -> memref<16x1024xf32, #tpu.memory_space<hbm>>
    tpu.enqueue_dma source(%arg8 : memref<16x1024xf32, #tpu.memory_space<vmem>>) target(%dma_start3A_424 : memref<16x1024xf32, #tpu.memory_space<hbm>>) target_semaphore(%arg22 : memref<!tpu.dma_semaphore, #tpu.memory_space<semaphore_mem>>)
    %dma_wait3A_425 = arith.constant 17 : i32
    %dma_wait3A_426 = arith.constant 0 : i32
    %dma_wait3A_427 = tpu.memref_slice %arg5[%dma_wait3A_425, %dma_wait3A_426] : memref<32x16xi32, #tpu.memory_space<vmem>> -> memref<1x16xi32, #tpu.memory_space<vmem>>
    %dma_wait3A_428 = tpu.memref_squeeze %dma_wait3A_427 : memref<1x16xi32, #tpu.memory_space<vmem>> -> memref<16xi32, #tpu.memory_space<vmem>>
    %dma_wait3A_429 = arith.constant 0 : i32
    %dma_wait3A_430 = arith.constant 0 : i32
    %dma_wait3A_431 = tpu.memref_slice %arg2[%dma_wait3A_429, %dma_wait3A_430] : memref<1024x1024xf32, #tpu.memory_space<hbm>> -> memref<1024x1024xf32, #tpu.memory_space<hbm>>
    tpu.wait_indirect_dma semaphore(%arg16 : memref<!tpu.dma_semaphore, #tpu.memory_space<semaphore_mem>>) src(%dma_wait3A_431 : memref<1024x1024xf32, #tpu.memory_space<hbm>>) dst(%arg9 : memref<16x1024xf32, #tpu.memory_space<vmem>>)
    %dma_wait3A_432 = arith.constant 0 : i32
    %dma_wait3A_433 = tpu.memref_slice %arg4[%add3A_372, %dma_wait3A_432] : memref<16384x1024xf32, #tpu.memory_space<hbm>> -> memref<16x1024xf32, #tpu.memory_space<hbm>>
    %dma_wait3A_434 = arith.constant 0 : i32
    %dma_wait3A_435 = tpu.memref_slice %arg4[%add3A_372, %dma_wait3A_434] : memref<16384x1024xf32, #tpu.memory_space<hbm>> -> memref<16x1024xf32, #tpu.memory_space<hbm>>
    tpu.wait_dma2 semaphore(%arg20 : memref<!tpu.dma_semaphore, #tpu.memory_space<semaphore_mem>>) src(%arg6 : memref<16x1024xf32, #tpu.memory_space<vmem>>) dst(%dma_wait3A_435 : memref<16x1024xf32, #tpu.memory_space<hbm>>)
    %dma_start3A_436 = arith.constant 21 : i32
    %dma_start3A_437 = arith.constant 0 : i32
    %dma_start3A_438 = tpu.memref_slice %arg5[%dma_start3A_436, %dma_start3A_437] : memref<32x16xi32, #tpu.memory_space<vmem>> -> memref<1x16xi32, #tpu.memory_space<vmem>>
    %dma_start3A_439 = tpu.memref_squeeze %dma_start3A_438 : memref<1x16xi32, #tpu.memory_space<vmem>> -> memref<16xi32, #tpu.memory_space<vmem>>
    %dma_start3A_440 = arith.constant 0 : i32
    %dma_start3A_441 = arith.constant 0 : i32
    %dma_start3A_442 = tpu.memref_slice %arg2[%dma_start3A_440, %dma_start3A_441] : memref<1024x1024xf32, #tpu.memory_space<hbm>> -> memref<1024x1024xf32, #tpu.memory_space<hbm>>
    tpu.enqueue_indirect_dma source(%dma_start3A_442 : memref<1024x1024xf32, #tpu.memory_space<hbm>>) target(%arg6 : memref<16x1024xf32, #tpu.memory_space<vmem>>) offsets(%dma_start3A_439 : memref<16xi32, #tpu.memory_space<vmem>>) semaphore(%arg13 : memref<!tpu.dma_semaphore, #tpu.memory_space<semaphore_mem>>)
    %add3A_443 = arith.constant 272 : i32
    %add3A_444 = arith.addi %mul3A_2, %add3A_443 : i32
    %dma_start3A_445 = arith.constant 0 : i32
    %dma_start3A_446 = tpu.memref_slice %arg4[%add3A_444, %dma_start3A_445] : memref<16384x1024xf32, #tpu.memory_space<hbm>> -> memref<16x1024xf32, #tpu.memory_space<hbm>>
    %dma_start3A_447 = arith.constant 0 : i32
    %dma_start3A_448 = tpu.memref_slice %arg4[%add3A_444, %dma_start3A_447] : memref<16384x1024xf32, #tpu.memory_space<hbm>> -> memref<16x1024xf32, #tpu.memory_space<hbm>>
    tpu.enqueue_dma source(%arg9 : memref<16x1024xf32, #tpu.memory_space<vmem>>) target(%dma_start3A_448 : memref<16x1024xf32, #tpu.memory_space<hbm>>) target_semaphore(%arg23 : memref<!tpu.dma_semaphore, #tpu.memory_space<semaphore_mem>>)
    %dma_wait3A_449 = arith.constant 18 : i32
    %dma_wait3A_450 = arith.constant 0 : i32
    %dma_wait3A_451 = tpu.memref_slice %arg5[%dma_wait3A_449, %dma_wait3A_450] : memref<32x16xi32, #tpu.memory_space<vmem>> -> memref<1x16xi32, #tpu.memory_space<vmem>>
    %dma_wait3A_452 = tpu.memref_squeeze %dma_wait3A_451 : memref<1x16xi32, #tpu.memory_space<vmem>> -> memref<16xi32, #tpu.memory_space<vmem>>
    %dma_wait3A_453 = arith.constant 0 : i32
    %dma_wait3A_454 = arith.constant 0 : i32
    %dma_wait3A_455 = tpu.memref_slice %arg2[%dma_wait3A_453, %dma_wait3A_454] : memref<1024x1024xf32, #tpu.memory_space<hbm>> -> memref<1024x1024xf32, #tpu.memory_space<hbm>>
    tpu.wait_indirect_dma semaphore(%arg17 : memref<!tpu.dma_semaphore, #tpu.memory_space<semaphore_mem>>) src(%dma_wait3A_455 : memref<1024x1024xf32, #tpu.memory_space<hbm>>) dst(%arg10 : memref<16x1024xf32, #tpu.memory_space<vmem>>)
    %dma_wait3A_456 = arith.constant 0 : i32
    %dma_wait3A_457 = tpu.memref_slice %arg4[%add3A_396, %dma_wait3A_456] : memref<16384x1024xf32, #tpu.memory_space<hbm>> -> memref<16x1024xf32, #tpu.memory_space<hbm>>
    %dma_wait3A_458 = arith.constant 0 : i32
    %dma_wait3A_459 = tpu.memref_slice %arg4[%add3A_396, %dma_wait3A_458] : memref<16384x1024xf32, #tpu.memory_space<hbm>> -> memref<16x1024xf32, #tpu.memory_space<hbm>>
    tpu.wait_dma2 semaphore(%arg21 : memref<!tpu.dma_semaphore, #tpu.memory_space<semaphore_mem>>) src(%arg7 : memref<16x1024xf32, #tpu.memory_space<vmem>>) dst(%dma_wait3A_459 : memref<16x1024xf32, #tpu.memory_space<hbm>>)
    %dma_start3A_460 = arith.constant 22 : i32
    %dma_start3A_461 = arith.constant 0 : i32
    %dma_start3A_462 = tpu.memref_slice %arg5[%dma_start3A_460, %dma_start3A_461] : memref<32x16xi32, #tpu.memory_space<vmem>> -> memref<1x16xi32, #tpu.memory_space<vmem>>
    %dma_start3A_463 = tpu.memref_squeeze %dma_start3A_462 : memref<1x16xi32, #tpu.memory_space<vmem>> -> memref<16xi32, #tpu.memory_space<vmem>>
    %dma_start3A_464 = arith.constant 0 : i32
    %dma_start3A_465 = arith.constant 0 : i32
    %dma_start3A_466 = tpu.memref_slice %arg2[%dma_start3A_464, %dma_start3A_465] : memref<1024x1024xf32, #tpu.memory_space<hbm>> -> memref<1024x1024xf32, #tpu.memory_space<hbm>>
    tpu.enqueue_indirect_dma source(%dma_start3A_466 : memref<1024x1024xf32, #tpu.memory_space<hbm>>) target(%arg7 : memref<16x1024xf32, #tpu.memory_space<vmem>>) offsets(%dma_start3A_463 : memref<16xi32, #tpu.memory_space<vmem>>) semaphore(%arg14 : memref<!tpu.dma_semaphore, #tpu.memory_space<semaphore_mem>>)
    %add3A_467 = arith.constant 288 : i32
    %add3A_468 = arith.addi %mul3A_2, %add3A_467 : i32
    %dma_start3A_469 = arith.constant 0 : i32
    %dma_start3A_470 = tpu.memref_slice %arg4[%add3A_468, %dma_start3A_469] : memref<16384x1024xf32, #tpu.memory_space<hbm>> -> memref<16x1024xf32, #tpu.memory_space<hbm>>
    %dma_start3A_471 = arith.constant 0 : i32
    %dma_start3A_472 = tpu.memref_slice %arg4[%add3A_468, %dma_start3A_471] : memref<16384x1024xf32, #tpu.memory_space<hbm>> -> memref<16x1024xf32, #tpu.memory_space<hbm>>
    tpu.enqueue_dma source(%arg10 : memref<16x1024xf32, #tpu.memory_space<vmem>>) target(%dma_start3A_472 : memref<16x1024xf32, #tpu.memory_space<hbm>>) target_semaphore(%arg24 : memref<!tpu.dma_semaphore, #tpu.memory_space<semaphore_mem>>)
    %dma_wait3A_473 = arith.constant 19 : i32
    %dma_wait3A_474 = arith.constant 0 : i32
    %dma_wait3A_475 = tpu.memref_slice %arg5[%dma_wait3A_473, %dma_wait3A_474] : memref<32x16xi32, #tpu.memory_space<vmem>> -> memref<1x16xi32, #tpu.memory_space<vmem>>
    %dma_wait3A_476 = tpu.memref_squeeze %dma_wait3A_475 : memref<1x16xi32, #tpu.memory_space<vmem>> -> memref<16xi32, #tpu.memory_space<vmem>>
    %dma_wait3A_477 = arith.constant 0 : i32
    %dma_wait3A_478 = arith.constant 0 : i32
    %dma_wait3A_479 = tpu.memref_slice %arg2[%dma_wait3A_477, %dma_wait3A_478] : memref<1024x1024xf32, #tpu.memory_space<hbm>> -> memref<1024x1024xf32, #tpu.memory_space<hbm>>
    tpu.wait_indirect_dma semaphore(%arg18 : memref<!tpu.dma_semaphore, #tpu.memory_space<semaphore_mem>>) src(%dma_wait3A_479 : memref<1024x1024xf32, #tpu.memory_space<hbm>>) dst(%arg11 : memref<16x1024xf32, #tpu.memory_space<vmem>>)
    %dma_wait3A_480 = arith.constant 0 : i32
    %dma_wait3A_481 = tpu.memref_slice %arg4[%add3A_420, %dma_wait3A_480] : memref<16384x1024xf32, #tpu.memory_space<hbm>> -> memref<16x1024xf32, #tpu.memory_space<hbm>>
    %dma_wait3A_482 = arith.constant 0 : i32
    %dma_wait3A_483 = tpu.memref_slice %arg4[%add3A_420, %dma_wait3A_482] : memref<16384x1024xf32, #tpu.memory_space<hbm>> -> memref<16x1024xf32, #tpu.memory_space<hbm>>
    tpu.wait_dma2 semaphore(%arg22 : memref<!tpu.dma_semaphore, #tpu.memory_space<semaphore_mem>>) src(%arg8 : memref<16x1024xf32, #tpu.memory_space<vmem>>) dst(%dma_wait3A_483 : memref<16x1024xf32, #tpu.memory_space<hbm>>)
    %dma_start3A_484 = arith.constant 23 : i32
    %dma_start3A_485 = arith.constant 0 : i32
    %dma_start3A_486 = tpu.memref_slice %arg5[%dma_start3A_484, %dma_start3A_485] : memref<32x16xi32, #tpu.memory_space<vmem>> -> memref<1x16xi32, #tpu.memory_space<vmem>>
    %dma_start3A_487 = tpu.memref_squeeze %dma_start3A_486 : memref<1x16xi32, #tpu.memory_space<vmem>> -> memref<16xi32, #tpu.memory_space<vmem>>
    %dma_start3A_488 = arith.constant 0 : i32
    %dma_start3A_489 = arith.constant 0 : i32
    %dma_start3A_490 = tpu.memref_slice %arg2[%dma_start3A_488, %dma_start3A_489] : memref<1024x1024xf32, #tpu.memory_space<hbm>> -> memref<1024x1024xf32, #tpu.memory_space<hbm>>
    tpu.enqueue_indirect_dma source(%dma_start3A_490 : memref<1024x1024xf32, #tpu.memory_space<hbm>>) target(%arg8 : memref<16x1024xf32, #tpu.memory_space<vmem>>) offsets(%dma_start3A_487 : memref<16xi32, #tpu.memory_space<vmem>>) semaphore(%arg15 : memref<!tpu.dma_semaphore, #tpu.memory_space<semaphore_mem>>)
    %add3A_491 = arith.constant 304 : i32
    %add3A_492 = arith.addi %mul3A_2, %add3A_491 : i32
    %dma_start3A_493 = arith.constant 0 : i32
    %dma_start3A_494 = tpu.memref_slice %arg4[%add3A_492, %dma_start3A_493] : memref<16384x1024xf32, #tpu.memory_space<hbm>> -> memref<16x1024xf32, #tpu.memory_space<hbm>>
    %dma_start3A_495 = arith.constant 0 : i32
    %dma_start3A_496 = tpu.memref_slice %arg4[%add3A_492, %dma_start3A_495] : memref<16384x1024xf32, #tpu.memory_space<hbm>> -> memref<16x1024xf32, #tpu.memory_space<hbm>>
    tpu.enqueue_dma source(%arg11 : memref<16x1024xf32, #tpu.memory_space<vmem>>) target(%dma_start3A_496 : memref<16x1024xf32, #tpu.memory_space<hbm>>) target_semaphore(%arg25 : memref<!tpu.dma_semaphore, #tpu.memory_space<semaphore_mem>>)
    %dma_wait3A_497 = arith.constant 20 : i32
    %dma_wait3A_498 = arith.constant 0 : i32
    %dma_wait3A_499 = tpu.memref_slice %arg5[%dma_wait3A_497, %dma_wait3A_498] : memref<32x16xi32, #tpu.memory_space<vmem>> -> memref<1x16xi32, #tpu.memory_space<vmem>>
    %dma_wait3A_500 = tpu.memref_squeeze %dma_wait3A_499 : memref<1x16xi32, #tpu.memory_space<vmem>> -> memref<16xi32, #tpu.memory_space<vmem>>
    %dma_wait3A_501 = arith.constant 0 : i32
    %dma_wait3A_502 = arith.constant 0 : i32
    %dma_wait3A_503 = tpu.memref_slice %arg2[%dma_wait3A_501, %dma_wait3A_502] : memref<1024x1024xf32, #tpu.memory_space<hbm>> -> memref<1024x1024xf32, #tpu.memory_space<hbm>>
    tpu.wait_indirect_dma semaphore(%arg19 : memref<!tpu.dma_semaphore, #tpu.memory_space<semaphore_mem>>) src(%dma_wait3A_503 : memref<1024x1024xf32, #tpu.memory_space<hbm>>) dst(%arg12 : memref<16x1024xf32, #tpu.memory_space<vmem>>)
    %dma_wait3A_504 = arith.constant 0 : i32
    %dma_wait3A_505 = tpu.memref_slice %arg4[%add3A_444, %dma_wait3A_504] : memref<16384x1024xf32, #tpu.memory_space<hbm>> -> memref<16x1024xf32, #tpu.memory_space<hbm>>
    %dma_wait3A_506 = arith.constant 0 : i32
    %dma_wait3A_507 = tpu.memref_slice %arg4[%add3A_444, %dma_wait3A_506] : memref<16384x1024xf32, #tpu.memory_space<hbm>> -> memref<16x1024xf32, #tpu.memory_space<hbm>>
    tpu.wait_dma2 semaphore(%arg23 : memref<!tpu.dma_semaphore, #tpu.memory_space<semaphore_mem>>) src(%arg9 : memref<16x1024xf32, #tpu.memory_space<vmem>>) dst(%dma_wait3A_507 : memref<16x1024xf32, #tpu.memory_space<hbm>>)
    %dma_start3A_508 = arith.constant 24 : i32
    %dma_start3A_509 = arith.constant 0 : i32
    %dma_start3A_510 = tpu.memref_slice %arg5[%dma_start3A_508, %dma_start3A_509] : memref<32x16xi32, #tpu.memory_space<vmem>> -> memref<1x16xi32, #tpu.memory_space<vmem>>
    %dma_start3A_511 = tpu.memref_squeeze %dma_start3A_510 : memref<1x16xi32, #tpu.memory_space<vmem>> -> memref<16xi32, #tpu.memory_space<vmem>>
    %dma_start3A_512 = arith.constant 0 : i32
    %dma_start3A_513 = arith.constant 0 : i32
    %dma_start3A_514 = tpu.memref_slice %arg2[%dma_start3A_512, %dma_start3A_513] : memref<1024x1024xf32, #tpu.memory_space<hbm>> -> memref<1024x1024xf32, #tpu.memory_space<hbm>>
    tpu.enqueue_indirect_dma source(%dma_start3A_514 : memref<1024x1024xf32, #tpu.memory_space<hbm>>) target(%arg9 : memref<16x1024xf32, #tpu.memory_space<vmem>>) offsets(%dma_start3A_511 : memref<16xi32, #tpu.memory_space<vmem>>) semaphore(%arg16 : memref<!tpu.dma_semaphore, #tpu.memory_space<semaphore_mem>>)
    %add3A_515 = arith.constant 320 : i32
    %add3A_516 = arith.addi %mul3A_2, %add3A_515 : i32
    %dma_start3A_517 = arith.constant 0 : i32
    %dma_start3A_518 = tpu.memref_slice %arg4[%add3A_516, %dma_start3A_517] : memref<16384x1024xf32, #tpu.memory_space<hbm>> -> memref<16x1024xf32, #tpu.memory_space<hbm>>
    %dma_start3A_519 = arith.constant 0 : i32
    %dma_start3A_520 = tpu.memref_slice %arg4[%add3A_516, %dma_start3A_519] : memref<16384x1024xf32, #tpu.memory_space<hbm>> -> memref<16x1024xf32, #tpu.memory_space<hbm>>
    tpu.enqueue_dma source(%arg12 : memref<16x1024xf32, #tpu.memory_space<vmem>>) target(%dma_start3A_520 : memref<16x1024xf32, #tpu.memory_space<hbm>>) target_semaphore(%arg26 : memref<!tpu.dma_semaphore, #tpu.memory_space<semaphore_mem>>)
    %dma_wait3A_521 = arith.constant 21 : i32
    %dma_wait3A_522 = arith.constant 0 : i32
    %dma_wait3A_523 = tpu.memref_slice %arg5[%dma_wait3A_521, %dma_wait3A_522] : memref<32x16xi32, #tpu.memory_space<vmem>> -> memref<1x16xi32, #tpu.memory_space<vmem>>
    %dma_wait3A_524 = tpu.memref_squeeze %dma_wait3A_523 : memref<1x16xi32, #tpu.memory_space<vmem>> -> memref<16xi32, #tpu.memory_space<vmem>>
    %dma_wait3A_525 = arith.constant 0 : i32
    %dma_wait3A_526 = arith.constant 0 : i32
    %dma_wait3A_527 = tpu.memref_slice %arg2[%dma_wait3A_525, %dma_wait3A_526] : memref<1024x1024xf32, #tpu.memory_space<hbm>> -> memref<1024x1024xf32, #tpu.memory_space<hbm>>
    tpu.wait_indirect_dma semaphore(%arg13 : memref<!tpu.dma_semaphore, #tpu.memory_space<semaphore_mem>>) src(%dma_wait3A_527 : memref<1024x1024xf32, #tpu.memory_space<hbm>>) dst(%arg6 : memref<16x1024xf32, #tpu.memory_space<vmem>>)
    %dma_wait3A_528 = arith.constant 0 : i32
    %dma_wait3A_529 = tpu.memref_slice %arg4[%add3A_468, %dma_wait3A_528] : memref<16384x1024xf32, #tpu.memory_space<hbm>> -> memref<16x1024xf32, #tpu.memory_space<hbm>>
    %dma_wait3A_530 = arith.constant 0 : i32
    %dma_wait3A_531 = tpu.memref_slice %arg4[%add3A_468, %dma_wait3A_530] : memref<16384x1024xf32, #tpu.memory_space<hbm>> -> memref<16x1024xf32, #tpu.memory_space<hbm>>
    tpu.wait_dma2 semaphore(%arg24 : memref<!tpu.dma_semaphore, #tpu.memory_space<semaphore_mem>>) src(%arg10 : memref<16x1024xf32, #tpu.memory_space<vmem>>) dst(%dma_wait3A_531 : memref<16x1024xf32, #tpu.memory_space<hbm>>)
    %dma_start3A_532 = arith.constant 25 : i32
    %dma_start3A_533 = arith.constant 0 : i32
    %dma_start3A_534 = tpu.memref_slice %arg5[%dma_start3A_532, %dma_start3A_533] : memref<32x16xi32, #tpu.memory_space<vmem>> -> memref<1x16xi32, #tpu.memory_space<vmem>>
    %dma_start3A_535 = tpu.memref_squeeze %dma_start3A_534 : memref<1x16xi32, #tpu.memory_space<vmem>> -> memref<16xi32, #tpu.memory_space<vmem>>
    %dma_start3A_536 = arith.constant 0 : i32
    %dma_start3A_537 = arith.constant 0 : i32
    %dma_start3A_538 = tpu.memref_slice %arg2[%dma_start3A_536, %dma_start3A_537] : memref<1024x1024xf32, #tpu.memory_space<hbm>> -> memref<1024x1024xf32, #tpu.memory_space<hbm>>
    tpu.enqueue_indirect_dma source(%dma_start3A_538 : memref<1024x1024xf32, #tpu.memory_space<hbm>>) target(%arg10 : memref<16x1024xf32, #tpu.memory_space<vmem>>) offsets(%dma_start3A_535 : memref<16xi32, #tpu.memory_space<vmem>>) semaphore(%arg17 : memref<!tpu.dma_semaphore, #tpu.memory_space<semaphore_mem>>)
    %add3A_539 = arith.constant 336 : i32
    %add3A_540 = arith.addi %mul3A_2, %add3A_539 : i32
    %dma_start3A_541 = arith.constant 0 : i32
    %dma_start3A_542 = tpu.memref_slice %arg4[%add3A_540, %dma_start3A_541] : memref<16384x1024xf32, #tpu.memory_space<hbm>> -> memref<16x1024xf32, #tpu.memory_space<hbm>>
    %dma_start3A_543 = arith.constant 0 : i32
    %dma_start3A_544 = tpu.memref_slice %arg4[%add3A_540, %dma_start3A_543] : memref<16384x1024xf32, #tpu.memory_space<hbm>> -> memref<16x1024xf32, #tpu.memory_space<hbm>>
    tpu.enqueue_dma source(%arg6 : memref<16x1024xf32, #tpu.memory_space<vmem>>) target(%dma_start3A_544 : memref<16x1024xf32, #tpu.memory_space<hbm>>) target_semaphore(%arg20 : memref<!tpu.dma_semaphore, #tpu.memory_space<semaphore_mem>>)
    %dma_wait3A_545 = arith.constant 22 : i32
    %dma_wait3A_546 = arith.constant 0 : i32
    %dma_wait3A_547 = tpu.memref_slice %arg5[%dma_wait3A_545, %dma_wait3A_546] : memref<32x16xi32, #tpu.memory_space<vmem>> -> memref<1x16xi32, #tpu.memory_space<vmem>>
    %dma_wait3A_548 = tpu.memref_squeeze %dma_wait3A_547 : memref<1x16xi32, #tpu.memory_space<vmem>> -> memref<16xi32, #tpu.memory_space<vmem>>
    %dma_wait3A_549 = arith.constant 0 : i32
    %dma_wait3A_550 = arith.constant 0 : i32
    %dma_wait3A_551 = tpu.memref_slice %arg2[%dma_wait3A_549, %dma_wait3A_550] : memref<1024x1024xf32, #tpu.memory_space<hbm>> -> memref<1024x1024xf32, #tpu.memory_space<hbm>>
    tpu.wait_indirect_dma semaphore(%arg14 : memref<!tpu.dma_semaphore, #tpu.memory_space<semaphore_mem>>) src(%dma_wait3A_551 : memref<1024x1024xf32, #tpu.memory_space<hbm>>) dst(%arg7 : memref<16x1024xf32, #tpu.memory_space<vmem>>)
    %dma_wait3A_552 = arith.constant 0 : i32
    %dma_wait3A_553 = tpu.memref_slice %arg4[%add3A_492, %dma_wait3A_552] : memref<16384x1024xf32, #tpu.memory_space<hbm>> -> memref<16x1024xf32, #tpu.memory_space<hbm>>
    %dma_wait3A_554 = arith.constant 0 : i32
    %dma_wait3A_555 = tpu.memref_slice %arg4[%add3A_492, %dma_wait3A_554] : memref<16384x1024xf32, #tpu.memory_space<hbm>> -> memref<16x1024xf32, #tpu.memory_space<hbm>>
    tpu.wait_dma2 semaphore(%arg25 : memref<!tpu.dma_semaphore, #tpu.memory_space<semaphore_mem>>) src(%arg11 : memref<16x1024xf32, #tpu.memory_space<vmem>>) dst(%dma_wait3A_555 : memref<16x1024xf32, #tpu.memory_space<hbm>>)
    %dma_start3A_556 = arith.constant 26 : i32
    %dma_start3A_557 = arith.constant 0 : i32
    %dma_start3A_558 = tpu.memref_slice %arg5[%dma_start3A_556, %dma_start3A_557] : memref<32x16xi32, #tpu.memory_space<vmem>> -> memref<1x16xi32, #tpu.memory_space<vmem>>
    %dma_start3A_559 = tpu.memref_squeeze %dma_start3A_558 : memref<1x16xi32, #tpu.memory_space<vmem>> -> memref<16xi32, #tpu.memory_space<vmem>>
    %dma_start3A_560 = arith.constant 0 : i32
    %dma_start3A_561 = arith.constant 0 : i32
    %dma_start3A_562 = tpu.memref_slice %arg2[%dma_start3A_560, %dma_start3A_561] : memref<1024x1024xf32, #tpu.memory_space<hbm>> -> memref<1024x1024xf32, #tpu.memory_space<hbm>>
    tpu.enqueue_indirect_dma source(%dma_start3A_562 : memref<1024x1024xf32, #tpu.memory_space<hbm>>) target(%arg11 : memref<16x1024xf32, #tpu.memory_space<vmem>>) offsets(%dma_start3A_559 : memref<16xi32, #tpu.memory_space<vmem>>) semaphore(%arg18 : memref<!tpu.dma_semaphore, #tpu.memory_space<semaphore_mem>>)
    %add3A_563 = arith.constant 352 : i32
    %add3A_564 = arith.addi %mul3A_2, %add3A_563 : i32
    %dma_start3A_565 = arith.constant 0 : i32
    %dma_start3A_566 = tpu.memref_slice %arg4[%add3A_564, %dma_start3A_565] : memref<16384x1024xf32, #tpu.memory_space<hbm>> -> memref<16x1024xf32, #tpu.memory_space<hbm>>
    %dma_start3A_567 = arith.constant 0 : i32
    %dma_start3A_568 = tpu.memref_slice %arg4[%add3A_564, %dma_start3A_567] : memref<16384x1024xf32, #tpu.memory_space<hbm>> -> memref<16x1024xf32, #tpu.memory_space<hbm>>
    tpu.enqueue_dma source(%arg7 : memref<16x1024xf32, #tpu.memory_space<vmem>>) target(%dma_start3A_568 : memref<16x1024xf32, #tpu.memory_space<hbm>>) target_semaphore(%arg21 : memref<!tpu.dma_semaphore, #tpu.memory_space<semaphore_mem>>)
    %dma_wait3A_569 = arith.constant 23 : i32
    %dma_wait3A_570 = arith.constant 0 : i32
    %dma_wait3A_571 = tpu.memref_slice %arg5[%dma_wait3A_569, %dma_wait3A_570] : memref<32x16xi32, #tpu.memory_space<vmem>> -> memref<1x16xi32, #tpu.memory_space<vmem>>
    %dma_wait3A_572 = tpu.memref_squeeze %dma_wait3A_571 : memref<1x16xi32, #tpu.memory_space<vmem>> -> memref<16xi32, #tpu.memory_space<vmem>>
    %dma_wait3A_573 = arith.constant 0 : i32
    %dma_wait3A_574 = arith.constant 0 : i32
    %dma_wait3A_575 = tpu.memref_slice %arg2[%dma_wait3A_573, %dma_wait3A_574] : memref<1024x1024xf32, #tpu.memory_space<hbm>> -> memref<1024x1024xf32, #tpu.memory_space<hbm>>
    tpu.wait_indirect_dma semaphore(%arg15 : memref<!tpu.dma_semaphore, #tpu.memory_space<semaphore_mem>>) src(%dma_wait3A_575 : memref<1024x1024xf32, #tpu.memory_space<hbm>>) dst(%arg8 : memref<16x1024xf32, #tpu.memory_space<vmem>>)
    %dma_wait3A_576 = arith.constant 0 : i32
    %dma_wait3A_577 = tpu.memref_slice %arg4[%add3A_516, %dma_wait3A_576] : memref<16384x1024xf32, #tpu.memory_space<hbm>> -> memref<16x1024xf32, #tpu.memory_space<hbm>>
    %dma_wait3A_578 = arith.constant 0 : i32
    %dma_wait3A_579 = tpu.memref_slice %arg4[%add3A_516, %dma_wait3A_578] : memref<16384x1024xf32, #tpu.memory_space<hbm>> -> memref<16x1024xf32, #tpu.memory_space<hbm>>
    tpu.wait_dma2 semaphore(%arg26 : memref<!tpu.dma_semaphore, #tpu.memory_space<semaphore_mem>>) src(%arg12 : memref<16x1024xf32, #tpu.memory_space<vmem>>) dst(%dma_wait3A_579 : memref<16x1024xf32, #tpu.memory_space<hbm>>)
    %dma_start3A_580 = arith.constant 27 : i32
    %dma_start3A_581 = arith.constant 0 : i32
    %dma_start3A_582 = tpu.memref_slice %arg5[%dma_start3A_580, %dma_start3A_581] : memref<32x16xi32, #tpu.memory_space<vmem>> -> memref<1x16xi32, #tpu.memory_space<vmem>>
    %dma_start3A_583 = tpu.memref_squeeze %dma_start3A_582 : memref<1x16xi32, #tpu.memory_space<vmem>> -> memref<16xi32, #tpu.memory_space<vmem>>
    %dma_start3A_584 = arith.constant 0 : i32
    %dma_start3A_585 = arith.constant 0 : i32
    %dma_start3A_586 = tpu.memref_slice %arg2[%dma_start3A_584, %dma_start3A_585] : memref<1024x1024xf32, #tpu.memory_space<hbm>> -> memref<1024x1024xf32, #tpu.memory_space<hbm>>
    tpu.enqueue_indirect_dma source(%dma_start3A_586 : memref<1024x1024xf32, #tpu.memory_space<hbm>>) target(%arg12 : memref<16x1024xf32, #tpu.memory_space<vmem>>) offsets(%dma_start3A_583 : memref<16xi32, #tpu.memory_space<vmem>>) semaphore(%arg19 : memref<!tpu.dma_semaphore, #tpu.memory_space<semaphore_mem>>)
    %add3A_587 = arith.constant 368 : i32
    %add3A_588 = arith.addi %mul3A_2, %add3A_587 : i32
    %dma_start3A_589 = arith.constant 0 : i32
    %dma_start3A_590 = tpu.memref_slice %arg4[%add3A_588, %dma_start3A_589] : memref<16384x1024xf32, #tpu.memory_space<hbm>> -> memref<16x1024xf32, #tpu.memory_space<hbm>>
    %dma_start3A_591 = arith.constant 0 : i32
    %dma_start3A_592 = tpu.memref_slice %arg4[%add3A_588, %dma_start3A_591] : memref<16384x1024xf32, #tpu.memory_space<hbm>> -> memref<16x1024xf32, #tpu.memory_space<hbm>>
    tpu.enqueue_dma source(%arg8 : memref<16x1024xf32, #tpu.memory_space<vmem>>) target(%dma_start3A_592 : memref<16x1024xf32, #tpu.memory_space<hbm>>) target_semaphore(%arg22 : memref<!tpu.dma_semaphore, #tpu.memory_space<semaphore_mem>>)
    %dma_wait3A_593 = arith.constant 24 : i32
    %dma_wait3A_594 = arith.constant 0 : i32
    %dma_wait3A_595 = tpu.memref_slice %arg5[%dma_wait3A_593, %dma_wait3A_594] : memref<32x16xi32, #tpu.memory_space<vmem>> -> memref<1x16xi32, #tpu.memory_space<vmem>>
    %dma_wait3A_596 = tpu.memref_squeeze %dma_wait3A_595 : memref<1x16xi32, #tpu.memory_space<vmem>> -> memref<16xi32, #tpu.memory_space<vmem>>
    %dma_wait3A_597 = arith.constant 0 : i32
    %dma_wait3A_598 = arith.constant 0 : i32
    %dma_wait3A_599 = tpu.memref_slice %arg2[%dma_wait3A_597, %dma_wait3A_598] : memref<1024x1024xf32, #tpu.memory_space<hbm>> -> memref<1024x1024xf32, #tpu.memory_space<hbm>>
    tpu.wait_indirect_dma semaphore(%arg16 : memref<!tpu.dma_semaphore, #tpu.memory_space<semaphore_mem>>) src(%dma_wait3A_599 : memref<1024x1024xf32, #tpu.memory_space<hbm>>) dst(%arg9 : memref<16x1024xf32, #tpu.memory_space<vmem>>)
    %dma_wait3A_600 = arith.constant 0 : i32
    %dma_wait3A_601 = tpu.memref_slice %arg4[%add3A_540, %dma_wait3A_600] : memref<16384x1024xf32, #tpu.memory_space<hbm>> -> memref<16x1024xf32, #tpu.memory_space<hbm>>
    %dma_wait3A_602 = arith.constant 0 : i32
    %dma_wait3A_603 = tpu.memref_slice %arg4[%add3A_540, %dma_wait3A_602] : memref<16384x1024xf32, #tpu.memory_space<hbm>> -> memref<16x1024xf32, #tpu.memory_space<hbm>>
    tpu.wait_dma2 semaphore(%arg20 : memref<!tpu.dma_semaphore, #tpu.memory_space<semaphore_mem>>) src(%arg6 : memref<16x1024xf32, #tpu.memory_space<vmem>>) dst(%dma_wait3A_603 : memref<16x1024xf32, #tpu.memory_space<hbm>>)
    %dma_start3A_604 = arith.constant 28 : i32
    %dma_start3A_605 = arith.constant 0 : i32
    %dma_start3A_606 = tpu.memref_slice %arg5[%dma_start3A_604, %dma_start3A_605] : memref<32x16xi32, #tpu.memory_space<vmem>> -> memref<1x16xi32, #tpu.memory_space<vmem>>
    %dma_start3A_607 = tpu.memref_squeeze %dma_start3A_606 : memref<1x16xi32, #tpu.memory_space<vmem>> -> memref<16xi32, #tpu.memory_space<vmem>>
    %dma_start3A_608 = arith.constant 0 : i32
    %dma_start3A_609 = arith.constant 0 : i32
    %dma_start3A_610 = tpu.memref_slice %arg2[%dma_start3A_608, %dma_start3A_609] : memref<1024x1024xf32, #tpu.memory_space<hbm>> -> memref<1024x1024xf32, #tpu.memory_space<hbm>>
    tpu.enqueue_indirect_dma source(%dma_start3A_610 : memref<1024x1024xf32, #tpu.memory_space<hbm>>) target(%arg6 : memref<16x1024xf32, #tpu.memory_space<vmem>>) offsets(%dma_start3A_607 : memref<16xi32, #tpu.memory_space<vmem>>) semaphore(%arg13 : memref<!tpu.dma_semaphore, #tpu.memory_space<semaphore_mem>>)
    %add3A_611 = arith.constant 384 : i32
    %add3A_612 = arith.addi %mul3A_2, %add3A_611 : i32
    %dma_start3A_613 = arith.constant 0 : i32
    %dma_start3A_614 = tpu.memref_slice %arg4[%add3A_612, %dma_start3A_613] : memref<16384x1024xf32, #tpu.memory_space<hbm>> -> memref<16x1024xf32, #tpu.memory_space<hbm>>
    %dma_start3A_615 = arith.constant 0 : i32
    %dma_start3A_616 = tpu.memref_slice %arg4[%add3A_612, %dma_start3A_615] : memref<16384x1024xf32, #tpu.memory_space<hbm>> -> memref<16x1024xf32, #tpu.memory_space<hbm>>
    tpu.enqueue_dma source(%arg9 : memref<16x1024xf32, #tpu.memory_space<vmem>>) target(%dma_start3A_616 : memref<16x1024xf32, #tpu.memory_space<hbm>>) target_semaphore(%arg23 : memref<!tpu.dma_semaphore, #tpu.memory_space<semaphore_mem>>)
    %dma_wait3A_617 = arith.constant 25 : i32
    %dma_wait3A_618 = arith.constant 0 : i32
    %dma_wait3A_619 = tpu.memref_slice %arg5[%dma_wait3A_617, %dma_wait3A_618] : memref<32x16xi32, #tpu.memory_space<vmem>> -> memref<1x16xi32, #tpu.memory_space<vmem>>
    %dma_wait3A_620 = tpu.memref_squeeze %dma_wait3A_619 : memref<1x16xi32, #tpu.memory_space<vmem>> -> memref<16xi32, #tpu.memory_space<vmem>>
    %dma_wait3A_621 = arith.constant 0 : i32
    %dma_wait3A_622 = arith.constant 0 : i32
    %dma_wait3A_623 = tpu.memref_slice %arg2[%dma_wait3A_621, %dma_wait3A_622] : memref<1024x1024xf32, #tpu.memory_space<hbm>> -> memref<1024x1024xf32, #tpu.memory_space<hbm>>
    tpu.wait_indirect_dma semaphore(%arg17 : memref<!tpu.dma_semaphore, #tpu.memory_space<semaphore_mem>>) src(%dma_wait3A_623 : memref<1024x1024xf32, #tpu.memory_space<hbm>>) dst(%arg10 : memref<16x1024xf32, #tpu.memory_space<vmem>>)
    %dma_wait3A_624 = arith.constant 0 : i32
    %dma_wait3A_625 = tpu.memref_slice %arg4[%add3A_564, %dma_wait3A_624] : memref<16384x1024xf32, #tpu.memory_space<hbm>> -> memref<16x1024xf32, #tpu.memory_space<hbm>>
    %dma_wait3A_626 = arith.constant 0 : i32
    %dma_wait3A_627 = tpu.memref_slice %arg4[%add3A_564, %dma_wait3A_626] : memref<16384x1024xf32, #tpu.memory_space<hbm>> -> memref<16x1024xf32, #tpu.memory_space<hbm>>
    tpu.wait_dma2 semaphore(%arg21 : memref<!tpu.dma_semaphore, #tpu.memory_space<semaphore_mem>>) src(%arg7 : memref<16x1024xf32, #tpu.memory_space<vmem>>) dst(%dma_wait3A_627 : memref<16x1024xf32, #tpu.memory_space<hbm>>)
    %dma_start3A_628 = arith.constant 29 : i32
    %dma_start3A_629 = arith.constant 0 : i32
    %dma_start3A_630 = tpu.memref_slice %arg5[%dma_start3A_628, %dma_start3A_629] : memref<32x16xi32, #tpu.memory_space<vmem>> -> memref<1x16xi32, #tpu.memory_space<vmem>>
    %dma_start3A_631 = tpu.memref_squeeze %dma_start3A_630 : memref<1x16xi32, #tpu.memory_space<vmem>> -> memref<16xi32, #tpu.memory_space<vmem>>
    %dma_start3A_632 = arith.constant 0 : i32
    %dma_start3A_633 = arith.constant 0 : i32
    %dma_start3A_634 = tpu.memref_slice %arg2[%dma_start3A_632, %dma_start3A_633] : memref<1024x1024xf32, #tpu.memory_space<hbm>> -> memref<1024x1024xf32, #tpu.memory_space<hbm>>
    tpu.enqueue_indirect_dma source(%dma_start3A_634 : memref<1024x1024xf32, #tpu.memory_space<hbm>>) target(%arg7 : memref<16x1024xf32, #tpu.memory_space<vmem>>) offsets(%dma_start3A_631 : memref<16xi32, #tpu.memory_space<vmem>>) semaphore(%arg14 : memref<!tpu.dma_semaphore, #tpu.memory_space<semaphore_mem>>)
    %add3A_635 = arith.constant 400 : i32
    %add3A_636 = arith.addi %mul3A_2, %add3A_635 : i32
    %dma_start3A_637 = arith.constant 0 : i32
    %dma_start3A_638 = tpu.memref_slice %arg4[%add3A_636, %dma_start3A_637] : memref<16384x1024xf32, #tpu.memory_space<hbm>> -> memref<16x1024xf32, #tpu.memory_space<hbm>>
    %dma_start3A_639 = arith.constant 0 : i32
    %dma_start3A_640 = tpu.memref_slice %arg4[%add3A_636, %dma_start3A_639] : memref<16384x1024xf32, #tpu.memory_space<hbm>> -> memref<16x1024xf32, #tpu.memory_space<hbm>>
    tpu.enqueue_dma source(%arg10 : memref<16x1024xf32, #tpu.memory_space<vmem>>) target(%dma_start3A_640 : memref<16x1024xf32, #tpu.memory_space<hbm>>) target_semaphore(%arg24 : memref<!tpu.dma_semaphore, #tpu.memory_space<semaphore_mem>>)
    %dma_wait3A_641 = arith.constant 26 : i32
    %dma_wait3A_642 = arith.constant 0 : i32
    %dma_wait3A_643 = tpu.memref_slice %arg5[%dma_wait3A_641, %dma_wait3A_642] : memref<32x16xi32, #tpu.memory_space<vmem>> -> memref<1x16xi32, #tpu.memory_space<vmem>>
    %dma_wait3A_644 = tpu.memref_squeeze %dma_wait3A_643 : memref<1x16xi32, #tpu.memory_space<vmem>> -> memref<16xi32, #tpu.memory_space<vmem>>
    %dma_wait3A_645 = arith.constant 0 : i32
    %dma_wait3A_646 = arith.constant 0 : i32
    %dma_wait3A_647 = tpu.memref_slice %arg2[%dma_wait3A_645, %dma_wait3A_646] : memref<1024x1024xf32, #tpu.memory_space<hbm>> -> memref<1024x1024xf32, #tpu.memory_space<hbm>>
    tpu.wait_indirect_dma semaphore(%arg18 : memref<!tpu.dma_semaphore, #tpu.memory_space<semaphore_mem>>) src(%dma_wait3A_647 : memref<1024x1024xf32, #tpu.memory_space<hbm>>) dst(%arg11 : memref<16x1024xf32, #tpu.memory_space<vmem>>)
    %dma_wait3A_648 = arith.constant 0 : i32
    %dma_wait3A_649 = tpu.memref_slice %arg4[%add3A_588, %dma_wait3A_648] : memref<16384x1024xf32, #tpu.memory_space<hbm>> -> memref<16x1024xf32, #tpu.memory_space<hbm>>
    %dma_wait3A_650 = arith.constant 0 : i32
    %dma_wait3A_651 = tpu.memref_slice %arg4[%add3A_588, %dma_wait3A_650] : memref<16384x1024xf32, #tpu.memory_space<hbm>> -> memref<16x1024xf32, #tpu.memory_space<hbm>>
    tpu.wait_dma2 semaphore(%arg22 : memref<!tpu.dma_semaphore, #tpu.memory_space<semaphore_mem>>) src(%arg8 : memref<16x1024xf32, #tpu.memory_space<vmem>>) dst(%dma_wait3A_651 : memref<16x1024xf32, #tpu.memory_space<hbm>>)
    %dma_start3A_652 = arith.constant 30 : i32
    %dma_start3A_653 = arith.constant 0 : i32
    %dma_start3A_654 = tpu.memref_slice %arg5[%dma_start3A_652, %dma_start3A_653] : memref<32x16xi32, #tpu.memory_space<vmem>> -> memref<1x16xi32, #tpu.memory_space<vmem>>
    %dma_start3A_655 = tpu.memref_squeeze %dma_start3A_654 : memref<1x16xi32, #tpu.memory_space<vmem>> -> memref<16xi32, #tpu.memory_space<vmem>>
    %dma_start3A_656 = arith.constant 0 : i32
    %dma_start3A_657 = arith.constant 0 : i32
    %dma_start3A_658 = tpu.memref_slice %arg2[%dma_start3A_656, %dma_start3A_657] : memref<1024x1024xf32, #tpu.memory_space<hbm>> -> memref<1024x1024xf32, #tpu.memory_space<hbm>>
    tpu.enqueue_indirect_dma source(%dma_start3A_658 : memref<1024x1024xf32, #tpu.memory_space<hbm>>) target(%arg8 : memref<16x1024xf32, #tpu.memory_space<vmem>>) offsets(%dma_start3A_655 : memref<16xi32, #tpu.memory_space<vmem>>) semaphore(%arg15 : memref<!tpu.dma_semaphore, #tpu.memory_space<semaphore_mem>>)
    %add3A_659 = arith.constant 416 : i32
    %add3A_660 = arith.addi %mul3A_2, %add3A_659 : i32
    %dma_start3A_661 = arith.constant 0 : i32
    %dma_start3A_662 = tpu.memref_slice %arg4[%add3A_660, %dma_start3A_661] : memref<16384x1024xf32, #tpu.memory_space<hbm>> -> memref<16x1024xf32, #tpu.memory_space<hbm>>
    %dma_start3A_663 = arith.constant 0 : i32
    %dma_start3A_664 = tpu.memref_slice %arg4[%add3A_660, %dma_start3A_663] : memref<16384x1024xf32, #tpu.memory_space<hbm>> -> memref<16x1024xf32, #tpu.memory_space<hbm>>
    tpu.enqueue_dma source(%arg11 : memref<16x1024xf32, #tpu.memory_space<vmem>>) target(%dma_start3A_664 : memref<16x1024xf32, #tpu.memory_space<hbm>>) target_semaphore(%arg25 : memref<!tpu.dma_semaphore, #tpu.memory_space<semaphore_mem>>)
    %dma_wait3A_665 = arith.constant 27 : i32
    %dma_wait3A_666 = arith.constant 0 : i32
    %dma_wait3A_667 = tpu.memref_slice %arg5[%dma_wait3A_665, %dma_wait3A_666] : memref<32x16xi32, #tpu.memory_space<vmem>> -> memref<1x16xi32, #tpu.memory_space<vmem>>
    %dma_wait3A_668 = tpu.memref_squeeze %dma_wait3A_667 : memref<1x16xi32, #tpu.memory_space<vmem>> -> memref<16xi32, #tpu.memory_space<vmem>>
    %dma_wait3A_669 = arith.constant 0 : i32
    %dma_wait3A_670 = arith.constant 0 : i32
    %dma_wait3A_671 = tpu.memref_slice %arg2[%dma_wait3A_669, %dma_wait3A_670] : memref<1024x1024xf32, #tpu.memory_space<hbm>> -> memref<1024x1024xf32, #tpu.memory_space<hbm>>
    tpu.wait_indirect_dma semaphore(%arg19 : memref<!tpu.dma_semaphore, #tpu.memory_space<semaphore_mem>>) src(%dma_wait3A_671 : memref<1024x1024xf32, #tpu.memory_space<hbm>>) dst(%arg12 : memref<16x1024xf32, #tpu.memory_space<vmem>>)
    %dma_wait3A_672 = arith.constant 0 : i32
    %dma_wait3A_673 = tpu.memref_slice %arg4[%add3A_612, %dma_wait3A_672] : memref<16384x1024xf32, #tpu.memory_space<hbm>> -> memref<16x1024xf32, #tpu.memory_space<hbm>>
    %dma_wait3A_674 = arith.constant 0 : i32
    %dma_wait3A_675 = tpu.memref_slice %arg4[%add3A_612, %dma_wait3A_674] : memref<16384x1024xf32, #tpu.memory_space<hbm>> -> memref<16x1024xf32, #tpu.memory_space<hbm>>
    tpu.wait_dma2 semaphore(%arg23 : memref<!tpu.dma_semaphore, #tpu.memory_space<semaphore_mem>>) src(%arg9 : memref<16x1024xf32, #tpu.memory_space<vmem>>) dst(%dma_wait3A_675 : memref<16x1024xf32, #tpu.memory_space<hbm>>)
    %dma_start3A_676 = arith.constant 31 : i32
    %dma_start3A_677 = arith.constant 0 : i32
    %dma_start3A_678 = tpu.memref_slice %arg5[%dma_start3A_676, %dma_start3A_677] : memref<32x16xi32, #tpu.memory_space<vmem>> -> memref<1x16xi32, #tpu.memory_space<vmem>>
    %dma_start3A_679 = tpu.memref_squeeze %dma_start3A_678 : memref<1x16xi32, #tpu.memory_space<vmem>> -> memref<16xi32, #tpu.memory_space<vmem>>
    %dma_start3A_680 = arith.constant 0 : i32
    %dma_start3A_681 = arith.constant 0 : i32
    %dma_start3A_682 = tpu.memref_slice %arg2[%dma_start3A_680, %dma_start3A_681] : memref<1024x1024xf32, #tpu.memory_space<hbm>> -> memref<1024x1024xf32, #tpu.memory_space<hbm>>
    tpu.enqueue_indirect_dma source(%dma_start3A_682 : memref<1024x1024xf32, #tpu.memory_space<hbm>>) target(%arg9 : memref<16x1024xf32, #tpu.memory_space<vmem>>) offsets(%dma_start3A_679 : memref<16xi32, #tpu.memory_space<vmem>>) semaphore(%arg16 : memref<!tpu.dma_semaphore, #tpu.memory_space<semaphore_mem>>)
    %add3A_683 = arith.constant 432 : i32
    %add3A_684 = arith.addi %mul3A_2, %add3A_683 : i32
    %dma_start3A_685 = arith.constant 0 : i32
    %dma_start3A_686 = tpu.memref_slice %arg4[%add3A_684, %dma_start3A_685] : memref<16384x1024xf32, #tpu.memory_space<hbm>> -> memref<16x1024xf32, #tpu.memory_space<hbm>>
    %dma_start3A_687 = arith.constant 0 : i32
    %dma_start3A_688 = tpu.memref_slice %arg4[%add3A_684, %dma_start3A_687] : memref<16384x1024xf32, #tpu.memory_space<hbm>> -> memref<16x1024xf32, #tpu.memory_space<hbm>>
    tpu.enqueue_dma source(%arg12 : memref<16x1024xf32, #tpu.memory_space<vmem>>) target(%dma_start3A_688 : memref<16x1024xf32, #tpu.memory_space<hbm>>) target_semaphore(%arg26 : memref<!tpu.dma_semaphore, #tpu.memory_space<semaphore_mem>>)
    %dma_wait3A_689 = arith.constant 28 : i32
    %dma_wait3A_690 = arith.constant 0 : i32
    %dma_wait3A_691 = tpu.memref_slice %arg5[%dma_wait3A_689, %dma_wait3A_690] : memref<32x16xi32, #tpu.memory_space<vmem>> -> memref<1x16xi32, #tpu.memory_space<vmem>>
    %dma_wait3A_692 = tpu.memref_squeeze %dma_wait3A_691 : memref<1x16xi32, #tpu.memory_space<vmem>> -> memref<16xi32, #tpu.memory_space<vmem>>
    %dma_wait3A_693 = arith.constant 0 : i32
    %dma_wait3A_694 = arith.constant 0 : i32
    %dma_wait3A_695 = tpu.memref_slice %arg2[%dma_wait3A_693, %dma_wait3A_694] : memref<1024x1024xf32, #tpu.memory_space<hbm>> -> memref<1024x1024xf32, #tpu.memory_space<hbm>>
    tpu.wait_indirect_dma semaphore(%arg13 : memref<!tpu.dma_semaphore, #tpu.memory_space<semaphore_mem>>) src(%dma_wait3A_695 : memref<1024x1024xf32, #tpu.memory_space<hbm>>) dst(%arg6 : memref<16x1024xf32, #tpu.memory_space<vmem>>)
    %add3A_696 = arith.constant 448 : i32
    %add3A_697 = arith.addi %mul3A_2, %add3A_696 : i32
    %dma_start3A_698 = arith.constant 0 : i32
    %dma_start3A_699 = tpu.memref_slice %arg4[%add3A_697, %dma_start3A_698] : memref<16384x1024xf32, #tpu.memory_space<hbm>> -> memref<16x1024xf32, #tpu.memory_space<hbm>>
    %dma_start3A_700 = arith.constant 0 : i32
    %dma_start3A_701 = tpu.memref_slice %arg4[%add3A_697, %dma_start3A_700] : memref<16384x1024xf32, #tpu.memory_space<hbm>> -> memref<16x1024xf32, #tpu.memory_space<hbm>>
    tpu.enqueue_dma source(%arg6 : memref<16x1024xf32, #tpu.memory_space<vmem>>) target(%dma_start3A_701 : memref<16x1024xf32, #tpu.memory_space<hbm>>) target_semaphore(%arg20 : memref<!tpu.dma_semaphore, #tpu.memory_space<semaphore_mem>>)
    %dma_wait3A_702 = arith.constant 29 : i32
    %dma_wait3A_703 = arith.constant 0 : i32
    %dma_wait3A_704 = tpu.memref_slice %arg5[%dma_wait3A_702, %dma_wait3A_703] : memref<32x16xi32, #tpu.memory_space<vmem>> -> memref<1x16xi32, #tpu.memory_space<vmem>>
    %dma_wait3A_705 = tpu.memref_squeeze %dma_wait3A_704 : memref<1x16xi32, #tpu.memory_space<vmem>> -> memref<16xi32, #tpu.memory_space<vmem>>
    %dma_wait3A_706 = arith.constant 0 : i32
    %dma_wait3A_707 = arith.constant 0 : i32
    %dma_wait3A_708 = tpu.memref_slice %arg2[%dma_wait3A_706, %dma_wait3A_707] : memref<1024x1024xf32, #tpu.memory_space<hbm>> -> memref<1024x1024xf32, #tpu.memory_space<hbm>>
    tpu.wait_indirect_dma semaphore(%arg14 : memref<!tpu.dma_semaphore, #tpu.memory_space<semaphore_mem>>) src(%dma_wait3A_708 : memref<1024x1024xf32, #tpu.memory_space<hbm>>) dst(%arg7 : memref<16x1024xf32, #tpu.memory_space<vmem>>)
    %add3A_709 = arith.constant 464 : i32
    %add3A_710 = arith.addi %mul3A_2, %add3A_709 : i32
    %dma_start3A_711 = arith.constant 0 : i32
    %dma_start3A_712 = tpu.memref_slice %arg4[%add3A_710, %dma_start3A_711] : memref<16384x1024xf32, #tpu.memory_space<hbm>> -> memref<16x1024xf32, #tpu.memory_space<hbm>>
    %dma_start3A_713 = arith.constant 0 : i32
    %dma_start3A_714 = tpu.memref_slice %arg4[%add3A_710, %dma_start3A_713] : memref<16384x1024xf32, #tpu.memory_space<hbm>> -> memref<16x1024xf32, #tpu.memory_space<hbm>>
    tpu.enqueue_dma source(%arg7 : memref<16x1024xf32, #tpu.memory_space<vmem>>) target(%dma_start3A_714 : memref<16x1024xf32, #tpu.memory_space<hbm>>) target_semaphore(%arg21 : memref<!tpu.dma_semaphore, #tpu.memory_space<semaphore_mem>>)
    %dma_wait3A_715 = arith.constant 30 : i32
    %dma_wait3A_716 = arith.constant 0 : i32
    %dma_wait3A_717 = tpu.memref_slice %arg5[%dma_wait3A_715, %dma_wait3A_716] : memref<32x16xi32, #tpu.memory_space<vmem>> -> memref<1x16xi32, #tpu.memory_space<vmem>>
    %dma_wait3A_718 = tpu.memref_squeeze %dma_wait3A_717 : memref<1x16xi32, #tpu.memory_space<vmem>> -> memref<16xi32, #tpu.memory_space<vmem>>
    %dma_wait3A_719 = arith.constant 0 : i32
    %dma_wait3A_720 = arith.constant 0 : i32
    %dma_wait3A_721 = tpu.memref_slice %arg2[%dma_wait3A_719, %dma_wait3A_720] : memref<1024x1024xf32, #tpu.memory_space<hbm>> -> memref<1024x1024xf32, #tpu.memory_space<hbm>>
    tpu.wait_indirect_dma semaphore(%arg15 : memref<!tpu.dma_semaphore, #tpu.memory_space<semaphore_mem>>) src(%dma_wait3A_721 : memref<1024x1024xf32, #tpu.memory_space<hbm>>) dst(%arg8 : memref<16x1024xf32, #tpu.memory_space<vmem>>)
    %add3A_722 = arith.constant 480 : i32
    %add3A_723 = arith.addi %mul3A_2, %add3A_722 : i32
    %dma_start3A_724 = arith.constant 0 : i32
    %dma_start3A_725 = tpu.memref_slice %arg4[%add3A_723, %dma_start3A_724] : memref<16384x1024xf32, #tpu.memory_space<hbm>> -> memref<16x1024xf32, #tpu.memory_space<hbm>>
    %dma_start3A_726 = arith.constant 0 : i32
    %dma_start3A_727 = tpu.memref_slice %arg4[%add3A_723, %dma_start3A_726] : memref<16384x1024xf32, #tpu.memory_space<hbm>> -> memref<16x1024xf32, #tpu.memory_space<hbm>>
    tpu.enqueue_dma source(%arg8 : memref<16x1024xf32, #tpu.memory_space<vmem>>) target(%dma_start3A_727 : memref<16x1024xf32, #tpu.memory_space<hbm>>) target_semaphore(%arg22 : memref<!tpu.dma_semaphore, #tpu.memory_space<semaphore_mem>>)
    %dma_wait3A_728 = arith.constant 31 : i32
    %dma_wait3A_729 = arith.constant 0 : i32
    %dma_wait3A_730 = tpu.memref_slice %arg5[%dma_wait3A_728, %dma_wait3A_729] : memref<32x16xi32, #tpu.memory_space<vmem>> -> memref<1x16xi32, #tpu.memory_space<vmem>>
    %dma_wait3A_731 = tpu.memref_squeeze %dma_wait3A_730 : memref<1x16xi32, #tpu.memory_space<vmem>> -> memref<16xi32, #tpu.memory_space<vmem>>
    %dma_wait3A_732 = arith.constant 0 : i32
    %dma_wait3A_733 = arith.constant 0 : i32
    %dma_wait3A_734 = tpu.memref_slice %arg2[%dma_wait3A_732, %dma_wait3A_733] : memref<1024x1024xf32, #tpu.memory_space<hbm>> -> memref<1024x1024xf32, #tpu.memory_space<hbm>>
    tpu.wait_indirect_dma semaphore(%arg16 : memref<!tpu.dma_semaphore, #tpu.memory_space<semaphore_mem>>) src(%dma_wait3A_734 : memref<1024x1024xf32, #tpu.memory_space<hbm>>) dst(%arg9 : memref<16x1024xf32, #tpu.memory_space<vmem>>)
    %add3A_735 = arith.constant 496 : i32
    %add3A_736 = arith.addi %mul3A_2, %add3A_735 : i32
    %dma_start3A_737 = arith.constant 0 : i32
    %dma_start3A_738 = tpu.memref_slice %arg4[%add3A_736, %dma_start3A_737] : memref<16384x1024xf32, #tpu.memory_space<hbm>> -> memref<16x1024xf32, #tpu.memory_space<hbm>>
    %dma_start3A_739 = arith.constant 0 : i32
    %dma_start3A_740 = tpu.memref_slice %arg4[%add3A_736, %dma_start3A_739] : memref<16384x1024xf32, #tpu.memory_space<hbm>> -> memref<16x1024xf32, #tpu.memory_space<hbm>>
    tpu.enqueue_dma source(%arg9 : memref<16x1024xf32, #tpu.memory_space<vmem>>) target(%dma_start3A_740 : memref<16x1024xf32, #tpu.memory_space<hbm>>) target_semaphore(%arg23 : memref<!tpu.dma_semaphore, #tpu.memory_space<semaphore_mem>>)
    %dma_wait3A_741 = arith.constant 0 : i32
    %dma_wait3A_742 = tpu.memref_slice %arg4[%add3A_697, %dma_wait3A_741] : memref<16384x1024xf32, #tpu.memory_space<hbm>> -> memref<16x1024xf32, #tpu.memory_space<hbm>>
    %dma_wait3A_743 = arith.constant 0 : i32
    %dma_wait3A_744 = tpu.memref_slice %arg4[%add3A_697, %dma_wait3A_743] : memref<16384x1024xf32, #tpu.memory_space<hbm>> -> memref<16x1024xf32, #tpu.memory_space<hbm>>
    tpu.wait_dma2 semaphore(%arg20 : memref<!tpu.dma_semaphore, #tpu.memory_space<semaphore_mem>>) src(%arg6 : memref<16x1024xf32, #tpu.memory_space<vmem>>) dst(%dma_wait3A_744 : memref<16x1024xf32, #tpu.memory_space<hbm>>)
    %dma_wait3A_745 = arith.constant 0 : i32
    %dma_wait3A_746 = tpu.memref_slice %arg4[%add3A_710, %dma_wait3A_745] : memref<16384x1024xf32, #tpu.memory_space<hbm>> -> memref<16x1024xf32, #tpu.memory_space<hbm>>
    %dma_wait3A_747 = arith.constant 0 : i32
    %dma_wait3A_748 = tpu.memref_slice %arg4[%add3A_710, %dma_wait3A_747] : memref<16384x1024xf32, #tpu.memory_space<hbm>> -> memref<16x1024xf32, #tpu.memory_space<hbm>>
    tpu.wait_dma2 semaphore(%arg21 : memref<!tpu.dma_semaphore, #tpu.memory_space<semaphore_mem>>) src(%arg7 : memref<16x1024xf32, #tpu.memory_space<vmem>>) dst(%dma_wait3A_748 : memref<16x1024xf32, #tpu.memory_space<hbm>>)
    %dma_wait3A_749 = arith.constant 0 : i32
    %dma_wait3A_750 = tpu.memref_slice %arg4[%add3A_723, %dma_wait3A_749] : memref<16384x1024xf32, #tpu.memory_space<hbm>> -> memref<16x1024xf32, #tpu.memory_space<hbm>>
    %dma_wait3A_751 = arith.constant 0 : i32
    %dma_wait3A_752 = tpu.memref_slice %arg4[%add3A_723, %dma_wait3A_751] : memref<16384x1024xf32, #tpu.memory_space<hbm>> -> memref<16x1024xf32, #tpu.memory_space<hbm>>
    tpu.wait_dma2 semaphore(%arg22 : memref<!tpu.dma_semaphore, #tpu.memory_space<semaphore_mem>>) src(%arg8 : memref<16x1024xf32, #tpu.memory_space<vmem>>) dst(%dma_wait3A_752 : memref<16x1024xf32, #tpu.memory_space<hbm>>)
    %dma_wait3A_753 = arith.constant 0 : i32
    %dma_wait3A_754 = tpu.memref_slice %arg4[%add3A_736, %dma_wait3A_753] : memref<16384x1024xf32, #tpu.memory_space<hbm>> -> memref<16x1024xf32, #tpu.memory_space<hbm>>
    %dma_wait3A_755 = arith.constant 0 : i32
    %dma_wait3A_756 = tpu.memref_slice %arg4[%add3A_736, %dma_wait3A_755] : memref<16384x1024xf32, #tpu.memory_space<hbm>> -> memref<16x1024xf32, #tpu.memory_space<hbm>>
    tpu.wait_dma2 semaphore(%arg23 : memref<!tpu.dma_semaphore, #tpu.memory_space<semaphore_mem>>) src(%arg9 : memref<16x1024xf32, #tpu.memory_space<vmem>>) dst(%dma_wait3A_756 : memref<16x1024xf32, #tpu.memory_space<hbm>>)
    %dma_wait3A_757 = arith.constant 0 : i32
    %dma_wait3A_758 = tpu.memref_slice %arg4[%add3A_636, %dma_wait3A_757] : memref<16384x1024xf32, #tpu.memory_space<hbm>> -> memref<16x1024xf32, #tpu.memory_space<hbm>>
    %dma_wait3A_759 = arith.constant 0 : i32
    %dma_wait3A_760 = tpu.memref_slice %arg4[%add3A_636, %dma_wait3A_759] : memref<16384x1024xf32, #tpu.memory_space<hbm>> -> memref<16x1024xf32, #tpu.memory_space<hbm>>
    tpu.wait_dma2 semaphore(%arg24 : memref<!tpu.dma_semaphore, #tpu.memory_space<semaphore_mem>>) src(%arg10 : memref<16x1024xf32, #tpu.memory_space<vmem>>) dst(%dma_wait3A_760 : memref<16x1024xf32, #tpu.memory_space<hbm>>)
    %dma_wait3A_761 = arith.constant 0 : i32
    %dma_wait3A_762 = tpu.memref_slice %arg4[%add3A_660, %dma_wait3A_761] : memref<16384x1024xf32, #tpu.memory_space<hbm>> -> memref<16x1024xf32, #tpu.memory_space<hbm>>
    %dma_wait3A_763 = arith.constant 0 : i32
    %dma_wait3A_764 = tpu.memref_slice %arg4[%add3A_660, %dma_wait3A_763] : memref<16384x1024xf32, #tpu.memory_space<hbm>> -> memref<16x1024xf32, #tpu.memory_space<hbm>>
    tpu.wait_dma2 semaphore(%arg25 : memref<!tpu.dma_semaphore, #tpu.memory_space<semaphore_mem>>) src(%arg11 : memref<16x1024xf32, #tpu.memory_space<vmem>>) dst(%dma_wait3A_764 : memref<16x1024xf32, #tpu.memory_space<hbm>>)
    %dma_wait3A_765 = arith.constant 0 : i32
    %dma_wait3A_766 = tpu.memref_slice %arg4[%add3A_684, %dma_wait3A_765] : memref<16384x1024xf32, #tpu.memory_space<hbm>> -> memref<16x1024xf32, #tpu.memory_space<hbm>>
    %dma_wait3A_767 = arith.constant 0 : i32
    %dma_wait3A_768 = tpu.memref_slice %arg4[%add3A_684, %dma_wait3A_767] : memref<16384x1024xf32, #tpu.memory_space<hbm>> -> memref<16x1024xf32, #tpu.memory_space<hbm>>
    tpu.wait_dma2 semaphore(%arg26 : memref<!tpu.dma_semaphore, #tpu.memory_space<semaphore_mem>>) src(%arg12 : memref<16x1024xf32, #tpu.memory_space<vmem>>) dst(%dma_wait3A_768 : memref<16x1024xf32, #tpu.memory_space<hbm>>)
    return
  }
}

module attributes {stable_mosaic.version = 14 : i64} {
  func.func @_mlp_table_body(%arg0: memref<1000x256xf32, #tpu.memory_space<vmem>>, %arg1: memref<256x1024xf32, #tpu.memory_space<vmem>>, %arg2: memref<1x1024xf32, #tpu.memory_space<vmem>>, %arg3: memref<1024x1024xf32, #tpu.memory_space<vmem>>, %arg4: memref<1x1024xf32, #tpu.memory_space<vmem>>, %arg5: memref<1024x1024xf32, #tpu.memory_space<vmem>>) attributes {dimension_semantics = [], scalar_prefetch = 0 : i64, scratch_operands = 0 : i64, tpu.core_type = #tpu.core_type<tc>} {
    %get3A = arith.constant 0 : index
    %get3A_0 = arith.constant 0 : index
    %get3A_1 = vector.load %arg0[%get3A, %get3A_0] : memref<1000x256xf32, #tpu.memory_space<vmem>>, vector<1000x256xf32>
    %broadcast_in_dim3A = arith.constant 0.000000e+00 : f32
    %broadcast_in_dim3A_2 = vector.broadcast %broadcast_in_dim3A : f32 to vector<24x256xf32>
    %concatenate3A = tpu.concatenate %get3A_1, %broadcast_in_dim3A_2 in 0 : vector<1000x256xf32>, vector<24x256xf32> -> vector<1024x256xf32>
    %get3A_3 = arith.constant 0 : index
    %get3A_4 = arith.constant 0 : index
    %get3A_5 = vector.load %arg1[%get3A_3, %get3A_4] : memref<256x1024xf32, #tpu.memory_space<vmem>>, vector<256x1024xf32>
    %dot_general3A = arith.constant dense<0.000000e+00> : vector<1024x1024xf32>
    %dot_general3A_6 = tpu.matmul %concatenate3A, %get3A_5, %dot_general3A {dimension_numbers = #tpu.dot_dimension_numbers<[1], [0], [0], [1], [0, 0, 1, 1], [], []>, transpose_lhs_hint = false} : vector<1024x256xf32>, vector<256x1024xf32>, vector<1024x1024xf32> -> vector<1024x1024xf32>
    %get3A_7 = arith.constant 0 : index
    %get3A_8 = arith.constant 0 : index
    %get3A_9 = vector.load %arg2[%get3A_7, %get3A_8] : memref<1x1024xf32, #tpu.memory_space<vmem>>, vector<1x1024xf32>
    %add3A = vector.broadcast %get3A_9 : vector<1x1024xf32> to vector<1024x1024xf32>
    %add3A_10 = arith.addf %dot_general3A_6, %add3A : vector<1024x1024xf32>
    %neg3A = arith.constant 0.000000e+00 : f32
    %neg3A_11 = vector.broadcast %neg3A : f32 to vector<1024x1024xf32>
    %neg3A_12 = arith.subf %neg3A_11, %add3A_10 : vector<1024x1024xf32>
    %exp3A = math.exp %neg3A_12 : vector<1024x1024xf32>
    %add3A_13 = arith.constant 1.000000e+00 : f32
    %add3A_14 = vector.broadcast %add3A_13 : f32 to vector<1024x1024xf32>
    %add3A_15 = arith.addf %add3A_14, %exp3A : vector<1024x1024xf32>
    %div3A = arith.constant 1.000000e+00 : f32
    %div3A_16 = vector.broadcast %div3A : f32 to vector<1024x1024xf32>
    %div3A_17 = arith.divf %div3A_16, %add3A_15 : vector<1024x1024xf32>
    %mul3A = arith.mulf %add3A_10, %div3A_17 : vector<1024x1024xf32>
    %get3A_18 = arith.constant 0 : index
    %get3A_19 = arith.constant 0 : index
    %get3A_20 = vector.load %arg3[%get3A_18, %get3A_19] : memref<1024x1024xf32, #tpu.memory_space<vmem>>, vector<1024x1024xf32>
    %dot_general3A_21 = arith.constant dense<0.000000e+00> : vector<1024x1024xf32>
    %dot_general3A_22 = tpu.matmul %mul3A, %get3A_20, %dot_general3A_21 {dimension_numbers = #tpu.dot_dimension_numbers<[1], [0], [0], [1], [0, 0, 1, 1], [], []>, transpose_lhs_hint = false} : vector<1024x1024xf32>, vector<1024x1024xf32>, vector<1024x1024xf32> -> vector<1024x1024xf32>
    %get3A_23 = arith.constant 0 : index
    %get3A_24 = arith.constant 0 : index
    %get3A_25 = vector.load %arg4[%get3A_23, %get3A_24] : memref<1x1024xf32, #tpu.memory_space<vmem>>, vector<1x1024xf32>
    %add3A_26 = vector.broadcast %get3A_25 : vector<1x1024xf32> to vector<1024x1024xf32>
    %add3A_27 = arith.addf %dot_general3A_22, %add3A_26 : vector<1024x1024xf32>
    %neg3A_28 = arith.constant 0.000000e+00 : f32
    %neg3A_29 = vector.broadcast %neg3A_28 : f32 to vector<1024x1024xf32>
    %neg3A_30 = arith.subf %neg3A_29, %add3A_27 : vector<1024x1024xf32>
    %exp3A_31 = math.exp %neg3A_30 : vector<1024x1024xf32>
    %add3A_32 = arith.constant 1.000000e+00 : f32
    %add3A_33 = vector.broadcast %add3A_32 : f32 to vector<1024x1024xf32>
    %add3A_34 = arith.addf %add3A_33, %exp3A_31 : vector<1024x1024xf32>
    %div3A_35 = arith.constant 1.000000e+00 : f32
    %div3A_36 = vector.broadcast %div3A_35 : f32 to vector<1024x1024xf32>
    %div3A_37 = arith.divf %div3A_36, %add3A_34 : vector<1024x1024xf32>
    %mul3A_38 = arith.mulf %add3A_27, %div3A_37 : vector<1024x1024xf32>
    %swap3A = arith.constant 0 : index
    %swap3A_39 = arith.constant 0 : index
    %swap3A_40 = vector.load %arg5[%swap3A, %swap3A_39] : memref<1024x1024xf32, #tpu.memory_space<vmem>>, vector<1024x1024xf32>
    tpu.vector_store %arg5[%swap3A, %swap3A_39], %mul3A_38 {strides = array<i32>} : memref<1024x1024xf32, #tpu.memory_space<vmem>>, vector<1024x1024xf32>,
    return
  }
}

</mosaic_0001>

<sc_bundles>
// kernel: kernel.4.cloned.1.call-start
scs
__scs_entry_jumppad:
0x0: {  	(pc) =	sbr.rel $0x88, $3  }
0x1: {  	(tag) =	ssettag $0x0;
	lr =	simm.s32 $0x1  }
0x2: {  	[smem:$0x3F9B] =	sst lr;
	_ =	strace $0xD0000000  }
0x3: {  	_ = 	snop  }
0x4: {  	_ = 	snop  }
0x5: {  	_ = 	snop  }
0x6: {  	_ = 	snop  }
0x7: {  	_ = 	snop  }
__scs_overlays_trampoline_lowered:
0x8: {  	[smem:$0x3FAA] =	sst s0  }
0x9: {  	[smem:$0x3FAB] =	sst s1  }
0xa: {  	[smem:$0x3FAC] =	sst s2  }
0xb: {  	[smem:$0x3FAD] =	sst s3  }
0xc: {  	[smem:$0x3FAE] =	sst s4  }
0xd: {  	[smem:$0x3FAF] =	sst s5  }
0xe: {  	[smem:$0x3FB0] =	sst s6  }
0xf: {  	[smem:$0x3FB1] =	sst s7  }
0x10: {  	[smem:$0x3FB2] =	sst s8  }
0x11: {  	[smem:$0x3FB3] =	sst s9;
	s0 =	simm.s32 @!p0 $0x0  }
0x12: {  	s1 =	sld [smem:$0x3F99];
	s0 =	simm.s32 @p0 $0x1  }
0x13: {  	[smem:$0x3FB4] =	sst s0;
	s0 =	simm.s32 @!p1 $0x0  }
0x14: {  	s2 =	sld [smem:$0x3F98];
	s0 =	simm.s32 @p1 $0x1  }
0x15: {  	[smem:$0x3FB5] =	sst s0;
	s0 =	simm.s32 @!p2 $0x0  }
0x16: {  	s3 =	sld [smem:$0x3FDB];
	s0 =	simm.s32 @p2 $0x1  }
0x17: {  	s4 =	simm.s32 $0x1BF5;
	[smem:$0x3FB7] =	sst s0  }
0x18: {  	s0 =	sld [smem:$0x3F9A];
	_ =	swait.ge [sflag:s4], $0x0  }
0x19: {  	s7 =	sld [smem:$0x3F9B]  }
0x1a: {  	s8 =	sadd.s32 $0xFFFFE003, lr  }
0x1b: {  	s9 =	sadd.s32 $0xFFFFFEF7, lr;
	s5 =	simm.s32 $0xFFFFFFFF;
	p2 =	slt.u32 s8, $0xFFFFF086  }
0x1c: {  	p1 =	slt.u32 s9, $0xF7A;
	s5 =	simm.s32 @!p2 $0x0  }
0x1d: {  	s5 =	simm.s32 @p1 $0x1;
	p0 =	seq.s32 s7, s2  }
0x1e: {  	s7 =	smul.u32 @!p0 $0xF7A, s2;
	p2 =	seq.s32 @!p0 s5, $0x0  }
0x1f: {  	s9 =	smul.u32 $0xF7A, s1;
	s8 =	simm.s32 @!p0 $0x1BF5;
	p2 =	por !p2, p0  }
0x20: {  	[sflag:s8] =	ssyncset.s32 @!p0 $0xFFFFF086;
	s6 =	sadd.s32 @!p0 s3, s7;
	s7 =	simm.s32 @!p0 $0x108  }
0x21: {  	s3 =	sadd.s32 s3, s9;
	s6 =	sadd.s32 @!p0 $0x88, s6;
	s7 =	simm.s32 @p2 $0x1082  }
0x22: {  	[simem:s7], [sflag:s8] =	dma.local @!p0 [hbm:s6], $0xF7A  }
0x23: {  	s9 =	sor.u32 $0xD0000000, s2;
	s6 =	simm.s32 $0x108;
	_ =	swait.ge @!p0 [sflag:s8], $0x0  }
0x24: {  	s3 =	sadd.s32 $0x88, s3;
	s6 =	simm.s32 @!p1 $0x1082;
	[sflag:s4] =	ssyncset.s32 $0xFFFFF086  }
0x25: {  	[simem:s6], [sflag:s4] =	dma.local [hbm:s3], $0xF7A  }
0x26: {  	[smem:$0x3F9B] =	sst s1;
	(tag) =	ssettag s2;
	_ =	strace s9  }
0x27: {  	s1 =	sld [smem:$0x3FAB]  }
0x28: {  	s2 =	sld [smem:$0x3FAC]  }
0x29: {  	s4 =	sld [smem:$0x3FAE]  }
0x2a: {  	p0 =	seq.s32 s5, $0x0;
	s5 =	sld [smem:$0x3FAF]  }
0x2b: {  	s6 =	sld [smem:$0x3FB0]  }
0x2c: {  	s7 =	sld [smem:$0x3FB1]  }
0x2d: {  	s3 =	simm.s32 $0x108;
	s8 =	sld [smem:$0x3FB2]  }
0x2e: {  	s3 =	simm.s32 @!p0 $0x1082;
	s9 =	sld [smem:$0x3FB3]  }
0x2f: {  	lr =	sadd.s32 s0, s3;
	s0 =	sld [smem:$0x3FAA]  }
0x30: {  	s3 =	sld [smem:$0x3FAD]  }
0x31: {  	[smem:$0x3FB6] =	sst s10  }
0x32: {  	s10 =	sld [smem:$0x3FB4];
	_ =	sdelay $0x3  }
0x33: {  	p0 =	seq.s32 s10, $0x1;
	s10 =	sld [smem:$0x3FB6];
	_ =	sdelay $0x3  }
0x34: {  	[smem:$0x3FB6] =	sst s10  }
0x35: {  	s10 =	sld [smem:$0x3FB5];
	_ =	sdelay $0x3  }
0x36: {  	p1 =	seq.s32 s10, $0x1;
	s10 =	sld [smem:$0x3FB6];
	_ =	sdelay $0x3  }
0x37: {  	[smem:$0x3FB6] =	sst s10  }
0x38: {  	s10 =	sld [smem:$0x3FB7]  }
0x39: {  	_ = 	snop;
	(pc) =	sbr.ind lr, $3  }
0x3a: {  	_ = 	snop  }
0x3b: {  	_ = 	snop  }
0x3c: {  	p2 =	seq.s32 s10, $0x1;
	s10 =	sld [smem:$0x3FB6]  }
0x3d: {  	_ =	shalt  }
0x3e: {  	_ =	shalt  }
0x3f: {  	_ =	shalt  }
0x40: {  	_ =	shalt  }
0x41: {  	_ =	shalt  }
0x42: {  	_ =	shalt  }
0x43: {  	_ =	shalt  }
0x44: {  	_ =	shalt  }
0x45: {  	_ =	shalt  }
0x46: {  	_ =	shalt  }
0x47: {  	_ =	shalt  }
0x48: {  	_ =	shalt  }
0x49: {  	_ =	shalt  }
0x4a: {  	_ =	shalt  }
0x4b: {  	_ =	shalt  }
0x4c: {  	_ =	shalt  }
0x4d: {  	_ =	shalt  }
0x4e: {  	_ =	shalt  }
0x4f: {  	_ =	shalt  }
0x50: {  	_ =	shalt  }
0x51: {  	_ =	shalt  }
0x52: {  	_ =	shalt  }
0x53: {  	_ =	shalt  }
0x54: {  	_ =	shalt  }
0x55: {  	_ =	shalt  }
0x56: {  	_ =	shalt  }
0x57: {  	_ =	shalt  }
0x58: {  	_ =	shalt  }
0x59: {  	_ =	shalt  }
0x5a: {  	_ =	shalt  }
0x5b: {  	_ =	shalt  }
0x5c: {  	_ =	shalt  }
0x5d: {  	_ =	shalt  }
0x5e: {  	_ =	shalt  }
0x5f: {  	_ =	shalt  }
0x60: {  	_ =	shalt  }
0x61: {  	_ =	shalt  }
0x62: {  	_ =	shalt  }
0x63: {  	_ =	shalt  }
0x64: {  	_ =	shalt  }
0x65: {  	_ =	shalt  }
0x66: {  	_ =	shalt  }
0x67: {  	_ =	shalt  }
0x68: {  	_ =	shalt  }
0x69: {  	_ =	shalt  }
0x6a: {  	_ =	shalt  }
0x6b: {  	_ =	shalt  }
0x6c: {  	_ =	shalt  }
0x6d: {  	_ =	shalt  }
0x6e: {  	_ =	shalt  }
0x6f: {  	_ =	shalt  }
0x70: {  	_ =	shalt  }
0x71: {  	_ =	shalt  }
0x72: {  	_ =	shalt  }
0x73: {  	_ =	shalt  }
0x74: {  	_ =	shalt  }
0x75: {  	_ =	shalt  }
0x76: {  	_ =	shalt  }
0x77: {  	_ =	shalt  }
0x78: {  	_ =	shalt  }
0x79: {  	_ =	shalt  }
0x7a: {  	_ =	shalt  }
0x7b: {  	_ =	shalt  }
0x7c: {  	_ =	shalt  }
0x7d: {  	_ =	shalt  }
0x7e: {  	_ =	shalt  }
0x7f: {  	_ =	shalt  }
0x80: {  	_ =	shalt  }
0x81: {  	_ =	shalt  }
0x82: {  	_ =	shalt  }
0x83: {  	_ =	shalt  }
0x84: {  	_ =	shalt  }
0x85: {  	_ =	shalt  }
0x86: {  	_ =	shalt  }
0x87: {  	_ =	shalt  }
.Lfunc_end0:
.L_simem_size_0:
called_computation_lowered:
.L_overlay_start_0:
0x88: {  	s2 =	sld [smem:$0x3FD9]  }
0x89: {  	s3 =	sld [smem:$0x3FFE];
	_ =	sdelay $0x1  }
0x8a: {  	s1 =	srdreg.scid  }
0x8b: {  	s0 =	sand.u32 $0x1, s1  }
0x8c: {  	s17 =	sshll.u32 s0, $0xA;
	s2 =	sadd.s32 s3, s2  }
0x8d: {  	s2 =	sadd.s32 s2, s17  }
0x8e: {  	[smem:$0x3FC2] =	sst s2  }
0x8f: {  	_ = 	snop  }
0x90: {  	s2 =	sld [smem:$0x3FD0];
	(tm) =	ssettm $0x1  }
0x91: {  	s18 =	sld [smem:$0x3FFB];
	_ =	sdelay $0x3  }
0x92: {  	_ =	strace s18  }
0x93: {  	s3 =	sld [smem:$0x3FFC];
	_ =	sdelay $0x3  }
0x94: {  	_ =	strace s3  }
0x95: {  	s3 =	sld [smem:$0x3FFD];
	_ =	sdelay $0x3  }
0x96: {  	_ =	strace s3  }
0x97: {  	_ =	strace $0x8FFFFFFF  }
0x98: {  	s19 =	sld [smem:$0x3FDB];
	_ =	sdelay $0x1  }
0x99: {  	s4 =	simm.s32 $_scs_section_size  }
0x9a: {  	s5 =	simm.s32 $_size__tile_overlayer_lowered;
	s6 =	simm.s32 $_tile_overlayer_lowered  }
0x9b: {  	s22 =	simm.s32 $0x1BFF;
	s21 =	sshll.u32 s6, $0x1;
	s3 =	sadd.s32 s4, s19  }
0x9c: {  	s7 =	simm.s32 $0x0;
	s20 =	sshll.u32 s5, $0x1;
	s5 =	sadd.s32 s21, s3  }
0x9d: {  	[timem:s7], [sflag:s22] =	dma.local [hbm:s5], s20  }
0x9e: {  	_ =	swait.ge [sflag:s22], s20  }
0x9f: {  	s4 =	ssub.s32 $0x0, s20;
	[sflag:s22] =	ssyncset.done $0x0  }
0xa0: {  	[sflag:s22] =	ssyncadd.s32 s4;
	_ =	sdelay $0x1  }
0xa1: {  	s23 =	simm.s32 $0x1B8B  }
0xa2: {  	_ =	swait.ge [sflag:s23], $0x1  }
0xa3: {  	[sflag:s23] =	ssyncset.done $0x0  }
0xa4: {  	s25 =	simm.s32 $0x1B8E;
	s24 =	sld [smem:$0x3FFE];
	[sflag:s23] =	ssyncadd.s32 $0xFFFFFFFF  }
0xa5: {  	s26 =	simm.s32 $execute0_lowered;
	[smem:$0x3FD2] =	sst s25  }
0xa6: {  	s5 =	sshll.u32 s26, $0x1;
	_ =	strace $0x80000046;
	[dreg:$0x1] =	wrdreg $0xFFFFFFFF  }
0xa7: {  	s28 =	simm.s32 $_size_execute0_lowered;
	s3 =	sadd.s32 s3, s5;
	[dreg:$0x0] =	wrdreg $0x0  }
0xa8: {  	s5 =	sshll.u32 s28, $0x1;
	[dreg:$0x2] =	wrdreg s3  }
0xa9: {  	[dreg:$0x3] =	wrdreg s5  }
0xaa: {  	[dreg:$0x4] =	wrdreg $0xC0  }
0xab: {  	_ =	task [dreg:s7], $0x5FFFF  }
0xac: {  	[dreg:$0x1] =	wrdreg $0xFFFFFFFF  }
0xad: {  	[dreg:$0x0] =	wrdreg $0x60  }
0xae: {  	[dreg:$0x2] =	wrdreg s24  }
0xaf: {  	[dreg:$0x3] =	wrdreg s2  }
0xb0: {  	[dreg:$0x4] =	wrdreg $0x9  }
0xb1: {  	_ =	task.clear_ibuf [dreg:s7], $0x5FFFF;
	_ =	strace $0x90000046  }
0xb2: {  	s29 =	simm.s32 $0x9;
	_ =	strace $0x80000048  }
0xb3: {  	_ =	swait.ge [sflag:s29], $0x1  }
0xb4: {  	[sflag:s29] =	ssyncadd.s32 $0xFFFFFFFF  }
0xb5: {  	_ =	strace $0x90000048  }
0xb6: {  	_ =	sfence  }
0xb7: {  	s30 =	sld [smem:$0x0];
	_ =	sdelay $0x2  }
0xb8: {  	s31 =	sshll.u32 s1, $0xD;
	s1 =	sshrl.u32 s1, $0x2  }
0xb9: {  	s3 =	sand.u32 $0x4000, s31;
	s1 =	sadd.s32 s1, s30  }
0xba: {  	s0 =	sor.u32 s3, s0;
	s1 =	sshll.u32 s1, $0x11  }
0xbb: {  	s0 =	sor.u32 s1, s0  }
0xbc: {  	s0 =	sadd.s32 $0x8F2B, s0  }
0xbd: {  	[sflag:s0] =	ssyncadd.remote.s32 $0x1  }
0xbe: {  	_ =	sfence.sel $0xFFFF  }
0xbf: {  	[dreg:$0x0] =	wrdreg $0xFFFFFFFF;
	(pc) =	sbr.abs _section_cstart, $3  }
0xc0: {  	[dreg:$0x1] =	wrdreg $0xFFFFFFFF  }
0xc1: {  	_ =	task.clear_ibuf [dreg:s7], $0x2FFFF;
	_ =	strace $0x9FFFFFFF  }
0xc2: {  	(tm) =	ssettm $0x7FFFFFFF  }
0xc3: {  	_ =	shalt  }
tec
execute0_lowered:
.L_overlay_start_1:
0x0: {  	(tag) =	ssettag $0x1  }
0x1: {  	s1 =	srdreg.scid;
	s2 =	stileid.u32  }
0x2: {  	s0 =	rddreg [dreg:$0x0];
	s1 =	sand.u32 $0x1, s1;
	s2 =	sshll.u32 s2, $0x1  }
0x3: {  	s3 =	rddreg [dreg:$0x1];
	s4 =	sor.u32 s1, s2  }
0x4: {  	s2 =	simm.s32 $0x0;
	s5 =	sshll.u32 s4, $0x9;
	s4 =	sshll.u32 s4, $0x10  }
0x5: {  	[smem:$0x7FF] =	sst s2;
	s5 =	sadd.s32 s5, s0;
	s6 =	sadd.s32 s3, s4  }
0x6: {  	_ =	strace $0x80000047;
	s5 =	sadd.s32 $0x1000, s5;
	[smem:$0x7FC] =	sst s6  }
0x7: {  	s3 =	sadd.s32 $0x800, s6;
	[dreg:$0x3] =	wrdreg s5  }
0x8: {  	s22 =	sadd.s32 $0x1000, s6;
	[dreg:$0x4] =	wrdreg s3  }
0x9: {  	s23 =	sadd.s32 $0x1800, s6;
	[dreg:$0x5] =	wrdreg s22  }
0xa: {  	s24 =	sadd.s32 $0x2000, s6;
	[dreg:$0x6] =	wrdreg s23  }
0xb: {  	s25 =	sadd.s32 $0x2800, s6;
	[dreg:$0x7] =	wrdreg s24  }
0xc: {  	s26 =	sadd.s32 $0x3000, s6;
	[dreg:$0x8] =	wrdreg s25  }
0xd: {  	s29 =	sadd.s32 $0x3800, s6;
	[dreg:$0x9] =	wrdreg s26  }
0xe: {  	s31 =	sadd.s32 $0x4000, s6;
	[dreg:$0xa] =	wrdreg s29  }
0xf: {  	s4 =	sadd.s32 $0x4800, s6;
	[dreg:$0xb] =	wrdreg s31  }
0x10: {  	s7 =	sadd.s32 $0x5800, s6;
	[dreg:$0xc] =	wrdreg s4  }
0x11: {  	s8 =	sadd.s32 $0x6000, s6;
	[dreg:$0xe] =	wrdreg s7  }
0x12: {  	s9 =	sadd.s32 $0x6800, s6;
	[dreg:$0xf] =	wrdreg s8  }
0x13: {  	s10 =	sadd.s32 $0x7000, s6;
	[dreg:$0x10] =	wrdreg s9  }
0x14: {  	s11 =	sadd.s32 $0x7800, s6;
	[dreg:$0x11] =	wrdreg s10  }
0x15: {  	s12 =	sadd.s32 $0x8000, s6;
	[dreg:$0x12] =	wrdreg s11  }
0x16: {  	s13 =	sadd.s32 $0x8800, s6;
	[dreg:$0x13] =	wrdreg s12  }
0x17: {  	s14 =	sadd.s32 $0x9000, s6;
	[dreg:$0x14] =	wrdreg s13  }
0x18: {  	s15 =	sadd.s32 $0x9800, s6;
	[dreg:$0x15] =	wrdreg s14  }
0x19: {  	s16 =	sadd.s32 $0xA000, s6;
	[dreg:$0x16] =	wrdreg s15  }
0x1a: {  	s17 =	sadd.s32 $0xA800, s6;
	[dreg:$0x17] =	wrdreg s16  }
0x1b: {  	s28 =	simm.s32 $0x8;
	s18 =	sadd.s32 $0xB000, s6;
	[dreg:$0x18] =	wrdreg s17  }
0x1c: {  	s30 =	simm.s32 $0x9;
	s19 =	sadd.s32 $0xB800, s6;
	[dreg:$0x19] =	wrdreg s18  }
0x1d: {  	s1 =	ssub.s32 $0x2, s1;
	s20 =	sadd.s32 $0xC000, s6;
	[dreg:$0x1a] =	wrdreg s19  }
0x1e: {  	s21 =	sadd.s32 $0xC800, s6;
	s5 =	sadd.s32 $0x5000, s6;
	[dreg:$0x1b] =	wrdreg s20  }
0x1f: {  	[dreg:$0x1c] =	wrdreg s21;
	s22 =	sadd.s32 $0xD000, s6;
	s4 =	sadd.s32 $0x5000, s0  }
0x20: {  	s23 =	sadd.s32 $0xD800, s6;
	s24 =	sadd.s32 $0xE000, s6;
	[dreg:$0xd] =	wrdreg s5  }
0x21: {  	s25 =	sshrl.u32 s1, $0x1;
	s26 =	sadd.s32 $0xE800, s6;
	[dreg:$0x1d] =	wrdreg s22  }
0x22: {  	s29 =	sadd.s32 $0xF000, s6;
	s31 =	sadd.s32 $0xF800, s6;
	[dreg:$0x1e] =	wrdreg s23  }
0x23: {  	s6 =	sadd.s32 $0x5200, s0;
	s7 =	sadd.s32 $0x5300, s0;
	[dreg:$0x1f] =	wrdreg s24  }
0x24: {  	s19 =	simm.s32 $0x1;
	s21 =	simm.s32 $0x2;
	[smem:$0x7FA] =	sst s26  }
0x25: {  	v2 =	vlaneseq.u32;
	s9 =	simm.s32 $0xB;
	s1 =	ssub.s32 s1, s25;
	[smem:$0x7FB] =	sst s29  }
0x26: {  	vm0 =	vmmov $0xffff;
	v1 =	vshrl.u32 v2, $0x3;
	s5 =	sadd.s32 $0x5100, s0;
	[smem:$0x7FD] =	sst s31;
	s23 =	simm.s32 $0x3  }
0x27: {  	v0 =	vand.u32 $0x7, v2;
	v2 =	vor.u32 $0x8, v2;
	v1 =	vmul.u32 $0x8, v1;
	s25 =	simm.s32 $0x4;
	s16 =	smax.u32 s1, $0x1;
	s1 =	simm.s32 $0xA  }
.LBB2_1:
0x28: {  	s14 =	rddreg [dreg:$0x3];
	s13 =	simm.s32 $0xF  }
0x29: {  	[tilespmem:s2], [sflag:$0xF] =	stream.linear.gather [hbm4b:s14+s2], $0x1000, $0x38;
	[tilespmem:$0x1D000] =	vst v63  }
0x2a: {  	_ =	swait.ge [sflag:s13], $0x1000  }
0x2b: {  	[sflag:s13] =	ssyncset.done $0x0  }
0x2c: {  	[sflag:s13] =	ssyncadd.s32 $0xFFFFF000  }
0x2d: {  	v3 =	vld [tilespmem:$0x0];
	_ =	sdelay $0x4  }
0x2e: {  	v4 =	vshll.u32 v3, $0x3  }
0x2f: {  	v3 =	vand.u32 $0x7, v3;
	v4 =	vand.u32 $0xFFFFFFC0, v4  }
0x30: {  	v3 =	vor.u32 v3, v4  }
0x31: {  	v4 =	vperm.xlane v3, v0;
	_ =	sdelay $0x1  }
0x32: {  	v4 =	vadd.s32 v1, v4;
	_ =	sdelay $0x3  }
0x33: {  	s3 =	simm.s32 $0x1000  }
0x34: {  	[tilespmem:s3], [sflag:$0x1] =	stream.indirect_vreg.gather [hbm4b:s4+s2], $0x80, v4, vm0, $0xb8;
	[tilespmem:$0x1D000] =	vst v63  }
0x35: {  	s0 =	simm.s32 $0x1800;
	v3 =	vperm.xlane v3, v2  }
0x36: {  	[tilespmem:s0], [sflag:$0x1] =	stream.indirect_vreg.gather [hbm4b:s5+s2], $0x80, v4, vm0, $0xb8;
	[tilespmem:$0x1D000] =	vst v63  }
0x37: {  	s14 =	simm.s32 $0x2000;
	v3 =	vadd.s32 v1, v3  }
0x38: {  	[tilespmem:s14], [sflag:$0x1] =	stream.indirect_vreg.gather [hbm4b:s6+s2], $0x80, v4, vm0, $0xb8;
	[tilespmem:$0x1D000] =	vst v63  }
0x39: {  	s15 =	simm.s32 $0x2800  }
0x3a: {  	[tilespmem:s15], [sflag:$0x1] =	stream.indirect_vreg.gather [hbm4b:s7+s2], $0x80, v4, vm0, $0xb8;
	[tilespmem:$0x1D000] =	vst v63  }
0x3b: {  	s17 =	simm.s32 $0x3000  }
0x3c: {  	[tilespmem:s17], [sflag:$0x1] =	stream.indirect_vreg.gather [hbm4b:s4+s2], $0x80, v3, vm0, $0xb8;
	[tilespmem:$0x1D000] =	vst v63  }
0x3d: {  	s18 =	simm.s32 $0x3800  }
0x3e: {  	[tilespmem:s18], [sflag:$0x1] =	stream.indirect_vreg.gather [hbm4b:s5+s2], $0x80, v3, vm0, $0xb8;
	[tilespmem:$0x1D000] =	vst v63  }
0x3f: {  	s20 =	simm.s32 $0x4000  }
0x40: {  	[tilespmem:s20], [sflag:$0x1] =	stream.indirect_vreg.gather [hbm4b:s6+s2], $0x80, v3, vm0, $0xb8;
	[tilespmem:$0x1D000] =	vst v63  }
0x41: {  	s22 =	simm.s32 $0x4800  }
0x42: {  	[tilespmem:s22], [sflag:$0x1] =	stream.indirect_vreg.gather [hbm4b:s7+s2], $0x80, v3, vm0, $0xb8;
	[tilespmem:$0x1D000] =	vst v63  }
0x43: {  	v3 =	vld [tilespmem:$0x80];
	_ =	sdelay $0x4  }
0x44: {  	v33 =	vshll.u32 v3, $0x3  }
0x45: {  	v3 =	vand.u32 $0x7, v3;
	v4 =	vand.u32 $0xFFFFFFC0, v33  }
0x46: {  	v3 =	vor.u32 v3, v4  }
0x47: {  	v4 =	vperm.xlane v3, v0;
	_ =	sdelay $0x1  }
0x48: {  	v4 =	vadd.s32 v1, v4;
	_ =	sdelay $0x3  }
0x49: {  	s26 =	simm.s32 $0x5000  }
0x4a: {  	[tilespmem:s26], [sflag:$0x2] =	stream.indirect_vreg.gather [hbm4b:s4+s2], $0x80, v4, vm0, $0xb8;
	[tilespmem:$0x1D000] =	vst v63  }
0x4b: {  	s29 =	simm.s32 $0x5800;
	v3 =	vperm.xlane v3, v2  }
0x4c: {  	[tilespmem:s29], [sflag:$0x2] =	stream.indirect_vreg.gather [hbm4b:s5+s2], $0x80, v4, vm0, $0xb8;
	[tilespmem:$0x1D000] =	vst v63  }
0x4d: {  	s0 =	simm.s32 $0x6000;
	v3 =	vadd.s32 v1, v3  }
0x4e: {  	[tilespmem:s0], [sflag:$0x2] =	stream.indirect_vreg.gather [hbm4b:s6+s2], $0x80, v4, vm0, $0xb8;
	[tilespmem:$0x1D000] =	vst v63  }
0x4f: {  	s8 =	simm.s32 $0x6800  }
0x50: {  	[tilespmem:s8], [sflag:$0x2] =	stream.indirect_vreg.gather [hbm4b:s7+s2], $0x80, v4, vm0, $0xb8;
	[tilespmem:$0x1D000] =	vst v63  }
0x51: {  	s10 =	simm.s32 $0x7000  }
0x52: {  	[tilespmem:s10], [sflag:$0x2] =	stream.indirect_vreg.gather [hbm4b:s4+s2], $0x80, v3, vm0, $0xb8;
	[tilespmem:$0x1D000] =	vst v63  }
0x53: {  	s14 =	simm.s32 $0x7800  }
0x54: {  	[tilespmem:s14], [sflag:$0x2] =	stream.indirect_vreg.gather [hbm4b:s5+s2], $0x80, v3, vm0, $0xb8;
	[tilespmem:$0x1D000] =	vst v63  }
0x55: {  	s22 =	simm.s32 $0x8000  }
0x56: {  	[tilespmem:s22], [sflag:$0x2] =	stream.indirect_vreg.gather [hbm4b:s6+s2], $0x80, v3, vm0, $0xb8;
	[tilespmem:$0x1D000] =	vst v63  }
0x57: {  	s26 =	simm.s32 $0x8800  }
0x58: {  	[tilespmem:s26], [sflag:$0x2] =	stream.indirect_vreg.gather [hbm4b:s7+s2], $0x80, v3, vm0, $0xb8;
	[tilespmem:$0x1D000] =	vst v63  }
0x59: {  	v3 =	vld [tilespmem:$0x100];
	_ =	sdelay $0x4  }
0x5a: {  	v34 =	vshll.u32 v3, $0x3  }
0x5b: {  	v3 =	vand.u32 $0x7, v3;
	v4 =	vand.u32 $0xFFFFFFC0, v34  }
0x5c: {  	v3 =	vor.u32 v3, v4  }
0x5d: {  	v4 =	vperm.xlane v3, v0;
	_ =	sdelay $0x1  }
0x5e: {  	v4 =	vadd.s32 v1, v4;
	_ =	sdelay $0x3  }
0x5f: {  	s29 =	simm.s32 $0x9000  }
0x60: {  	[tilespmem:s29], [sflag:$0x3] =	stream.indirect_vreg.gather [hbm4b:s4+s2], $0x80, v4, vm0, $0xb8;
	[tilespmem:$0x1D000] =	vst v63  }
0x61: {  	s10 =	simm.s32 $0x9800;
	v3 =	vperm.xlane v3, v2  }
0x62: {  	[tilespmem:s10], [sflag:$0x3] =	stream.indirect_vreg.gather [hbm4b:s5+s2], $0x80, v4, vm0, $0xb8;
	[tilespmem:$0x1D000] =	vst v63  }
0x63: {  	s0 =	simm.s32 $0xA000;
	v3 =	vadd.s32 v1, v3  }
0x64: {  	[tilespmem:s0], [sflag:$0x3] =	stream.indirect_vreg.gather [hbm4b:s6+s2], $0x80, v4, vm0, $0xb8;
	[tilespmem:$0x1D000] =	vst v63  }
0x65: {  	s3 =	simm.s32 $0xA800  }
0x66: {  	[tilespmem:s3], [sflag:$0x3] =	stream.indirect_vreg.gather [hbm4b:s7+s2], $0x80, v4, vm0, $0xb8;
	[tilespmem:$0x1D000] =	vst v63  }
0x67: {  	s8 =	simm.s32 $0xB000  }
0x68: {  	[tilespmem:s8], [sflag:$0x3] =	stream.indirect_vreg.gather [hbm4b:s4+s2], $0x80, v3, vm0, $0xb8;
	[tilespmem:$0x1D000] =	vst v63  }
0x69: {  	s14 =	simm.s32 $0xB800  }
0x6a: {  	[tilespmem:s14], [sflag:$0x3] =	stream.indirect_vreg.gather [hbm4b:s5+s2], $0x80, v3, vm0, $0xb8;
	[tilespmem:$0x1D000] =	vst v63  }
0x6b: {  	s22 =	simm.s32 $0xC000  }
0x6c: {  	[tilespmem:s22], [sflag:$0x3] =	stream.indirect_vreg.gather [hbm4b:s6+s2], $0x80, v3, vm0, $0xb8;
	[tilespmem:$0x1D000] =	vst v63  }
0x6d: {  	s0 =	simm.s32 $0xC800  }
0x6e: {  	[tilespmem:s0], [sflag:$0x3] =	stream.indirect_vreg.gather [hbm4b:s7+s2], $0x80, v3, vm0, $0xb8;
	[tilespmem:$0x1D000] =	vst v63  }
0x6f: {  	v3 =	vld [tilespmem:$0x180];
	_ =	sdelay $0x4  }
0x70: {  	v35 =	vshll.u32 v3, $0x3  }
0x71: {  	v3 =	vand.u32 $0x7, v3;
	v4 =	vand.u32 $0xFFFFFFC0, v35  }
0x72: {  	v3 =	vor.u32 v3, v4  }
0x73: {  	v4 =	vperm.xlane v3, v0;
	_ =	sdelay $0x1  }
0x74: {  	v4 =	vadd.s32 v1, v4;
	_ =	sdelay $0x3  }
0x75: {  	s3 =	simm.s32 $0xD000  }
0x76: {  	[tilespmem:s3], [sflag:$0x4] =	stream.indirect_vreg.gather [hbm4b:s4+s2], $0x80, v4, vm0, $0xb8;
	[tilespmem:$0x1D000] =	vst v63  }
0x77: {  	s8 =	simm.s32 $0xD800;
	v3 =	vperm.xlane v3, v2  }
0x78: {  	[tilespmem:s8], [sflag:$0x4] =	stream.indirect_vreg.gather [hbm4b:s5+s2], $0x80, v4, vm0, $0xb8;
	[tilespmem:$0x1D000] =	vst v63  }
0x79: {  	s10 =	simm.s32 $0xE000;
	v3 =	vadd.s32 v1, v3  }
0x7a: {  	[tilespmem:s10], [sflag:$0x4] =	stream.indirect_vreg.gather [hbm4b:s6+s2], $0x80, v4, vm0, $0xb8;
	[tilespmem:$0x1D000] =	vst v63  }
0x7b: {  	s22 =	simm.s32 $0xE800  }
0x7c: {  	[tilespmem:s22], [sflag:$0x4] =	stream.indirect_vreg.gather [hbm4b:s7+s2], $0x80, v4, vm0, $0xb8;
	[tilespmem:$0x1D000] =	vst v63  }
0x7d: {  	s0 =	simm.s32 $0xF000  }
0x7e: {  	[tilespmem:s0], [sflag:$0x4] =	stream.indirect_vreg.gather [hbm4b:s4+s2], $0x80, v3, vm0, $0xb8;
	[tilespmem:$0x1D000] =	vst v63  }
0x7f: {  	s3 =	simm.s32 $0xF800  }
0x80: {  	[tilespmem:s3], [sflag:$0x4] =	stream.indirect_vreg.gather [hbm4b:s5+s2], $0x80, v3, vm0, $0xb8;
	[tilespmem:$0x1D000] =	vst v63  }
0x81: {  	s8 =	simm.s32 $0x10000  }
0x82: {  	[tilespmem:s8], [sflag:$0x4] =	stream.indirect_vreg.gather [hbm4b:s6+s2], $0x80, v3, vm0, $0xb8;
	[tilespmem:$0x1D000] =	vst v63  }
0x83: {  	s10 =	simm.s32 $0x10800  }
0x84: {  	[tilespmem:s10], [sflag:$0x4] =	stream.indirect_vreg.gather [hbm4b:s7+s2], $0x80, v3, vm0, $0xb8;
	[tilespmem:$0x1D000] =	vst v63  }
0x85: {  	_ =	swait.ge [sflag:s19], $0x4000  }
0x86: {  	[sflag:s19] =	ssyncset.done $0x0  }
0x87: {  	[sflag:s19] =	ssyncadd.s32 $0xFFFFC000  }
0x88: {  	v3 =	vld [tilespmem:$0x200];
	_ =	sdelay $0x4  }
0x89: {  	v36 =	vshll.u32 v3, $0x3  }
0x8a: {  	v3 =	vand.u32 $0x7, v3;
	v4 =	vand.u32 $0xFFFFFFC0, v36  }
0x8b: {  	v3 =	vor.u32 v3, v4  }
0x8c: {  	v4 =	vperm.xlane v3, v0;
	_ =	sdelay $0x1  }
0x8d: {  	v4 =	vadd.s32 v1, v4;
	_ =	sdelay $0x3  }
0x8e: {  	s22 =	simm.s32 $0x11000  }
0x8f: {  	[tilespmem:s22], [sflag:$0x5] =	stream.indirect_vreg.gather [hbm4b:s4+s2], $0x80, v4, vm0, $0xb8;
	[tilespmem:$0x1D000] =	vst v63  }
0x90: {  	s3 =	simm.s32 $0x11800;
	v3 =	vperm.xlane v3, v2  }
0x91: {  	[tilespmem:s3], [sflag:$0x5] =	stream.indirect_vreg.gather [hbm4b:s5+s2], $0x80, v4, vm0, $0xb8;
	[tilespmem:$0x1D000] =	vst v63  }
0x92: {  	s8 =	simm.s32 $0x12000;
	v3 =	vadd.s32 v1, v3  }
0x93: {  	[tilespmem:s8], [sflag:$0x5] =	stream.indirect_vreg.gather [hbm4b:s6+s2], $0x80, v4, vm0, $0xb8;
	[tilespmem:$0x1D000] =	vst v63  }
0x94: {  	s10 =	simm.s32 $0x12800  }
0x95: {  	[tilespmem:s10], [sflag:$0x5] =	stream.indirect_vreg.gather [hbm4b:s7+s2], $0x80, v4, vm0, $0xb8;
	[tilespmem:$0x1D000] =	vst v63  }
0x96: {  	s14 =	simm.s32 $0x13000  }
0x97: {  	[tilespmem:s14], [sflag:$0x5] =	stream.indirect_vreg.gather [hbm4b:s4+s2], $0x80, v3, vm0, $0xb8;
	[tilespmem:$0x1D000] =	vst v63  }
0x98: {  	s22 =	simm.s32 $0x13800  }
0x99: {  	[tilespmem:s22], [sflag:$0x5] =	stream.indirect_vreg.gather [hbm4b:s5+s2], $0x80, v3, vm0, $0xb8;
	[tilespmem:$0x1D000] =	vst v63  }
0x9a: {  	s3 =	simm.s32 $0x14000  }
0x9b: {  	[tilespmem:s3], [sflag:$0x5] =	stream.indirect_vreg.gather [hbm4b:s6+s2], $0x80, v3, vm0, $0xb8;
	[tilespmem:$0x1D000] =	vst v63  }
0x9c: {  	s8 =	simm.s32 $0x14800;
	s10 =	sld [smem:$0x7FC]  }
0x9d: {  	[tilespmem:s8], [sflag:$0x5] =	stream.indirect_vreg.gather [hbm4b:s7+s2], $0x80, v3, vm0, $0xb8;
	[tilespmem:$0x1D000] =	vst v63  }
0x9e: {  	s22 =	simm.s32 $0x1000  }
0x9f: {  	[hbm4b:s10+s2] =	stream.linear.scatter [tilespmem:s22], [sflag:$0x8], $0x4000, $0x38;
	[tilespmem:$0x1D000] =	vst v63  }
0xa0: {  	_ =	swait.ge [sflag:s21], $0x4000  }
0xa1: {  	[sflag:s21] =	ssyncset.done $0x0  }
0xa2: {  	[sflag:s21] =	ssyncadd.s32 $0xFFFFC000  }
0xa3: {  	v3 =	vld [tilespmem:$0x280];
	_ =	sdelay $0x4  }
0xa4: {  	v37 =	vshll.u32 v3, $0x3  }
0xa5: {  	v3 =	vand.u32 $0x7, v3;
	v4 =	vand.u32 $0xFFFFFFC0, v37  }
0xa6: {  	v3 =	vor.u32 v3, v4  }
0xa7: {  	v4 =	vperm.xlane v3, v0;
	_ =	sdelay $0x1  }
0xa8: {  	v4 =	vadd.s32 v1, v4;
	_ =	sdelay $0x3  }
0xa9: {  	s14 =	simm.s32 $0x15000  }
0xaa: {  	[tilespmem:s14], [sflag:$0x6] =	stream.indirect_vreg.gather [hbm4b:s4+s2], $0x80, v4, vm0, $0xb8;
	[tilespmem:$0x1D000] =	vst v63  }
0xab: {  	s3 =	simm.s32 $0x15800;
	v3 =	vperm.xlane v3, v2  }
0xac: {  	[tilespmem:s3], [sflag:$0x6] =	stream.indirect_vreg.gather [hbm4b:s5+s2], $0x80, v4, vm0, $0xb8;
	[tilespmem:$0x1D000] =	vst v63  }
0xad: {  	s8 =	simm.s32 $0x16000;
	v3 =	vadd.s32 v1, v3  }
0xae: {  	[tilespmem:s8], [sflag:$0x6] =	stream.indirect_vreg.gather [hbm4b:s6+s2], $0x80, v4, vm0, $0xb8;
	[tilespmem:$0x1D000] =	vst v63  }
0xaf: {  	s10 =	simm.s32 $0x16800  }
0xb0: {  	[tilespmem:s10], [sflag:$0x6] =	stream.indirect_vreg.gather [hbm4b:s7+s2], $0x80, v4, vm0, $0xb8;
	[tilespmem:$0x1D000] =	vst v63  }
0xb1: {  	s14 =	simm.s32 $0x17000  }
0xb2: {  	[tilespmem:s14], [sflag:$0x6] =	stream.indirect_vreg.gather [hbm4b:s4+s2], $0x80, v3, vm0, $0xb8;
	[tilespmem:$0x1D000] =	vst v63  }
0xb3: {  	s3 =	simm.s32 $0x17800  }
0xb4: {  	[tilespmem:s3], [sflag:$0x6] =	stream.indirect_vreg.gather [hbm4b:s5+s2], $0x80, v3, vm0, $0xb8;
	[tilespmem:$0x1D000] =	vst v63  }
0xb5: {  	s8 =	simm.s32 $0x18000  }
0xb6: {  	[tilespmem:s8], [sflag:$0x6] =	stream.indirect_vreg.gather [hbm4b:s6+s2], $0x80, v3, vm0, $0xb8;
	[tilespmem:$0x1D000] =	vst v63  }
0xb7: {  	s3 =	simm.s32 $0x18800  }
0xb8: {  	[tilespmem:s3], [sflag:$0x6] =	stream.indirect_vreg.gather [hbm4b:s7+s2], $0x80, v3, vm0, $0xb8;
	[tilespmem:$0x1D000] =	vst v63  }
0xb9: {  	s0 =	simm.s32 $0x5000;
	s10 =	rddreg [dreg:$0x4]  }
0xba: {  	[hbm4b:s10+s2] =	stream.linear.scatter [tilespmem:s0], [sflag:$0x9], $0x4000, $0x38;
	[tilespmem:$0x1D000] =	vst v63  }
0xbb: {  	_ =	swait.ge [sflag:s23], $0x4000  }
0xbc: {  	[sflag:s23] =	ssyncset.done $0x0  }
0xbd: {  	[sflag:s23] =	ssyncadd.s32 $0xFFFFC000  }
0xbe: {  	v3 =	vld [tilespmem:$0x300];
	_ =	sdelay $0x4  }
0xbf: {  	v38 =	vshll.u32 v3, $0x3  }
0xc0: {  	v3 =	vand.u32 $0x7, v3;
	v4 =	vand.u32 $0xFFFFFFC0, v38  }
0xc1: {  	v3 =	vor.u32 v3, v4  }
0xc2: {  	v4 =	vperm.xlane v3, v0;
	_ =	sdelay $0x1  }
0xc3: {  	v4 =	vadd.s32 v1, v4;
	_ =	sdelay $0x3  }
0xc4: {  	s8 =	simm.s32 $0x19000  }
0xc5: {  	[tilespmem:s8], [sflag:$0x7] =	stream.indirect_vreg.gather [hbm4b:s4+s2], $0x80, v4, vm0, $0xb8;
	[tilespmem:$0x1D000] =	vst v63  }
0xc6: {  	s10 =	simm.s32 $0x19800;
	v3 =	vperm.xlane v3, v2  }
0xc7: {  	[tilespmem:s10], [sflag:$0x7] =	stream.indirect_vreg.gather [hbm4b:s5+s2], $0x80, v4, vm0, $0xb8;
	[tilespmem:$0x1D000] =	vst v63  }
0xc8: {  	s14 =	simm.s32 $0x1A000;
	v3 =	vadd.s32 v1, v3  }
0xc9: {  	[tilespmem:s14], [sflag:$0x7] =	stream.indirect_vreg.gather [hbm4b:s6+s2], $0x80, v4, vm0, $0xb8;
	[tilespmem:$0x1D000] =	vst v63  }
0xca: {  	s8 =	simm.s32 $0x1A800  }
0xcb: {  	[tilespmem:s8], [sflag:$0x7] =	stream.indirect_vreg.gather [hbm4b:s7+s2], $0x80, v4, vm0, $0xb8;
	[tilespmem:$0x1D000] =	vst v63  }
0xcc: {  	s14 =	simm.s32 $0x1B000  }
0xcd: {  	[tilespmem:s14], [sflag:$0x7] =	stream.indirect_vreg.gather [hbm4b:s4+s2], $0x80, v3, vm0, $0xb8;
	[tilespmem:$0x1D000] =	vst v63  }
0xce: {  	s8 =	simm.s32 $0x1B800  }
0xcf: {  	[tilespmem:s8], [sflag:$0x7] =	stream.indirect_vreg.gather [hbm4b:s5+s2], $0x80, v3, vm0, $0xb8;
	[tilespmem:$0x1D000] =	vst v63  }
0xd0: {  	s14 =	simm.s32 $0x1C000  }
0xd1: {  	[tilespmem:s14], [sflag:$0x7] =	stream.indirect_vreg.gather [hbm4b:s6+s2], $0x80, v3, vm0, $0xb8;
	[tilespmem:$0x1D000] =	vst v63  }
0xd2: {  	s8 =	simm.s32 $0x1C800  }
0xd3: {  	[tilespmem:s8], [sflag:$0x7] =	stream.indirect_vreg.gather [hbm4b:s7+s2], $0x80, v3, vm0, $0xb8;
	[tilespmem:$0x1D000] =	vst v63  }
0xd4: {  	s14 =	rddreg [dreg:$0x5];
	s8 =	simm.s32 $0x9000  }
0xd5: {  	[hbm4b:s14+s2] =	stream.linear.scatter [tilespmem:s8], [sflag:$0xA], $0x4000, $0x38;
	[tilespmem:$0x1D000] =	vst v63  }
0xd6: {  	_ =	swait.ge [sflag:s25], $0x4000  }
0xd7: {  	[sflag:s25] =	ssyncset.done $0x0  }
0xd8: {  	[sflag:s25] =	ssyncadd.s32 $0xFFFFC000  }
0xd9: {  	_ =	swait.ge [sflag:s28], $0x4000  }
0xda: {  	[sflag:s28] =	ssyncset.done $0x0  }
0xdb: {  	[sflag:s28] =	ssyncadd.s32 $0xFFFFC000  }
0xdc: {  	v3 =	vld [tilespmem:$0x380];
	_ =	sdelay $0x4  }
0xdd: {  	v39 =	vshll.u32 v3, $0x3  }
0xde: {  	v3 =	vand.u32 $0x7, v3;
	v4 =	vand.u32 $0xFFFFFFC0, v39  }
0xdf: {  	v3 =	vor.u32 v3, v4  }
0xe0: {  	v4 =	vperm.xlane v3, v0;
	_ =	sdelay $0x1  }
0xe1: {  	v4 =	vadd.s32 v1, v4;
	_ =	sdelay $0x4  }
0xe2: {  	[tilespmem:s22], [sflag:$0x1] =	stream.indirect_vreg.gather [hbm4b:s4+s2], $0x80, v4, vm0, $0xb8;
	[tilespmem:$0x1D000] =	vst v63  }
0xe3: {  	s24 =	simm.s32 $0x1800;
	v3 =	vperm.xlane v3, v2  }
0xe4: {  	[tilespmem:s24], [sflag:$0x1] =	stream.indirect_vreg.gather [hbm4b:s5+s2], $0x80, v4, vm0, $0xb8;
	[tilespmem:$0x1D000] =	vst v63  }
0xe5: {  	s31 =	simm.s32 $0x2000;
	v3 =	vadd.s32 v1, v3  }
0xe6: {  	[tilespmem:s31], [sflag:$0x1] =	stream.indirect_vreg.gather [hbm4b:s6+s2], $0x80, v4, vm0, $0xb8;
	[tilespmem:$0x1D000] =	vst v63  }
0xe7: {  	s24 =	simm.s32 $0x2800  }
0xe8: {  	[tilespmem:s24], [sflag:$0x1] =	stream.indirect_vreg.gather [hbm4b:s7+s2], $0x80, v4, vm0, $0xb8;
	[tilespmem:$0x1D000] =	vst v63  }
0xe9: {  	s12 =	simm.s32 $0x3000  }
0xea: {  	[tilespmem:s12], [sflag:$0x1] =	stream.indirect_vreg.gather [hbm4b:s4+s2], $0x80, v3, vm0, $0xb8;
	[tilespmem:$0x1D000] =	vst v63  }
0xeb: {  	s13 =	simm.s32 $0x3800  }
0xec: {  	[tilespmem:s13], [sflag:$0x1] =	stream.indirect_vreg.gather [hbm4b:s5+s2], $0x80, v3, vm0, $0xb8;
	[tilespmem:$0x1D000] =	vst v63  }
0xed: {  	s3 =	simm.s32 $0x4000  }
0xee: {  	[tilespmem:s3], [sflag:$0x1] =	stream.indirect_vreg.gather [hbm4b:s6+s2], $0x80, v3, vm0, $0xb8;
	[tilespmem:$0x1D000] =	vst v63  }
0xef: {  	s18 =	simm.s32 $0x4800  }
0xf0: {  	[tilespmem:s18], [sflag:$0x1] =	stream.indirect_vreg.gather [hbm4b:s7+s2], $0x80, v3, vm0, $0xb8;
	[tilespmem:$0x1D000] =	vst v63  }
0xf1: {  	s31 =	simm.s32 $0x5;
	s12 =	simm.s32 $0xD000;
	s13 =	rddreg [dreg:$0x6]  }
0xf2: {  	[hbm4b:s13+s2] =	stream.linear.scatter [tilespmem:s12], [sflag:$0xB], $0x4000, $0x38;
	[tilespmem:$0x1D000] =	vst v63  }
0xf3: {  	_ =	swait.ge [sflag:s31], $0x4000  }
0xf4: {  	[sflag:s31] =	ssyncset.done $0x0  }
0xf5: {  	[sflag:s31] =	ssyncadd.s32 $0xFFFFC000  }
0xf6: {  	_ =	swait.ge [sflag:s30], $0x4000  }
0xf7: {  	[sflag:s30] =	ssyncset.done $0x0  }
0xf8: {  	[sflag:s30] =	ssyncadd.s32 $0xFFFFC000  }
0xf9: {  	v3 =	vld [tilespmem:$0x400];
	_ =	sdelay $0x4  }
0xfa: {  	v40 =	vshll.u32 v3, $0x3  }
0xfb: {  	v3 =	vand.u32 $0x7, v3;
	v4 =	vand.u32 $0xFFFFFFC0, v40  }
0xfc: {  	v3 =	vor.u32 v3, v4  }
0xfd: {  	v4 =	vperm.xlane v3, v0;
	_ =	sdelay $0x1  }
0xfe: {  	v4 =	vadd.s32 v1, v4;
	_ =	sdelay $0x4  }
0xff: {  	[tilespmem:s0], [sflag:$0x2] =	stream.indirect_vreg.gather [hbm4b:s4+s2], $0x80, v4, vm0, $0xb8;
	[tilespmem:$0x1D000] =	vst v63  }
0x100: {  	s11 =	simm.s32 $0x5800;
	v3 =	vperm.xlane v3, v2  }
0x101: {  	[tilespmem:s11], [sflag:$0x2] =	stream.indirect_vreg.gather [hbm4b:s5+s2], $0x80, v4, vm0, $0xb8;
	[tilespmem:$0x1D000] =	vst v63  }
0x102: {  	s17 =	simm.s32 $0x6000;
	v3 =	vadd.s32 v1, v3  }
0x103: {  	[tilespmem:s17], [sflag:$0x2] =	stream.indirect_vreg.gather [hbm4b:s6+s2], $0x80, v4, vm0, $0xb8;
	[tilespmem:$0x1D000] =	vst v63  }
0x104: {  	s15 =	simm.s32 $0x6800  }
0x105: {  	[tilespmem:s15], [sflag:$0x2] =	stream.indirect_vreg.gather [hbm4b:s7+s2], $0x80, v4, vm0, $0xb8;
	[tilespmem:$0x1D000] =	vst v63  }
0x106: {  	s20 =	simm.s32 $0x7000  }
0x107: {  	[tilespmem:s20], [sflag:$0x2] =	stream.indirect_vreg.gather [hbm4b:s4+s2], $0x80, v3, vm0, $0xb8;
	[tilespmem:$0x1D000] =	vst v63  }
0x108: {  	s22 =	simm.s32 $0x7800  }
0x109: {  	[tilespmem:s22], [sflag:$0x2] =	stream.indirect_vreg.gather [hbm4b:s5+s2], $0x80, v3, vm0, $0xb8;
	[tilespmem:$0x1D000] =	vst v63  }
0x10a: {  	s14 =	simm.s32 $0x8000  }
0x10b: {  	[tilespmem:s14], [sflag:$0x2] =	stream.indirect_vreg.gather [hbm4b:s6+s2], $0x80, v3, vm0, $0xb8;
	[tilespmem:$0x1D000] =	vst v63  }
0x10c: {  	s26 =	simm.s32 $0x8800  }
0x10d: {  	[tilespmem:s26], [sflag:$0x2] =	stream.indirect_vreg.gather [hbm4b:s7+s2], $0x80, v3, vm0, $0xb8;
	[tilespmem:$0x1D000] =	vst v63  }
0x10e: {  	s13 =	simm.s32 $0x11000;
	s0 =	simm.s32 $0x6;
	s15 =	rddreg [dreg:$0x7]  }
0x10f: {  	[hbm4b:s15+s2] =	stream.linear.scatter [tilespmem:s13], [sflag:$0xC], $0x4000, $0x38;
	[tilespmem:$0x1D000] =	vst v63  }
0x110: {  	_ =	swait.ge [sflag:s0], $0x4000  }
0x111: {  	[sflag:s0] =	ssyncset.done $0x0  }
0x112: {  	[sflag:s0] =	ssyncadd.s32 $0xFFFFC000  }
0x113: {  	_ =	swait.ge [sflag:s1], $0x4000  }
0x114: {  	[sflag:s1] =	ssyncset.done $0x0  }
0x115: {  	[sflag:s1] =	ssyncadd.s32 $0xFFFFC000  }
0x116: {  	v3 =	vld [tilespmem:$0x480];
	_ =	sdelay $0x4  }
0x117: {  	v41 =	vshll.u32 v3, $0x3  }
0x118: {  	v3 =	vand.u32 $0x7, v3;
	v4 =	vand.u32 $0xFFFFFFC0, v41  }
0x119: {  	v3 =	vor.u32 v3, v4  }
0x11a: {  	v4 =	vperm.xlane v3, v0;
	_ =	sdelay $0x1  }
0x11b: {  	v4 =	vadd.s32 v1, v4;
	_ =	sdelay $0x4  }
0x11c: {  	[tilespmem:s8], [sflag:$0x3] =	stream.indirect_vreg.gather [hbm4b:s4+s2], $0x80, v4, vm0, $0xb8;
	[tilespmem:$0x1D000] =	vst v63  }
0x11d: {  	s29 =	simm.s32 $0x9800;
	v3 =	vperm.xlane v3, v2  }
0x11e: {  	[tilespmem:s29], [sflag:$0x3] =	stream.indirect_vreg.gather [hbm4b:s5+s2], $0x80, v4, vm0, $0xb8;
	[tilespmem:$0x1D000] =	vst v63  }
0x11f: {  	s17 =	simm.s32 $0xA000;
	v3 =	vadd.s32 v1, v3  }
0x120: {  	[tilespmem:s17], [sflag:$0x3] =	stream.indirect_vreg.gather [hbm4b:s6+s2], $0x80, v4, vm0, $0xb8;
	[tilespmem:$0x1D000] =	vst v63  }
0x121: {  	s18 =	simm.s32 $0xA800  }
0x122: {  	[tilespmem:s18], [sflag:$0x3] =	stream.indirect_vreg.gather [hbm4b:s7+s2], $0x80, v4, vm0, $0xb8;
	[tilespmem:$0x1D000] =	vst v63  }
0x123: {  	s20 =	simm.s32 $0xB000  }
0x124: {  	[tilespmem:s20], [sflag:$0x3] =	stream.indirect_vreg.gather [hbm4b:s4+s2], $0x80, v3, vm0, $0xb8;
	[tilespmem:$0x1D000] =	vst v63  }
0x125: {  	s26 =	simm.s32 $0xB800  }
0x126: {  	[tilespmem:s26], [sflag:$0x3] =	stream.indirect_vreg.gather [hbm4b:s5+s2], $0x80, v3, vm0, $0xb8;
	[tilespmem:$0x1D000] =	vst v63  }
0x127: {  	s29 =	simm.s32 $0xC000  }
0x128: {  	[tilespmem:s29], [sflag:$0x3] =	stream.indirect_vreg.gather [hbm4b:s6+s2], $0x80, v3, vm0, $0xb8;
	[tilespmem:$0x1D000] =	vst v63  }
0x129: {  	s17 =	simm.s32 $0xC800  }
0x12a: {  	[tilespmem:s17], [sflag:$0x3] =	stream.indirect_vreg.gather [hbm4b:s7+s2], $0x80, v3, vm0, $0xb8;
	[tilespmem:$0x1D000] =	vst v63  }
0x12b: {  	s11 =	rddreg [dreg:$0x8];
	s8 =	simm.s32 $0x15000  }
0x12c: {  	[hbm4b:s11+s2] =	stream.linear.scatter [tilespmem:s8], [sflag:$0xD], $0x4000, $0x38;
	[tilespmem:$0x1D000] =	vst v63  }
0x12d: {  	s11 =	simm.s32 $0x7  }
0x12e: {  	_ =	swait.ge [sflag:s11], $0x4000  }
0x12f: {  	[sflag:s11] =	ssyncset.done $0x0  }
0x130: {  	[sflag:s11] =	ssyncadd.s32 $0xFFFFC000  }
0x131: {  	_ =	swait.ge [sflag:s9], $0x4000  }
0x132: {  	[sflag:s9] =	ssyncset.done $0x0  }
0x133: {  	[sflag:s9] =	ssyncadd.s32 $0xFFFFC000  }
0x134: {  	v3 =	vld [tilespmem:$0x500];
	_ =	sdelay $0x4  }
0x135: {  	v42 =	vshll.u32 v3, $0x3  }
0x136: {  	v3 =	vand.u32 $0x7, v3;
	v4 =	vand.u32 $0xFFFFFFC0, v42  }
0x137: {  	v3 =	vor.u32 v3, v4  }
0x138: {  	v4 =	vperm.xlane v3, v0;
	_ =	sdelay $0x1  }
0x139: {  	v4 =	vadd.s32 v1, v4;
	_ =	sdelay $0x4  }
0x13a: {  	[tilespmem:s12], [sflag:$0x4] =	stream.indirect_vreg.gather [hbm4b:s4+s2], $0x80, v4, vm0, $0xb8;
	[tilespmem:$0x1D000] =	vst v63  }
0x13b: {  	s18 =	simm.s32 $0xD800;
	v3 =	vperm.xlane v3, v2  }
0x13c: {  	[tilespmem:s18], [sflag:$0x4] =	stream.indirect_vreg.gather [hbm4b:s5+s2], $0x80, v4, vm0, $0xb8;
	[tilespmem:$0x1D000] =	vst v63  }
0x13d: {  	s26 =	simm.s32 $0xE000;
	v3 =	vadd.s32 v1, v3  }
0x13e: {  	[tilespmem:s26], [sflag:$0x4] =	stream.indirect_vreg.gather [hbm4b:s6+s2], $0x80, v4, vm0, $0xb8;
	[tilespmem:$0x1D000] =	vst v63  }
0x13f: {  	s29 =	simm.s32 $0xE800  }
0x140: {  	[tilespmem:s29], [sflag:$0x4] =	stream.indirect_vreg.gather [hbm4b:s7+s2], $0x80, v4, vm0, $0xb8;
	[tilespmem:$0x1D000] =	vst v63  }
0x141: {  	s14 =	simm.s32 $0xF000  }
0x142: {  	[tilespmem:s14], [sflag:$0x4] =	stream.indirect_vreg.gather [hbm4b:s4+s2], $0x80, v3, vm0, $0xb8;
	[tilespmem:$0x1D000] =	vst v63  }
0x143: {  	s17 =	simm.s32 $0xF800  }
0x144: {  	[tilespmem:s17], [sflag:$0x4] =	stream.indirect_vreg.gather [hbm4b:s5+s2], $0x80, v3, vm0, $0xb8;
	[tilespmem:$0x1D000] =	vst v63  }
0x145: {  	s18 =	simm.s32 $0x10000  }
0x146: {  	[tilespmem:s18], [sflag:$0x4] =	stream.indirect_vreg.gather [hbm4b:s6+s2], $0x80, v3, vm0, $0xb8;
	[tilespmem:$0x1D000] =	vst v63  }
0x147: {  	s29 =	simm.s32 $0x10800  }
0x148: {  	[tilespmem:s29], [sflag:$0x4] =	stream.indirect_vreg.gather [hbm4b:s7+s2], $0x80, v3, vm0, $0xb8;
	[tilespmem:$0x1D000] =	vst v63  }
0x149: {  	s26 =	rddreg [dreg:$0x9];
	s29 =	simm.s32 $0x19000  }
0x14a: {  	[hbm4b:s26+s2] =	stream.linear.scatter [tilespmem:s29], [sflag:$0xE], $0x4000, $0x38;
	[tilespmem:$0x1D000] =	vst v63  }
0x14b: {  	_ =	swait.ge [sflag:s19], $0x4000  }
0x14c: {  	[sflag:s19] =	ssyncset.done $0x0  }
0x14d: {  	s12 =	simm.s32 $0xC;
	[sflag:s19] =	ssyncadd.s32 $0xFFFFC000  }
0x14e: {  	_ =	swait.ge [sflag:s12], $0x4000  }
0x14f: {  	[sflag:s12] =	ssyncset.done $0x0  }
0x150: {  	[sflag:s12] =	ssyncadd.s32 $0xFFFFC000  }
0x151: {  	v3 =	vld [tilespmem:$0x580];
	_ =	sdelay $0x4  }
0x152: {  	v43 =	vshll.u32 v3, $0x3  }
0x153: {  	v3 =	vand.u32 $0x7, v3;
	v4 =	vand.u32 $0xFFFFFFC0, v43  }
0x154: {  	v3 =	vor.u32 v3, v4  }
0x155: {  	v4 =	vperm.xlane v3, v0;
	_ =	sdelay $0x1  }
0x156: {  	v4 =	vadd.s32 v1, v4;
	_ =	sdelay $0x4  }
0x157: {  	[tilespmem:s13], [sflag:$0x5] =	stream.indirect_vreg.gather [hbm4b:s4+s2], $0x80, v4, vm0, $0xb8;
	[tilespmem:$0x1D000] =	vst v63  }
0x158: {  	s17 =	simm.s32 $0x11800;
	v3 =	vperm.xlane v3, v2  }
0x159: {  	[tilespmem:s17], [sflag:$0x5] =	stream.indirect_vreg.gather [hbm4b:s5+s2], $0x80, v4, vm0, $0xb8;
	[tilespmem:$0x1D000] =	vst v63  }
0x15a: {  	s26 =	simm.s32 $0x12000;
	v3 =	vadd.s32 v1, v3  }
0x15b: {  	[tilespmem:s26], [sflag:$0x5] =	stream.indirect_vreg.gather [hbm4b:s6+s2], $0x80, v4, vm0, $0xb8;
	[tilespmem:$0x1D000] =	vst v63  }
0x15c: {  	s14 =	simm.s32 $0x12800  }
0x15d: {  	[tilespmem:s14], [sflag:$0x5] =	stream.indirect_vreg.gather [hbm4b:s7+s2], $0x80, v4, vm0, $0xb8;
	[tilespmem:$0x1D000] =	vst v63  }
0x15e: {  	s17 =	simm.s32 $0x13000  }
0x15f: {  	[tilespmem:s17], [sflag:$0x5] =	stream.indirect_vreg.gather [hbm4b:s4+s2], $0x80, v3, vm0, $0xb8;
	[tilespmem:$0x1D000] =	vst v63  }
0x160: {  	s26 =	simm.s32 $0x13800  }
0x161: {  	[tilespmem:s26], [sflag:$0x5] =	stream.indirect_vreg.gather [hbm4b:s5+s2], $0x80, v3, vm0, $0xb8;
	[tilespmem:$0x1D000] =	vst v63  }
0x162: {  	s14 =	simm.s32 $0x14000  }
0x163: {  	[tilespmem:s14], [sflag:$0x5] =	stream.indirect_vreg.gather [hbm4b:s6+s2], $0x80, v3, vm0, $0xb8;
	[tilespmem:$0x1D000] =	vst v63  }
0x164: {  	s17 =	simm.s32 $0x14800  }
0x165: {  	[tilespmem:s17], [sflag:$0x5] =	stream.indirect_vreg.gather [hbm4b:s7+s2], $0x80, v3, vm0, $0xb8;
	[tilespmem:$0x1D000] =	vst v63  }
0x166: {  	s26 =	simm.s32 $0x1000;
	s14 =	rddreg [dreg:$0xa]  }
0x167: {  	[hbm4b:s14+s2] =	stream.linear.scatter [tilespmem:s26], [sflag:$0x8], $0x4000, $0x38;
	[tilespmem:$0x1D000] =	vst v63  }
0x168: {  	_ =	swait.ge [sflag:s21], $0x4000  }
0x169: {  	[sflag:s21] =	ssyncset.done $0x0  }
0x16a: {  	s13 =	simm.s32 $0xD;
	[sflag:s21] =	ssyncadd.s32 $0xFFFFC000  }
0x16b: {  	_ =	swait.ge [sflag:s13], $0x4000  }
0x16c: {  	[sflag:s13] =	ssyncset.done $0x0  }
0x16d: {  	[sflag:s13] =	ssyncadd.s32 $0xFFFFC000  }
0x16e: {  	v3 =	vld [tilespmem:$0x600];
	_ =	sdelay $0x4  }
0x16f: {  	v44 =	vshll.u32 v3, $0x3  }
0x170: {  	v3 =	vand.u32 $0x7, v3;
	v4 =	vand.u32 $0xFFFFFFC0, v44  }
0x171: {  	v3 =	vor.u32 v3, v4  }
0x172: {  	v4 =	vperm.xlane v3, v0;
	_ =	sdelay $0x1  }
0x173: {  	v4 =	vadd.s32 v1, v4;
	_ =	sdelay $0x4  }
0x174: {  	[tilespmem:s8], [sflag:$0x6] =	stream.indirect_vreg.gather [hbm4b:s4+s2], $0x80, v4, vm0, $0xb8;
	[tilespmem:$0x1D000] =	vst v63  }
0x175: {  	s17 =	simm.s32 $0x15800;
	v3 =	vperm.xlane v3, v2  }
0x176: {  	[tilespmem:s17], [sflag:$0x6] =	stream.indirect_vreg.gather [hbm4b:s5+s2], $0x80, v4, vm0, $0xb8;
	[tilespmem:$0x1D000] =	vst v63  }
0x177: {  	s14 =	simm.s32 $0x16000;
	v3 =	vadd.s32 v1, v3  }
0x178: {  	[tilespmem:s14], [sflag:$0x6] =	stream.indirect_vreg.gather [hbm4b:s6+s2], $0x80, v4, vm0, $0xb8;
	[tilespmem:$0x1D000] =	vst v63  }
0x179: {  	s17 =	simm.s32 $0x16800  }
0x17a: {  	[tilespmem:s17], [sflag:$0x6] =	stream.indirect_vreg.gather [hbm4b:s7+s2], $0x80, v4, vm0, $0xb8;
	[tilespmem:$0x1D000] =	vst v63  }
0x17b: {  	s14 =	simm.s32 $0x17000  }
0x17c: {  	[tilespmem:s14], [sflag:$0x6] =	stream.indirect_vreg.gather [hbm4b:s4+s2], $0x80, v3, vm0, $0xb8;
	[tilespmem:$0x1D000] =	vst v63  }
0x17d: {  	s17 =	simm.s32 $0x17800  }
0x17e: {  	[tilespmem:s17], [sflag:$0x6] =	stream.indirect_vreg.gather [hbm4b:s5+s2], $0x80, v3, vm0, $0xb8;
	[tilespmem:$0x1D000] =	vst v63  }
0x17f: {  	s14 =	simm.s32 $0x18000  }
0x180: {  	[tilespmem:s14], [sflag:$0x6] =	stream.indirect_vreg.gather [hbm4b:s6+s2], $0x80, v3, vm0, $0xb8;
	[tilespmem:$0x1D000] =	vst v63  }
0x181: {  	s17 =	simm.s32 $0x18800  }
0x182: {  	[tilespmem:s17], [sflag:$0x6] =	stream.indirect_vreg.gather [hbm4b:s7+s2], $0x80, v3, vm0, $0xb8;
	[tilespmem:$0x1D000] =	vst v63  }
0x183: {  	s14 =	rddreg [dreg:$0xb];
	s17 =	simm.s32 $0x5000  }
0x184: {  	[hbm4b:s14+s2] =	stream.linear.scatter [tilespmem:s17], [sflag:$0x9], $0x4000, $0x38;
	[tilespmem:$0x1D000] =	vst v63  }
0x185: {  	_ =	swait.ge [sflag:s23], $0x4000  }
0x186: {  	[sflag:s23] =	ssyncset.done $0x0  }
0x187: {  	s8 =	simm.s32 $0xE;
	[sflag:s23] =	ssyncadd.s32 $0xFFFFC000  }
0x188: {  	_ =	swait.ge [sflag:s8], $0x4000  }
0x189: {  	[sflag:s8] =	ssyncset.done $0x0  }
0x18a: {  	[sflag:s8] =	ssyncadd.s32 $0xFFFFC000  }
0x18b: {  	v3 =	vld [tilespmem:$0x680];
	_ =	sdelay $0x4  }
0x18c: {  	v45 =	vshll.u32 v3, $0x3  }
0x18d: {  	v3 =	vand.u32 $0x7, v3;
	v4 =	vand.u32 $0xFFFFFFC0, v45  }
0x18e: {  	v3 =	vor.u32 v3, v4  }
0x18f: {  	v4 =	vperm.xlane v3, v0;
	_ =	sdelay $0x1  }
0x190: {  	v4 =	vadd.s32 v1, v4;
	_ =	sdelay $0x4  }
0x191: {  	[tilespmem:s29], [sflag:$0x7] =	stream.indirect_vreg.gather [hbm4b:s4+s2], $0x80, v4, vm0, $0xb8;
	[tilespmem:$0x1D000] =	vst v63  }
0x192: {  	s10 =	simm.s32 $0x19800;
	v3 =	vperm.xlane v3, v2  }
0x193: {  	[tilespmem:s10], [sflag:$0x7] =	stream.indirect_vreg.gather [hbm4b:s5+s2], $0x80, v4, vm0, $0xb8;
	[tilespmem:$0x1D000] =	vst v63  }
0x194: {  	v3 =	vadd.s32 v1, v3;
	s10 =	simm.s32 $0x1A000  }
0x195: {  	[tilespmem:s10], [sflag:$0x7] =	stream.indirect_vreg.gather [hbm4b:s6+s2], $0x80, v4, vm0, $0xb8;
	[tilespmem:$0x1D000] =	vst v63  }
0x196: {  	s10 =	simm.s32 $0x1A800  }
0x197: {  	[tilespmem:s10], [sflag:$0x7] =	stream.indirect_vreg.gather [hbm4b:s7+s2], $0x80, v4, vm0, $0xb8;
	[tilespmem:$0x1D000] =	vst v63  }
0x198: {  	s10 =	simm.s32 $0x1B000  }
0x199: {  	[tilespmem:s10], [sflag:$0x7] =	stream.indirect_vreg.gather [hbm4b:s4+s2], $0x80, v3, vm0, $0xb8;
	[tilespmem:$0x1D000] =	vst v63  }
0x19a: {  	s10 =	simm.s32 $0x1B800  }
0x19b: {  	[tilespmem:s10], [sflag:$0x7] =	stream.indirect_vreg.gather [hbm4b:s5+s2], $0x80, v3, vm0, $0xb8;
	[tilespmem:$0x1D000] =	vst v63  }
0x19c: {  	s14 =	simm.s32 $0x1C000  }
0x19d: {  	[tilespmem:s14], [sflag:$0x7] =	stream.indirect_vreg.gather [hbm4b:s6+s2], $0x80, v3, vm0, $0xb8;
	[tilespmem:$0x1D000] =	vst v63  }
0x19e: {  	s10 =	simm.s32 $0x1C800  }
0x19f: {  	[tilespmem:s10], [sflag:$0x7] =	stream.indirect_vreg.gather [hbm4b:s7+s2], $0x80, v3, vm0, $0xb8;
	[tilespmem:$0x1D000] =	vst v63  }
0x1a0: {  	s15 =	simm.s32 $0x9000;
	s14 =	rddreg [dreg:$0xc]  }
0x1a1: {  	[hbm4b:s14+s2] =	stream.linear.scatter [tilespmem:s15], [sflag:$0xA], $0x4000, $0x38;
	[tilespmem:$0x1D000] =	vst v63  }
0x1a2: {  	_ =	swait.ge [sflag:s25], $0x4000  }
0x1a3: {  	[sflag:s25] =	ssyncset.done $0x0  }
0x1a4: {  	[sflag:s25] =	ssyncadd.s32 $0xFFFFC000  }
0x1a5: {  	_ =	swait.ge [sflag:s28], $0x4000  }
0x1a6: {  	[sflag:s28] =	ssyncset.done $0x0  }
0x1a7: {  	[sflag:s28] =	ssyncadd.s32 $0xFFFFC000  }
0x1a8: {  	v3 =	vld [tilespmem:$0x700];
	_ =	sdelay $0x4  }
0x1a9: {  	v46 =	vshll.u32 v3, $0x3  }
0x1aa: {  	v3 =	vand.u32 $0x7, v3;
	v4 =	vand.u32 $0xFFFFFFC0, v46  }
0x1ab: {  	v3 =	vor.u32 v3, v4  }
0x1ac: {  	v4 =	vperm.xlane v3, v0;
	_ =	sdelay $0x1  }
0x1ad: {  	v4 =	vadd.s32 v1, v4;
	_ =	sdelay $0x3  }
0x1ae: {  	s26 =	simm.s32 $0x1000  }
0x1af: {  	[tilespmem:s26], [sflag:$0x1] =	stream.indirect_vreg.gather [hbm4b:s4+s2], $0x80, v4, vm0, $0xb8;
	[tilespmem:$0x1D000] =	vst v63  }
0x1b0: {  	s14 =	simm.s32 $0x1800;
	v3 =	vperm.xlane v3, v2  }
0x1b1: {  	[tilespmem:s14], [sflag:$0x1] =	stream.indirect_vreg.gather [hbm4b:s5+s2], $0x80, v4, vm0, $0xb8;
	[tilespmem:$0x1D000] =	vst v63  }
0x1b2: {  	v3 =	vadd.s32 v1, v3;
	s14 =	simm.s32 $0x2000  }
0x1b3: {  	[tilespmem:s14], [sflag:$0x1] =	stream.indirect_vreg.gather [hbm4b:s6+s2], $0x80, v4, vm0, $0xb8;
	[tilespmem:$0x1D000] =	vst v63  }
0x1b4: {  	_ = 	snop  }
0x1b5: {  	[tilespmem:s24], [sflag:$0x1] =	stream.indirect_vreg.gather [hbm4b:s7+s2], $0x80, v4, vm0, $0xb8;
	[tilespmem:$0x1D000] =	vst v63  }
0x1b6: {  	s10 =	simm.s32 $0x3000  }
0x1b7: {  	[tilespmem:s10], [sflag:$0x1] =	stream.indirect_vreg.gather [hbm4b:s4+s2], $0x80, v3, vm0, $0xb8;
	[tilespmem:$0x1D000] =	vst v63  }
0x1b8: {  	s24 =	simm.s32 $0x3800  }
0x1b9: {  	[tilespmem:s24], [sflag:$0x1] =	stream.indirect_vreg.gather [hbm4b:s5+s2], $0x80, v3, vm0, $0xb8;
	[tilespmem:$0x1D000] =	vst v63  }
0x1ba: {  	_ = 	snop  }
0x1bb: {  	[tilespmem:s3], [sflag:$0x1] =	stream.indirect_vreg.gather [hbm4b:s6+s2], $0x80, v3, vm0, $0xb8;
	[tilespmem:$0x1D000] =	vst v63  }
0x1bc: {  	s24 =	simm.s32 $0x4800  }
0x1bd: {  	[tilespmem:s24], [sflag:$0x1] =	stream.indirect_vreg.gather [hbm4b:s7+s2], $0x80, v3, vm0, $0xb8;
	[tilespmem:$0x1D000] =	vst v63  }
0x1be: {  	s20 =	simm.s32 $0xD000;
	s14 =	rddreg [dreg:$0xd]  }
0x1bf: {  	[hbm4b:s14+s2] =	stream.linear.scatter [tilespmem:s20], [sflag:$0xB], $0x4000, $0x38;
	[tilespmem:$0x1D000] =	vst v63  }
0x1c0: {  	_ =	swait.ge [sflag:s31], $0x4000  }
0x1c1: {  	[sflag:s31] =	ssyncset.done $0x0  }
0x1c2: {  	[sflag:s31] =	ssyncadd.s32 $0xFFFFC000  }
0x1c3: {  	_ =	swait.ge [sflag:s30], $0x4000  }
0x1c4: {  	[sflag:s30] =	ssyncset.done $0x0  }
0x1c5: {  	[sflag:s30] =	ssyncadd.s32 $0xFFFFC000  }
0x1c6: {  	v3 =	vld [tilespmem:$0x780];
	_ =	sdelay $0x4  }
0x1c7: {  	v47 =	vshll.u32 v3, $0x3  }
0x1c8: {  	v3 =	vand.u32 $0x7, v3;
	v4 =	vand.u32 $0xFFFFFFC0, v47  }
0x1c9: {  	v3 =	vor.u32 v3, v4  }
0x1ca: {  	v4 =	vperm.xlane v3, v0;
	_ =	sdelay $0x1  }
0x1cb: {  	v4 =	vadd.s32 v1, v4;
	_ =	sdelay $0x3  }
0x1cc: {  	s17 =	simm.s32 $0x5000  }
0x1cd: {  	[tilespmem:s17], [sflag:$0x2] =	stream.indirect_vreg.gather [hbm4b:s4+s2], $0x80, v4, vm0, $0xb8;
	[tilespmem:$0x1D000] =	vst v63  }
0x1ce: {  	s14 =	simm.s32 $0x5800;
	v3 =	vperm.xlane v3, v2  }
0x1cf: {  	[tilespmem:s14], [sflag:$0x2] =	stream.indirect_vreg.gather [hbm4b:s5+s2], $0x80, v4, vm0, $0xb8;
	[tilespmem:$0x1D000] =	vst v63  }
0x1d0: {  	s24 =	simm.s32 $0x6000;
	v3 =	vadd.s32 v1, v3  }
0x1d1: {  	[tilespmem:s24], [sflag:$0x2] =	stream.indirect_vreg.gather [hbm4b:s6+s2], $0x80, v4, vm0, $0xb8;
	[tilespmem:$0x1D000] =	vst v63  }
0x1d2: {  	s14 =	simm.s32 $0x6800  }
0x1d3: {  	[tilespmem:s14], [sflag:$0x2] =	stream.indirect_vreg.gather [hbm4b:s7+s2], $0x80, v4, vm0, $0xb8;
	[tilespmem:$0x1D000] =	vst v63  }
0x1d4: {  	s24 =	simm.s32 $0x7000  }
0x1d5: {  	[tilespmem:s24], [sflag:$0x2] =	stream.indirect_vreg.gather [hbm4b:s4+s2], $0x80, v3, vm0, $0xb8;
	[tilespmem:$0x1D000] =	vst v63  }
0x1d6: {  	_ = 	snop  }
0x1d7: {  	[tilespmem:s22], [sflag:$0x2] =	stream.indirect_vreg.gather [hbm4b:s5+s2], $0x80, v3, vm0, $0xb8;
	[tilespmem:$0x1D000] =	vst v63  }
0x1d8: {  	s14 =	simm.s32 $0x8000  }
0x1d9: {  	[tilespmem:s14], [sflag:$0x2] =	stream.indirect_vreg.gather [hbm4b:s6+s2], $0x80, v3, vm0, $0xb8;
	[tilespmem:$0x1D000] =	vst v63  }
0x1da: {  	s24 =	simm.s32 $0x8800  }
0x1db: {  	[tilespmem:s24], [sflag:$0x2] =	stream.indirect_vreg.gather [hbm4b:s7+s2], $0x80, v3, vm0, $0xb8;
	[tilespmem:$0x1D000] =	vst v63  }
0x1dc: {  	s18 =	simm.s32 $0x11000;
	s22 =	rddreg [dreg:$0xe]  }
0x1dd: {  	[hbm4b:s22+s2] =	stream.linear.scatter [tilespmem:s18], [sflag:$0xC], $0x4000, $0x38;
	[tilespmem:$0x1D000] =	vst v63  }
0x1de: {  	_ =	swait.ge [sflag:s0], $0x4000  }
0x1df: {  	[sflag:s0] =	ssyncset.done $0x0  }
0x1e0: {  	[sflag:s0] =	ssyncadd.s32 $0xFFFFC000  }
0x1e1: {  	_ =	swait.ge [sflag:s1], $0x4000  }
0x1e2: {  	[sflag:s1] =	ssyncset.done $0x0  }
0x1e3: {  	[sflag:s1] =	ssyncadd.s32 $0xFFFFC000  }
0x1e4: {  	v3 =	vld [tilespmem:$0x800];
	_ =	sdelay $0x4  }
0x1e5: {  	v48 =	vshll.u32 v3, $0x3  }
0x1e6: {  	v3 =	vand.u32 $0x7, v3;
	v4 =	vand.u32 $0xFFFFFFC0, v48  }
0x1e7: {  	v3 =	vor.u32 v3, v4  }
0x1e8: {  	v4 =	vperm.xlane v3, v0;
	_ =	sdelay $0x1  }
0x1e9: {  	v4 =	vadd.s32 v1, v4;
	_ =	sdelay $0x3  }
0x1ea: {  	s15 =	simm.s32 $0x9000  }
0x1eb: {  	[tilespmem:s15], [sflag:$0x3] =	stream.indirect_vreg.gather [hbm4b:s4+s2], $0x80, v4, vm0, $0xb8;
	[tilespmem:$0x1D000] =	vst v63  }
0x1ec: {  	s22 =	simm.s32 $0x9800;
	v3 =	vperm.xlane v3, v2  }
0x1ed: {  	[tilespmem:s22], [sflag:$0x3] =	stream.indirect_vreg.gather [hbm4b:s5+s2], $0x80, v4, vm0, $0xb8;
	[tilespmem:$0x1D000] =	vst v63  }
0x1ee: {  	s24 =	simm.s32 $0xA000;
	v3 =	vadd.s32 v1, v3  }
0x1ef: {  	[tilespmem:s24], [sflag:$0x3] =	stream.indirect_vreg.gather [hbm4b:s6+s2], $0x80, v4, vm0, $0xb8;
	[tilespmem:$0x1D000] =	vst v63  }
0x1f0: {  	s14 =	simm.s32 $0xA800  }
0x1f1: {  	[tilespmem:s14], [sflag:$0x3] =	stream.indirect_vreg.gather [hbm4b:s7+s2], $0x80, v4, vm0, $0xb8;
	[tilespmem:$0x1D000] =	vst v63  }
0x1f2: {  	s22 =	simm.s32 $0xB000  }
0x1f3: {  	[tilespmem:s22], [sflag:$0x3] =	stream.indirect_vreg.gather [hbm4b:s4+s2], $0x80, v3, vm0, $0xb8;
	[tilespmem:$0x1D000] =	vst v63  }
0x1f4: {  	s24 =	simm.s32 $0xB800  }
0x1f5: {  	[tilespmem:s24], [sflag:$0x3] =	stream.indirect_vreg.gather [hbm4b:s5+s2], $0x80, v3, vm0, $0xb8;
	[tilespmem:$0x1D000] =	vst v63  }
0x1f6: {  	s14 =	simm.s32 $0xC000  }
0x1f7: {  	[tilespmem:s14], [sflag:$0x3] =	stream.indirect_vreg.gather [hbm4b:s6+s2], $0x80, v3, vm0, $0xb8;
	[tilespmem:$0x1D000] =	vst v63  }
0x1f8: {  	s24 =	simm.s32 $0xC800  }
0x1f9: {  	[tilespmem:s24], [sflag:$0x3] =	stream.indirect_vreg.gather [hbm4b:s7+s2], $0x80, v3, vm0, $0xb8;
	[tilespmem:$0x1D000] =	vst v63  }
0x1fa: {  	s22 =	rddreg [dreg:$0xf];
	s24 =	simm.s32 $0x15000  }
0x1fb: {  	[hbm4b:s22+s2] =	stream.linear.scatter [tilespmem:s24], [sflag:$0xD], $0x4000, $0x38;
	[tilespmem:$0x1D000] =	vst v63  }
0x1fc: {  	_ =	swait.ge [sflag:s11], $0x4000  }
0x1fd: {  	[sflag:s11] =	ssyncset.done $0x0  }
0x1fe: {  	[sflag:s11] =	ssyncadd.s32 $0xFFFFC000  }
0x1ff: {  	_ =	swait.ge [sflag:s9], $0x4000  }
0x200: {  	[sflag:s9] =	ssyncset.done $0x0  }
0x201: {  	[sflag:s9] =	ssyncadd.s32 $0xFFFFC000  }
0x202: {  	v3 =	vld [tilespmem:$0x880];
	_ =	sdelay $0x4  }
0x203: {  	v49 =	vshll.u32 v3, $0x3  }
0x204: {  	v3 =	vand.u32 $0x7, v3;
	v4 =	vand.u32 $0xFFFFFFC0, v49  }
0x205: {  	v3 =	vor.u32 v3, v4  }
0x206: {  	v4 =	vperm.xlane v3, v0;
	_ =	sdelay $0x1  }
0x207: {  	v4 =	vadd.s32 v1, v4;
	_ =	sdelay $0x3  }
0x208: {  	s20 =	simm.s32 $0xD000  }
0x209: {  	[tilespmem:s20], [sflag:$0x4] =	stream.indirect_vreg.gather [hbm4b:s4+s2], $0x80, v4, vm0, $0xb8;
	[tilespmem:$0x1D000] =	vst v63  }
0x20a: {  	s14 =	simm.s32 $0xD800;
	v3 =	vperm.xlane v3, v2  }
0x20b: {  	[tilespmem:s14], [sflag:$0x4] =	stream.indirect_vreg.gather [hbm4b:s5+s2], $0x80, v4, vm0, $0xb8;
	[tilespmem:$0x1D000] =	vst v63  }
0x20c: {  	s22 =	simm.s32 $0xE000;
	v3 =	vadd.s32 v1, v3  }
0x20d: {  	[tilespmem:s22], [sflag:$0x4] =	stream.indirect_vreg.gather [hbm4b:s6+s2], $0x80, v4, vm0, $0xb8;
	[tilespmem:$0x1D000] =	vst v63  }
0x20e: {  	s14 =	simm.s32 $0xE800  }
0x20f: {  	[tilespmem:s14], [sflag:$0x4] =	stream.indirect_vreg.gather [hbm4b:s7+s2], $0x80, v4, vm0, $0xb8;
	[tilespmem:$0x1D000] =	vst v63  }
0x210: {  	s22 =	simm.s32 $0xF000  }
0x211: {  	[tilespmem:s22], [sflag:$0x4] =	stream.indirect_vreg.gather [hbm4b:s4+s2], $0x80, v3, vm0, $0xb8;
	[tilespmem:$0x1D000] =	vst v63  }
0x212: {  	s14 =	simm.s32 $0xF800  }
0x213: {  	[tilespmem:s14], [sflag:$0x4] =	stream.indirect_vreg.gather [hbm4b:s5+s2], $0x80, v3, vm0, $0xb8;
	[tilespmem:$0x1D000] =	vst v63  }
0x214: {  	s22 =	simm.s32 $0x10000  }
0x215: {  	[tilespmem:s22], [sflag:$0x4] =	stream.indirect_vreg.gather [hbm4b:s6+s2], $0x80, v3, vm0, $0xb8;
	[tilespmem:$0x1D000] =	vst v63  }
0x216: {  	s3 =	simm.s32 $0x10800  }
0x217: {  	[tilespmem:s3], [sflag:$0x4] =	stream.indirect_vreg.gather [hbm4b:s7+s2], $0x80, v3, vm0, $0xb8;
	[tilespmem:$0x1D000] =	vst v63  }
0x218: {  	s14 =	rddreg [dreg:$0x10]  }
0x219: {  	[hbm4b:s14+s2] =	stream.linear.scatter [tilespmem:s29], [sflag:$0xE], $0x4000, $0x38;
	[tilespmem:$0x1D000] =	vst v63  }
0x21a: {  	_ =	swait.ge [sflag:s19], $0x4000  }
0x21b: {  	[sflag:s19] =	ssyncset.done $0x0  }
0x21c: {  	[sflag:s19] =	ssyncadd.s32 $0xFFFFC000  }
0x21d: {  	_ =	swait.ge [sflag:s12], $0x4000  }
0x21e: {  	[sflag:s12] =	ssyncset.done $0x0  }
0x21f: {  	[sflag:s12] =	ssyncadd.s32 $0xFFFFC000  }
0x220: {  	v3 =	vld [tilespmem:$0x900];
	_ =	sdelay $0x4  }
0x221: {  	v50 =	vshll.u32 v3, $0x3  }
0x222: {  	v3 =	vand.u32 $0x7, v3;
	v4 =	vand.u32 $0xFFFFFFC0, v50  }
0x223: {  	v3 =	vor.u32 v3, v4  }
0x224: {  	v4 =	vperm.xlane v3, v0;
	_ =	sdelay $0x1  }
0x225: {  	v4 =	vadd.s32 v1, v4;
	_ =	sdelay $0x4  }
0x226: {  	[tilespmem:s18], [sflag:$0x5] =	stream.indirect_vreg.gather [hbm4b:s4+s2], $0x80, v4, vm0, $0xb8;
	[tilespmem:$0x1D000] =	vst v63  }
0x227: {  	v3 =	vperm.xlane v3, v2;
	s18 =	simm.s32 $0x11800  }
0x228: {  	[tilespmem:s18], [sflag:$0x5] =	stream.indirect_vreg.gather [hbm4b:s5+s2], $0x80, v4, vm0, $0xb8;
	[tilespmem:$0x1D000] =	vst v63  }
0x229: {  	v3 =	vadd.s32 v1, v3;
	s18 =	simm.s32 $0x12000  }
0x22a: {  	[tilespmem:s18], [sflag:$0x5] =	stream.indirect_vreg.gather [hbm4b:s6+s2], $0x80, v4, vm0, $0xb8;
	[tilespmem:$0x1D000] =	vst v63  }
0x22b: {  	s18 =	simm.s32 $0x12800  }
0x22c: {  	[tilespmem:s18], [sflag:$0x5] =	stream.indirect_vreg.gather [hbm4b:s7+s2], $0x80, v4, vm0, $0xb8;
	[tilespmem:$0x1D000] =	vst v63  }
0x22d: {  	s18 =	simm.s32 $0x13000  }
0x22e: {  	[tilespmem:s18], [sflag:$0x5] =	stream.indirect_vreg.gather [hbm4b:s4+s2], $0x80, v3, vm0, $0xb8;
	[tilespmem:$0x1D000] =	vst v63  }
0x22f: {  	s18 =	simm.s32 $0x13800  }
0x230: {  	[tilespmem:s18], [sflag:$0x5] =	stream.indirect_vreg.gather [hbm4b:s5+s2], $0x80, v3, vm0, $0xb8;
	[tilespmem:$0x1D000] =	vst v63  }
0x231: {  	s18 =	simm.s32 $0x14000  }
0x232: {  	[tilespmem:s18], [sflag:$0x5] =	stream.indirect_vreg.gather [hbm4b:s6+s2], $0x80, v3, vm0, $0xb8;
	[tilespmem:$0x1D000] =	vst v63  }
0x233: {  	s18 =	simm.s32 $0x14800  }
0x234: {  	[tilespmem:s18], [sflag:$0x5] =	stream.indirect_vreg.gather [hbm4b:s7+s2], $0x80, v3, vm0, $0xb8;
	[tilespmem:$0x1D000] =	vst v63  }
0x235: {  	s14 =	rddreg [dreg:$0x11]  }
0x236: {  	[hbm4b:s14+s2] =	stream.linear.scatter [tilespmem:s26], [sflag:$0x8], $0x4000, $0x38;
	[tilespmem:$0x1D000] =	vst v63  }
0x237: {  	_ =	swait.ge [sflag:s21], $0x4000  }
0x238: {  	[sflag:s21] =	ssyncset.done $0x0  }
0x239: {  	[sflag:s21] =	ssyncadd.s32 $0xFFFFC000  }
0x23a: {  	_ =	swait.ge [sflag:s13], $0x4000  }
0x23b: {  	[sflag:s13] =	ssyncset.done $0x0  }
0x23c: {  	[sflag:s13] =	ssyncadd.s32 $0xFFFFC000  }
0x23d: {  	v3 =	vld [tilespmem:$0x980];
	_ =	sdelay $0x4  }
0x23e: {  	v51 =	vshll.u32 v3, $0x3  }
0x23f: {  	v3 =	vand.u32 $0x7, v3;
	v4 =	vand.u32 $0xFFFFFFC0, v51  }
0x240: {  	v3 =	vor.u32 v3, v4  }
0x241: {  	v4 =	vperm.xlane v3, v0;
	_ =	sdelay $0x1  }
0x242: {  	v4 =	vadd.s32 v1, v4;
	_ =	sdelay $0x4  }
0x243: {  	[tilespmem:s24], [sflag:$0x6] =	stream.indirect_vreg.gather [hbm4b:s4+s2], $0x80, v4, vm0, $0xb8;
	[tilespmem:$0x1D000] =	vst v63  }
0x244: {  	v3 =	vperm.xlane v3, v2;
	s24 =	simm.s32 $0x15800  }
0x245: {  	[tilespmem:s24], [sflag:$0x6] =	stream.indirect_vreg.gather [hbm4b:s5+s2], $0x80, v4, vm0, $0xb8;
	[tilespmem:$0x1D000] =	vst v63  }
0x246: {  	s18 =	simm.s32 $0x16000;
	v3 =	vadd.s32 v1, v3  }
0x247: {  	[tilespmem:s18], [sflag:$0x6] =	stream.indirect_vreg.gather [hbm4b:s6+s2], $0x80, v4, vm0, $0xb8;
	[tilespmem:$0x1D000] =	vst v63  }
0x248: {  	s24 =	simm.s32 $0x16800  }
0x249: {  	[tilespmem:s24], [sflag:$0x6] =	stream.indirect_vreg.gather [hbm4b:s7+s2], $0x80, v4, vm0, $0xb8;
	[tilespmem:$0x1D000] =	vst v63  }
0x24a: {  	s18 =	simm.s32 $0x17000  }
0x24b: {  	[tilespmem:s18], [sflag:$0x6] =	stream.indirect_vreg.gather [hbm4b:s4+s2], $0x80, v3, vm0, $0xb8;
	[tilespmem:$0x1D000] =	vst v63  }
0x24c: {  	s24 =	simm.s32 $0x17800  }
0x24d: {  	[tilespmem:s24], [sflag:$0x6] =	stream.indirect_vreg.gather [hbm4b:s5+s2], $0x80, v3, vm0, $0xb8;
	[tilespmem:$0x1D000] =	vst v63  }
0x24e: {  	s18 =	simm.s32 $0x18000  }
0x24f: {  	[tilespmem:s18], [sflag:$0x6] =	stream.indirect_vreg.gather [hbm4b:s6+s2], $0x80, v3, vm0, $0xb8;
	[tilespmem:$0x1D000] =	vst v63  }
0x250: {  	s24 =	simm.s32 $0x18800  }
0x251: {  	[tilespmem:s24], [sflag:$0x6] =	stream.indirect_vreg.gather [hbm4b:s7+s2], $0x80, v3, vm0, $0xb8;
	[tilespmem:$0x1D000] =	vst v63  }
0x252: {  	s14 =	rddreg [dreg:$0x12]  }
0x253: {  	[hbm4b:s14+s2] =	stream.linear.scatter [tilespmem:s17], [sflag:$0x9], $0x4000, $0x38;
	[tilespmem:$0x1D000] =	vst v63  }
0x254: {  	_ =	swait.ge [sflag:s23], $0x4000  }
0x255: {  	[sflag:s23] =	ssyncset.done $0x0  }
0x256: {  	[sflag:s23] =	ssyncadd.s32 $0xFFFFC000  }
0x257: {  	_ =	swait.ge [sflag:s8], $0x4000  }
0x258: {  	[sflag:s8] =	ssyncset.done $0x0  }
0x259: {  	[sflag:s8] =	ssyncadd.s32 $0xFFFFC000  }
0x25a: {  	v3 =	vld [tilespmem:$0xA00];
	_ =	sdelay $0x4  }
0x25b: {  	v52 =	vshll.u32 v3, $0x3  }
0x25c: {  	v3 =	vand.u32 $0x7, v3;
	v4 =	vand.u32 $0xFFFFFFC0, v52  }
0x25d: {  	v3 =	vor.u32 v3, v4  }
0x25e: {  	v4 =	vperm.xlane v3, v0;
	_ =	sdelay $0x1  }
0x25f: {  	v4 =	vadd.s32 v1, v4;
	_ =	sdelay $0x3  }
0x260: {  	s29 =	simm.s32 $0x19000  }
0x261: {  	[tilespmem:s29], [sflag:$0x7] =	stream.indirect_vreg.gather [hbm4b:s4+s2], $0x80, v4, vm0, $0xb8;
	[tilespmem:$0x1D000] =	vst v63  }
0x262: {  	s24 =	simm.s32 $0x19800;
	v3 =	vperm.xlane v3, v2  }
0x263: {  	[tilespmem:s24], [sflag:$0x7] =	stream.indirect_vreg.gather [hbm4b:s5+s2], $0x80, v4, vm0, $0xb8;
	[tilespmem:$0x1D000] =	vst v63  }
0x264: {  	s18 =	simm.s32 $0x1A000;
	v3 =	vadd.s32 v1, v3  }
0x265: {  	[tilespmem:s18], [sflag:$0x7] =	stream.indirect_vreg.gather [hbm4b:s6+s2], $0x80, v4, vm0, $0xb8;
	[tilespmem:$0x1D000] =	vst v63  }
0x266: {  	s24 =	simm.s32 $0x1A800  }
0x267: {  	[tilespmem:s24], [sflag:$0x7] =	stream.indirect_vreg.gather [hbm4b:s7+s2], $0x80, v4, vm0, $0xb8;
	[tilespmem:$0x1D000] =	vst v63  }
0x268: {  	s18 =	simm.s32 $0x1B000  }
0x269: {  	[tilespmem:s18], [sflag:$0x7] =	stream.indirect_vreg.gather [hbm4b:s4+s2], $0x80, v3, vm0, $0xb8;
	[tilespmem:$0x1D000] =	vst v63  }
0x26a: {  	s24 =	simm.s32 $0x1B800  }
0x26b: {  	[tilespmem:s24], [sflag:$0x7] =	stream.indirect_vreg.gather [hbm4b:s5+s2], $0x80, v3, vm0, $0xb8;
	[tilespmem:$0x1D000] =	vst v63  }
0x26c: {  	s18 =	simm.s32 $0x1C000  }
0x26d: {  	[tilespmem:s18], [sflag:$0x7] =	stream.indirect_vreg.gather [hbm4b:s6+s2], $0x80, v3, vm0, $0xb8;
	[tilespmem:$0x1D000] =	vst v63  }
0x26e: {  	s24 =	simm.s32 $0x1C800  }
0x26f: {  	[tilespmem:s24], [sflag:$0x7] =	stream.indirect_vreg.gather [hbm4b:s7+s2], $0x80, v3, vm0, $0xb8;
	[tilespmem:$0x1D000] =	vst v63  }
0x270: {  	s14 =	rddreg [dreg:$0x13]  }
0x271: {  	[hbm4b:s14+s2] =	stream.linear.scatter [tilespmem:s15], [sflag:$0xA], $0x4000, $0x38;
	[tilespmem:$0x1D000] =	vst v63  }
0x272: {  	_ =	swait.ge [sflag:s25], $0x4000  }
0x273: {  	[sflag:s25] =	ssyncset.done $0x0  }
0x274: {  	[sflag:s25] =	ssyncadd.s32 $0xFFFFC000  }
0x275: {  	_ =	swait.ge [sflag:s28], $0x4000  }
0x276: {  	[sflag:s28] =	ssyncset.done $0x0  }
0x277: {  	[sflag:s28] =	ssyncadd.s32 $0xFFFFC000  }
0x278: {  	v3 =	vld [tilespmem:$0xA80];
	_ =	sdelay $0x4  }
0x279: {  	v53 =	vshll.u32 v3, $0x3  }
0x27a: {  	v3 =	vand.u32 $0x7, v3;
	v4 =	vand.u32 $0xFFFFFFC0, v53  }
0x27b: {  	v3 =	vor.u32 v3, v4  }
0x27c: {  	v4 =	vperm.xlane v3, v0;
	_ =	sdelay $0x1  }
0x27d: {  	v4 =	vadd.s32 v1, v4;
	_ =	sdelay $0x4  }
0x27e: {  	[tilespmem:s26], [sflag:$0x1] =	stream.indirect_vreg.gather [hbm4b:s4+s2], $0x80, v4, vm0, $0xb8;
	[tilespmem:$0x1D000] =	vst v63  }
0x27f: {  	s18 =	simm.s32 $0x1800;
	v3 =	vperm.xlane v3, v2  }
0x280: {  	[tilespmem:s18], [sflag:$0x1] =	stream.indirect_vreg.gather [hbm4b:s5+s2], $0x80, v4, vm0, $0xb8;
	[tilespmem:$0x1D000] =	vst v63  }
0x281: {  	s24 =	simm.s32 $0x2000;
	v3 =	vadd.s32 v1, v3  }
0x282: {  	[tilespmem:s24], [sflag:$0x1] =	stream.indirect_vreg.gather [hbm4b:s6+s2], $0x80, v4, vm0, $0xb8;
	[tilespmem:$0x1D000] =	vst v63  }
0x283: {  	s26 =	simm.s32 $0x2800  }
0x284: {  	[tilespmem:s26], [sflag:$0x1] =	stream.indirect_vreg.gather [hbm4b:s7+s2], $0x80, v4, vm0, $0xb8;
	[tilespmem:$0x1D000] =	vst v63  }
0x285: {  	_ = 	snop  }
0x286: {  	[tilespmem:s10], [sflag:$0x1] =	stream.indirect_vreg.gather [hbm4b:s4+s2], $0x80, v3, vm0, $0xb8;
	[tilespmem:$0x1D000] =	vst v63  }
0x287: {  	s14 =	simm.s32 $0x3800  }
0x288: {  	[tilespmem:s14], [sflag:$0x1] =	stream.indirect_vreg.gather [hbm4b:s5+s2], $0x80, v3, vm0, $0xb8;
	[tilespmem:$0x1D000] =	vst v63  }
0x289: {  	s18 =	simm.s32 $0x4000  }
0x28a: {  	[tilespmem:s18], [sflag:$0x1] =	stream.indirect_vreg.gather [hbm4b:s6+s2], $0x80, v3, vm0, $0xb8;
	[tilespmem:$0x1D000] =	vst v63  }
0x28b: {  	s10 =	simm.s32 $0x4800  }
0x28c: {  	[tilespmem:s10], [sflag:$0x1] =	stream.indirect_vreg.gather [hbm4b:s7+s2], $0x80, v3, vm0, $0xb8;
	[tilespmem:$0x1D000] =	vst v63  }
0x28d: {  	s24 =	rddreg [dreg:$0x14]  }
0x28e: {  	[hbm4b:s24+s2] =	stream.linear.scatter [tilespmem:s20], [sflag:$0xB], $0x4000, $0x38;
	[tilespmem:$0x1D000] =	vst v63  }
0x28f: {  	_ =	swait.ge [sflag:s31], $0x4000  }
0x290: {  	[sflag:s31] =	ssyncset.done $0x0  }
0x291: {  	[sflag:s31] =	ssyncadd.s32 $0xFFFFC000  }
0x292: {  	_ =	swait.ge [sflag:s30], $0x4000  }
0x293: {  	[sflag:s30] =	ssyncset.done $0x0  }
0x294: {  	[sflag:s30] =	ssyncadd.s32 $0xFFFFC000  }
0x295: {  	v3 =	vld [tilespmem:$0xB00];
	_ =	sdelay $0x4  }
0x296: {  	v54 =	vshll.u32 v3, $0x3  }
0x297: {  	v3 =	vand.u32 $0x7, v3;
	v4 =	vand.u32 $0xFFFFFFC0, v54  }
0x298: {  	v3 =	vor.u32 v3, v4  }
0x299: {  	v4 =	vperm.xlane v3, v0;
	_ =	sdelay $0x1  }
0x29a: {  	v4 =	vadd.s32 v1, v4;
	_ =	sdelay $0x4  }
0x29b: {  	[tilespmem:s17], [sflag:$0x2] =	stream.indirect_vreg.gather [hbm4b:s4+s2], $0x80, v4, vm0, $0xb8;
	[tilespmem:$0x1D000] =	vst v63  }
0x29c: {  	s24 =	simm.s32 $0x5800;
	v3 =	vperm.xlane v3, v2  }
0x29d: {  	[tilespmem:s24], [sflag:$0x2] =	stream.indirect_vreg.gather [hbm4b:s5+s2], $0x80, v4, vm0, $0xb8;
	[tilespmem:$0x1D000] =	vst v63  }
0x29e: {  	s10 =	simm.s32 $0x6000;
	v3 =	vadd.s32 v1, v3  }
0x29f: {  	[tilespmem:s10], [sflag:$0x2] =	stream.indirect_vreg.gather [hbm4b:s6+s2], $0x80, v4, vm0, $0xb8;
	[tilespmem:$0x1D000] =	vst v63  }
0x2a0: {  	s17 =	simm.s32 $0x6800  }
0x2a1: {  	[tilespmem:s17], [sflag:$0x2] =	stream.indirect_vreg.gather [hbm4b:s7+s2], $0x80, v4, vm0, $0xb8;
	[tilespmem:$0x1D000] =	vst v63  }
0x2a2: {  	s18 =	simm.s32 $0x7000  }
0x2a3: {  	[tilespmem:s18], [sflag:$0x2] =	stream.indirect_vreg.gather [hbm4b:s4+s2], $0x80, v3, vm0, $0xb8;
	[tilespmem:$0x1D000] =	vst v63  }
0x2a4: {  	s24 =	simm.s32 $0x7800  }
0x2a5: {  	[tilespmem:s24], [sflag:$0x2] =	stream.indirect_vreg.gather [hbm4b:s5+s2], $0x80, v3, vm0, $0xb8;
	[tilespmem:$0x1D000] =	vst v63  }
0x2a6: {  	s14 =	simm.s32 $0x8000  }
0x2a7: {  	[tilespmem:s14], [sflag:$0x2] =	stream.indirect_vreg.gather [hbm4b:s6+s2], $0x80, v3, vm0, $0xb8;
	[tilespmem:$0x1D000] =	vst v63  }
0x2a8: {  	s24 =	simm.s32 $0x8800  }
0x2a9: {  	[tilespmem:s24], [sflag:$0x2] =	stream.indirect_vreg.gather [hbm4b:s7+s2], $0x80, v3, vm0, $0xb8;
	[tilespmem:$0x1D000] =	vst v63  }
0x2aa: {  	s17 =	rddreg [dreg:$0x15];
	s18 =	simm.s32 $0x11000  }
0x2ab: {  	[hbm4b:s17+s2] =	stream.linear.scatter [tilespmem:s18], [sflag:$0xC], $0x4000, $0x38;
	[tilespmem:$0x1D000] =	vst v63  }
0x2ac: {  	_ =	swait.ge [sflag:s0], $0x4000  }
0x2ad: {  	[sflag:s0] =	ssyncset.done $0x0  }
0x2ae: {  	[sflag:s0] =	ssyncadd.s32 $0xFFFFC000  }
0x2af: {  	_ =	swait.ge [sflag:s1], $0x4000  }
0x2b0: {  	[sflag:s1] =	ssyncset.done $0x0  }
0x2b1: {  	[sflag:s1] =	ssyncadd.s32 $0xFFFFC000  }
0x2b2: {  	v3 =	vld [tilespmem:$0xB80];
	_ =	sdelay $0x4  }
0x2b3: {  	v55 =	vshll.u32 v3, $0x3  }
0x2b4: {  	v3 =	vand.u32 $0x7, v3;
	v4 =	vand.u32 $0xFFFFFFC0, v55  }
0x2b5: {  	v3 =	vor.u32 v3, v4  }
0x2b6: {  	v4 =	vperm.xlane v3, v0;
	_ =	sdelay $0x1  }
0x2b7: {  	v4 =	vadd.s32 v1, v4;
	_ =	sdelay $0x4  }
0x2b8: {  	[tilespmem:s15], [sflag:$0x3] =	stream.indirect_vreg.gather [hbm4b:s4+s2], $0x80, v4, vm0, $0xb8;
	[tilespmem:$0x1D000] =	vst v63  }
0x2b9: {  	s10 =	simm.s32 $0x9800;
	v3 =	vperm.xlane v3, v2  }
0x2ba: {  	[tilespmem:s10], [sflag:$0x3] =	stream.indirect_vreg.gather [hbm4b:s5+s2], $0x80, v4, vm0, $0xb8;
	[tilespmem:$0x1D000] =	vst v63  }
0x2bb: {  	s17 =	simm.s32 $0xA000;
	v3 =	vadd.s32 v1, v3  }
0x2bc: {  	[tilespmem:s17], [sflag:$0x3] =	stream.indirect_vreg.gather [hbm4b:s6+s2], $0x80, v4, vm0, $0xb8;
	[tilespmem:$0x1D000] =	vst v63  }
0x2bd: {  	s24 =	simm.s32 $0xA800  }
0x2be: {  	[tilespmem:s24], [sflag:$0x3] =	stream.indirect_vreg.gather [hbm4b:s7+s2], $0x80, v4, vm0, $0xb8;
	[tilespmem:$0x1D000] =	vst v63  }
0x2bf: {  	s14 =	simm.s32 $0xB000  }
0x2c0: {  	[tilespmem:s14], [sflag:$0x3] =	stream.indirect_vreg.gather [hbm4b:s4+s2], $0x80, v3, vm0, $0xb8;
	[tilespmem:$0x1D000] =	vst v63  }
0x2c1: {  	s15 =	simm.s32 $0xB800  }
0x2c2: {  	[tilespmem:s15], [sflag:$0x3] =	stream.indirect_vreg.gather [hbm4b:s5+s2], $0x80, v3, vm0, $0xb8;
	[tilespmem:$0x1D000] =	vst v63  }
0x2c3: {  	s14 =	simm.s32 $0xC000  }
0x2c4: {  	[tilespmem:s14], [sflag:$0x3] =	stream.indirect_vreg.gather [hbm4b:s6+s2], $0x80, v3, vm0, $0xb8;
	[tilespmem:$0x1D000] =	vst v63  }
0x2c5: {  	s15 =	simm.s32 $0xC800  }
0x2c6: {  	[tilespmem:s15], [sflag:$0x3] =	stream.indirect_vreg.gather [hbm4b:s7+s2], $0x80, v3, vm0, $0xb8;
	[tilespmem:$0x1D000] =	vst v63  }
0x2c7: {  	s14 =	rddreg [dreg:$0x16];
	s15 =	simm.s32 $0x15000  }
0x2c8: {  	[hbm4b:s14+s2] =	stream.linear.scatter [tilespmem:s15], [sflag:$0xD], $0x4000, $0x38;
	[tilespmem:$0x1D000] =	vst v63  }
0x2c9: {  	_ =	swait.ge [sflag:s11], $0x4000  }
0x2ca: {  	[sflag:s11] =	ssyncset.done $0x0  }
0x2cb: {  	[sflag:s11] =	ssyncadd.s32 $0xFFFFC000  }
0x2cc: {  	_ =	swait.ge [sflag:s9], $0x4000  }
0x2cd: {  	[sflag:s9] =	ssyncset.done $0x0  }
0x2ce: {  	[sflag:s9] =	ssyncadd.s32 $0xFFFFC000  }
0x2cf: {  	v3 =	vld [tilespmem:$0xC00];
	_ =	sdelay $0x4  }
0x2d0: {  	v56 =	vshll.u32 v3, $0x3  }
0x2d1: {  	v3 =	vand.u32 $0x7, v3;
	v4 =	vand.u32 $0xFFFFFFC0, v56  }
0x2d2: {  	v3 =	vor.u32 v3, v4  }
0x2d3: {  	v4 =	vperm.xlane v3, v0;
	_ =	sdelay $0x1  }
0x2d4: {  	v4 =	vadd.s32 v1, v4;
	_ =	sdelay $0x4  }
0x2d5: {  	[tilespmem:s20], [sflag:$0x4] =	stream.indirect_vreg.gather [hbm4b:s4+s2], $0x80, v4, vm0, $0xb8;
	[tilespmem:$0x1D000] =	vst v63  }
0x2d6: {  	v3 =	vperm.xlane v3, v2;
	s20 =	simm.s32 $0xD800  }
0x2d7: {  	[tilespmem:s20], [sflag:$0x4] =	stream.indirect_vreg.gather [hbm4b:s5+s2], $0x80, v4, vm0, $0xb8;
	[tilespmem:$0x1D000] =	vst v63  }
0x2d8: {  	s14 =	simm.s32 $0xE000;
	v3 =	vadd.s32 v1, v3  }
0x2d9: {  	[tilespmem:s14], [sflag:$0x4] =	stream.indirect_vreg.gather [hbm4b:s6+s2], $0x80, v4, vm0, $0xb8;
	[tilespmem:$0x1D000] =	vst v63  }
0x2da: {  	s20 =	simm.s32 $0xE800  }
0x2db: {  	[tilespmem:s20], [sflag:$0x4] =	stream.indirect_vreg.gather [hbm4b:s7+s2], $0x80, v4, vm0, $0xb8;
	[tilespmem:$0x1D000] =	vst v63  }
0x2dc: {  	s10 =	simm.s32 $0xF000  }
0x2dd: {  	[tilespmem:s10], [sflag:$0x4] =	stream.indirect_vreg.gather [hbm4b:s4+s2], $0x80, v3, vm0, $0xb8;
	[tilespmem:$0x1D000] =	vst v63  }
0x2de: {  	s20 =	simm.s32 $0xF800  }
0x2df: {  	[tilespmem:s20], [sflag:$0x4] =	stream.indirect_vreg.gather [hbm4b:s5+s2], $0x80, v3, vm0, $0xb8;
	[tilespmem:$0x1D000] =	vst v63  }
0x2e0: {  	_ = 	snop  }
0x2e1: {  	[tilespmem:s22], [sflag:$0x4] =	stream.indirect_vreg.gather [hbm4b:s6+s2], $0x80, v3, vm0, $0xb8;
	[tilespmem:$0x1D000] =	vst v63  }
0x2e2: {  	_ = 	snop  }
0x2e3: {  	[tilespmem:s3], [sflag:$0x4] =	stream.indirect_vreg.gather [hbm4b:s7+s2], $0x80, v3, vm0, $0xb8;
	[tilespmem:$0x1D000] =	vst v63  }
0x2e4: {  	s10 =	rddreg [dreg:$0x17]  }
0x2e5: {  	[hbm4b:s10+s2] =	stream.linear.scatter [tilespmem:s29], [sflag:$0xE], $0x4000, $0x38;
	[tilespmem:$0x1D000] =	vst v63  }
0x2e6: {  	_ =	swait.ge [sflag:s19], $0x4000  }
0x2e7: {  	[sflag:s19] =	ssyncset.done $0x0  }
0x2e8: {  	[sflag:s19] =	ssyncadd.s32 $0xFFFFC000  }
0x2e9: {  	_ =	swait.ge [sflag:s12], $0x4000  }
0x2ea: {  	[sflag:s12] =	ssyncset.done $0x0  }
0x2eb: {  	[sflag:s12] =	ssyncadd.s32 $0xFFFFC000  }
0x2ec: {  	v3 =	vld [tilespmem:$0xC80];
	_ =	sdelay $0x4  }
0x2ed: {  	v57 =	vshll.u32 v3, $0x3  }
0x2ee: {  	v3 =	vand.u32 $0x7, v3;
	v4 =	vand.u32 $0xFFFFFFC0, v57  }
0x2ef: {  	v3 =	vor.u32 v3, v4  }
0x2f0: {  	v4 =	vperm.xlane v3, v0;
	_ =	sdelay $0x1  }
0x2f1: {  	v4 =	vadd.s32 v1, v4;
	_ =	sdelay $0x4  }
0x2f2: {  	[tilespmem:s18], [sflag:$0x5] =	stream.indirect_vreg.gather [hbm4b:s4+s2], $0x80, v4, vm0, $0xb8;
	[tilespmem:$0x1D000] =	vst v63  }
0x2f3: {  	s20 =	simm.s32 $0x11800;
	v3 =	vperm.xlane v3, v2  }
0x2f4: {  	[tilespmem:s20], [sflag:$0x5] =	stream.indirect_vreg.gather [hbm4b:s5+s2], $0x80, v4, vm0, $0xb8;
	[tilespmem:$0x1D000] =	vst v63  }
0x2f5: {  	s14 =	simm.s32 $0x12000;
	v3 =	vadd.s32 v1, v3  }
0x2f6: {  	[tilespmem:s14], [sflag:$0x5] =	stream.indirect_vreg.gather [hbm4b:s6+s2], $0x80, v4, vm0, $0xb8;
	[tilespmem:$0x1D000] =	vst v63  }
0x2f7: {  	s18 =	simm.s32 $0x12800  }
0x2f8: {  	[tilespmem:s18], [sflag:$0x5] =	stream.indirect_vreg.gather [hbm4b:s7+s2], $0x80, v4, vm0, $0xb8;
	[tilespmem:$0x1D000] =	vst v63  }
0x2f9: {  	s20 =	simm.s32 $0x13000  }
0x2fa: {  	[tilespmem:s20], [sflag:$0x5] =	stream.indirect_vreg.gather [hbm4b:s4+s2], $0x80, v3, vm0, $0xb8;
	[tilespmem:$0x1D000] =	vst v63  }
0x2fb: {  	s14 =	simm.s32 $0x13800  }
0x2fc: {  	[tilespmem:s14], [sflag:$0x5] =	stream.indirect_vreg.gather [hbm4b:s5+s2], $0x80, v3, vm0, $0xb8;
	[tilespmem:$0x1D000] =	vst v63  }
0x2fd: {  	s18 =	simm.s32 $0x14000  }
0x2fe: {  	[tilespmem:s18], [sflag:$0x5] =	stream.indirect_vreg.gather [hbm4b:s6+s2], $0x80, v3, vm0, $0xb8;
	[tilespmem:$0x1D000] =	vst v63  }
0x2ff: {  	s18 =	simm.s32 $0x14800  }
0x300: {  	[tilespmem:s18], [sflag:$0x5] =	stream.indirect_vreg.gather [hbm4b:s7+s2], $0x80, v3, vm0, $0xb8;
	[tilespmem:$0x1D000] =	vst v63  }
0x301: {  	s20 =	rddreg [dreg:$0x18];
	s18 =	simm.s32 $0x1000  }
0x302: {  	[hbm4b:s20+s2] =	stream.linear.scatter [tilespmem:s18], [sflag:$0x8], $0x4000, $0x38;
	[tilespmem:$0x1D000] =	vst v63  }
0x303: {  	_ =	swait.ge [sflag:s21], $0x4000  }
0x304: {  	[sflag:s21] =	ssyncset.done $0x0  }
0x305: {  	[sflag:s21] =	ssyncadd.s32 $0xFFFFC000  }
0x306: {  	_ =	swait.ge [sflag:s13], $0x4000  }
0x307: {  	[sflag:s13] =	ssyncset.done $0x0  }
0x308: {  	[sflag:s13] =	ssyncadd.s32 $0xFFFFC000  }
0x309: {  	v3 =	vld [tilespmem:$0xD00];
	_ =	sdelay $0x4  }
0x30a: {  	v58 =	vshll.u32 v3, $0x3  }
0x30b: {  	v3 =	vand.u32 $0x7, v3;
	v4 =	vand.u32 $0xFFFFFFC0, v58  }
0x30c: {  	v3 =	vor.u32 v3, v4  }
0x30d: {  	v4 =	vperm.xlane v3, v0;
	_ =	sdelay $0x1  }
0x30e: {  	v4 =	vadd.s32 v1, v4;
	_ =	sdelay $0x4  }
0x30f: {  	[tilespmem:s15], [sflag:$0x6] =	stream.indirect_vreg.gather [hbm4b:s4+s2], $0x80, v4, vm0, $0xb8;
	[tilespmem:$0x1D000] =	vst v63  }
0x310: {  	s20 =	simm.s32 $0x15800;
	v3 =	vperm.xlane v3, v2  }
0x311: {  	[tilespmem:s20], [sflag:$0x6] =	stream.indirect_vreg.gather [hbm4b:s5+s2], $0x80, v4, vm0, $0xb8;
	[tilespmem:$0x1D000] =	vst v63  }
0x312: {  	v3 =	vadd.s32 v1, v3;
	s15 =	simm.s32 $0x16000  }
0x313: {  	[tilespmem:s15], [sflag:$0x6] =	stream.indirect_vreg.gather [hbm4b:s6+s2], $0x80, v4, vm0, $0xb8;
	[tilespmem:$0x1D000] =	vst v63  }
0x314: {  	s20 =	simm.s32 $0x16800  }
0x315: {  	[tilespmem:s20], [sflag:$0x6] =	stream.indirect_vreg.gather [hbm4b:s7+s2], $0x80, v4, vm0, $0xb8;
	[tilespmem:$0x1D000] =	vst v63  }
0x316: {  	s15 =	simm.s32 $0x17000  }
0x317: {  	[tilespmem:s15], [sflag:$0x6] =	stream.indirect_vreg.gather [hbm4b:s4+s2], $0x80, v3, vm0, $0xb8;
	[tilespmem:$0x1D000] =	vst v63  }
0x318: {  	s20 =	simm.s32 $0x17800  }
0x319: {  	[tilespmem:s20], [sflag:$0x6] =	stream.indirect_vreg.gather [hbm4b:s5+s2], $0x80, v3, vm0, $0xb8;
	[tilespmem:$0x1D000] =	vst v63  }
0x31a: {  	s15 =	simm.s32 $0x18000  }
0x31b: {  	[tilespmem:s15], [sflag:$0x6] =	stream.indirect_vreg.gather [hbm4b:s6+s2], $0x80, v3, vm0, $0xb8;
	[tilespmem:$0x1D000] =	vst v63  }
0x31c: {  	s20 =	simm.s32 $0x18800  }
0x31d: {  	[tilespmem:s20], [sflag:$0x6] =	stream.indirect_vreg.gather [hbm4b:s7+s2], $0x80, v3, vm0, $0xb8;
	[tilespmem:$0x1D000] =	vst v63  }
0x31e: {  	s14 =	rddreg [dreg:$0x19];
	s15 =	simm.s32 $0x5000  }
0x31f: {  	[hbm4b:s14+s2] =	stream.linear.scatter [tilespmem:s15], [sflag:$0x9], $0x4000, $0x38;
	[tilespmem:$0x1D000] =	vst v63  }
0x320: {  	_ =	swait.ge [sflag:s23], $0x4000  }
0x321: {  	[sflag:s23] =	ssyncset.done $0x0  }
0x322: {  	[sflag:s23] =	ssyncadd.s32 $0xFFFFC000  }
0x323: {  	_ =	swait.ge [sflag:s8], $0x4000  }
0x324: {  	[sflag:s8] =	ssyncset.done $0x0  }
0x325: {  	[sflag:s8] =	ssyncadd.s32 $0xFFFFC000  }
0x326: {  	v3 =	vld [tilespmem:$0xD80];
	_ =	sdelay $0x4  }
0x327: {  	v59 =	vshll.u32 v3, $0x3  }
0x328: {  	v3 =	vand.u32 $0x7, v3;
	v4 =	vand.u32 $0xFFFFFFC0, v59  }
0x329: {  	v3 =	vor.u32 v3, v4  }
0x32a: {  	v4 =	vperm.xlane v3, v0;
	_ =	sdelay $0x1  }
0x32b: {  	v4 =	vadd.s32 v1, v4;
	_ =	sdelay $0x4  }
0x32c: {  	[tilespmem:s29], [sflag:$0x7] =	stream.indirect_vreg.gather [hbm4b:s4+s2], $0x80, v4, vm0, $0xb8;
	[tilespmem:$0x1D000] =	vst v63  }
0x32d: {  	s20 =	simm.s32 $0x19800;
	v3 =	vperm.xlane v3, v2  }
0x32e: {  	[tilespmem:s20], [sflag:$0x7] =	stream.indirect_vreg.gather [hbm4b:s5+s2], $0x80, v4, vm0, $0xb8;
	[tilespmem:$0x1D000] =	vst v63  }
0x32f: {  	v3 =	vadd.s32 v1, v3;
	s20 =	simm.s32 $0x1A000  }
0x330: {  	[tilespmem:s20], [sflag:$0x7] =	stream.indirect_vreg.gather [hbm4b:s6+s2], $0x80, v4, vm0, $0xb8;
	[tilespmem:$0x1D000] =	vst v63  }
0x331: {  	s20 =	simm.s32 $0x1A800  }
0x332: {  	[tilespmem:s20], [sflag:$0x7] =	stream.indirect_vreg.gather [hbm4b:s7+s2], $0x80, v4, vm0, $0xb8;
	[tilespmem:$0x1D000] =	vst v63  }
0x333: {  	s20 =	simm.s32 $0x1B000  }
0x334: {  	[tilespmem:s20], [sflag:$0x7] =	stream.indirect_vreg.gather [hbm4b:s4+s2], $0x80, v3, vm0, $0xb8;
	[tilespmem:$0x1D000] =	vst v63  }
0x335: {  	s20 =	simm.s32 $0x1B800  }
0x336: {  	[tilespmem:s20], [sflag:$0x7] =	stream.indirect_vreg.gather [hbm4b:s5+s2], $0x80, v3, vm0, $0xb8;
	[tilespmem:$0x1D000] =	vst v63  }
0x337: {  	s20 =	simm.s32 $0x1C000  }
0x338: {  	[tilespmem:s20], [sflag:$0x7] =	stream.indirect_vreg.gather [hbm4b:s6+s2], $0x80, v3, vm0, $0xb8;
	[tilespmem:$0x1D000] =	vst v63  }
0x339: {  	s20 =	simm.s32 $0x1C800  }
0x33a: {  	[tilespmem:s20], [sflag:$0x7] =	stream.indirect_vreg.gather [hbm4b:s7+s2], $0x80, v3, vm0, $0xb8;
	[tilespmem:$0x1D000] =	vst v63  }
0x33b: {  	s14 =	rddreg [dreg:$0x1a];
	s20 =	simm.s32 $0x9000  }
0x33c: {  	[hbm4b:s14+s2] =	stream.linear.scatter [tilespmem:s20], [sflag:$0xA], $0x4000, $0x38;
	[tilespmem:$0x1D000] =	vst v63  }
0x33d: {  	_ =	swait.ge [sflag:s25], $0x4000  }
0x33e: {  	[sflag:s25] =	ssyncset.done $0x0  }
0x33f: {  	[sflag:s25] =	ssyncadd.s32 $0xFFFFC000  }
0x340: {  	_ =	swait.ge [sflag:s28], $0x4000  }
0x341: {  	[sflag:s28] =	ssyncset.done $0x0  }
0x342: {  	[sflag:s28] =	ssyncadd.s32 $0xFFFFC000  }
0x343: {  	v3 =	vld [tilespmem:$0xE00];
	_ =	sdelay $0x4  }
0x344: {  	v60 =	vshll.u32 v3, $0x3  }
0x345: {  	v3 =	vand.u32 $0x7, v3;
	v4 =	vand.u32 $0xFFFFFFC0, v60  }
0x346: {  	v3 =	vor.u32 v3, v4  }
0x347: {  	v4 =	vperm.xlane v3, v0;
	_ =	sdelay $0x1  }
0x348: {  	v4 =	vadd.s32 v1, v4;
	_ =	sdelay $0x4  }
0x349: {  	[tilespmem:s18], [sflag:$0x1] =	stream.indirect_vreg.gather [hbm4b:s4+s2], $0x80, v4, vm0, $0xb8;
	[tilespmem:$0x1D000] =	vst v63  }
0x34a: {  	s14 =	simm.s32 $0x1800;
	v3 =	vperm.xlane v3, v2  }
0x34b: {  	[tilespmem:s14], [sflag:$0x1] =	stream.indirect_vreg.gather [hbm4b:s5+s2], $0x80, v4, vm0, $0xb8;
	[tilespmem:$0x1D000] =	vst v63  }
0x34c: {  	v3 =	vadd.s32 v1, v3;
	s14 =	simm.s32 $0x2000  }
0x34d: {  	[tilespmem:s14], [sflag:$0x1] =	stream.indirect_vreg.gather [hbm4b:s6+s2], $0x80, v4, vm0, $0xb8;
	[tilespmem:$0x1D000] =	vst v63  }
0x34e: {  	s26 =	simm.s32 $0x2800  }
0x34f: {  	[tilespmem:s26], [sflag:$0x1] =	stream.indirect_vreg.gather [hbm4b:s7+s2], $0x80, v4, vm0, $0xb8;
	[tilespmem:$0x1D000] =	vst v63  }
0x350: {  	s26 =	simm.s32 $0x3000  }
0x351: {  	[tilespmem:s26], [sflag:$0x1] =	stream.indirect_vreg.gather [hbm4b:s4+s2], $0x80, v3, vm0, $0xb8;
	[tilespmem:$0x1D000] =	vst v63  }
0x352: {  	s26 =	simm.s32 $0x3800  }
0x353: {  	[tilespmem:s26], [sflag:$0x1] =	stream.indirect_vreg.gather [hbm4b:s5+s2], $0x80, v3, vm0, $0xb8;
	[tilespmem:$0x1D000] =	vst v63  }
0x354: {  	s26 =	simm.s32 $0x4000  }
0x355: {  	[tilespmem:s26], [sflag:$0x1] =	stream.indirect_vreg.gather [hbm4b:s6+s2], $0x80, v3, vm0, $0xb8;
	[tilespmem:$0x1D000] =	vst v63  }
0x356: {  	s26 =	simm.s32 $0x4800  }
0x357: {  	[tilespmem:s26], [sflag:$0x1] =	stream.indirect_vreg.gather [hbm4b:s7+s2], $0x80, v3, vm0, $0xb8;
	[tilespmem:$0x1D000] =	vst v63  }
0x358: {  	s14 =	rddreg [dreg:$0x1b];
	s26 =	simm.s32 $0xD000  }
0x359: {  	[hbm4b:s14+s2] =	stream.linear.scatter [tilespmem:s26], [sflag:$0xB], $0x4000, $0x38;
	[tilespmem:$0x1D000] =	vst v63  }
0x35a: {  	_ =	swait.ge [sflag:s31], $0x4000  }
0x35b: {  	[sflag:s31] =	ssyncset.done $0x0  }
0x35c: {  	[sflag:s31] =	ssyncadd.s32 $0xFFFFC000  }
0x35d: {  	_ =	swait.ge [sflag:s30], $0x4000  }
0x35e: {  	[sflag:s30] =	ssyncset.done $0x0  }
0x35f: {  	[sflag:s30] =	ssyncadd.s32 $0xFFFFC000  }
0x360: {  	v3 =	vld [tilespmem:$0xE80];
	_ =	sdelay $0x4  }
0x361: {  	v61 =	vshll.u32 v3, $0x3  }
0x362: {  	v3 =	vand.u32 $0x7, v3;
	v4 =	vand.u32 $0xFFFFFFC0, v61  }
0x363: {  	v3 =	vor.u32 v3, v4  }
0x364: {  	v4 =	vperm.xlane v3, v0;
	_ =	sdelay $0x1  }
0x365: {  	v4 =	vadd.s32 v1, v4;
	_ =	sdelay $0x4  }
0x366: {  	[tilespmem:s15], [sflag:$0x2] =	stream.indirect_vreg.gather [hbm4b:s4+s2], $0x80, v4, vm0, $0xb8;
	[tilespmem:$0x1D000] =	vst v63  }
0x367: {  	v3 =	vperm.xlane v3, v2;
	s15 =	simm.s32 $0x5800  }
0x368: {  	[tilespmem:s15], [sflag:$0x2] =	stream.indirect_vreg.gather [hbm4b:s5+s2], $0x80, v4, vm0, $0xb8;
	[tilespmem:$0x1D000] =	vst v63  }
0x369: {  	v3 =	vadd.s32 v1, v3;
	s15 =	simm.s32 $0x6000  }
0x36a: {  	[tilespmem:s15], [sflag:$0x2] =	stream.indirect_vreg.gather [hbm4b:s6+s2], $0x80, v4, vm0, $0xb8;
	[tilespmem:$0x1D000] =	vst v63  }
0x36b: {  	s15 =	simm.s32 $0x6800  }
0x36c: {  	[tilespmem:s15], [sflag:$0x2] =	stream.indirect_vreg.gather [hbm4b:s7+s2], $0x80, v4, vm0, $0xb8;
	[tilespmem:$0x1D000] =	vst v63  }
0x36d: {  	s15 =	simm.s32 $0x7000  }
0x36e: {  	[tilespmem:s15], [sflag:$0x2] =	stream.indirect_vreg.gather [hbm4b:s4+s2], $0x80, v3, vm0, $0xb8;
	[tilespmem:$0x1D000] =	vst v63  }
0x36f: {  	s15 =	simm.s32 $0x7800  }
0x370: {  	[tilespmem:s15], [sflag:$0x2] =	stream.indirect_vreg.gather [hbm4b:s5+s2], $0x80, v3, vm0, $0xb8;
	[tilespmem:$0x1D000] =	vst v63  }
0x371: {  	s15 =	simm.s32 $0x8000  }
0x372: {  	[tilespmem:s15], [sflag:$0x2] =	stream.indirect_vreg.gather [hbm4b:s6+s2], $0x80, v3, vm0, $0xb8;
	[tilespmem:$0x1D000] =	vst v63  }
0x373: {  	s15 =	simm.s32 $0x8800  }
0x374: {  	[tilespmem:s15], [sflag:$0x2] =	stream.indirect_vreg.gather [hbm4b:s7+s2], $0x80, v3, vm0, $0xb8;
	[tilespmem:$0x1D000] =	vst v63  }
0x375: {  	s3 =	simm.s32 $0x11000;
	s14 =	rddreg [dreg:$0x1c]  }
0x376: {  	[hbm4b:s14+s2] =	stream.linear.scatter [tilespmem:s3], [sflag:$0xC], $0x4000, $0x38;
	[tilespmem:$0x1D000] =	vst v63  }
0x377: {  	_ =	swait.ge [sflag:s0], $0x4000  }
0x378: {  	[sflag:s0] =	ssyncset.done $0x0  }
0x379: {  	[sflag:s0] =	ssyncadd.s32 $0xFFFFC000  }
0x37a: {  	_ =	swait.ge [sflag:s1], $0x4000  }
0x37b: {  	[sflag:s1] =	ssyncset.done $0x0  }
0x37c: {  	[sflag:s1] =	ssyncadd.s32 $0xFFFFC000  }
0x37d: {  	v3 =	vld [tilespmem:$0xF00];
	_ =	sdelay $0x4  }
0x37e: {  	v62 =	vshll.u32 v3, $0x3  }
0x37f: {  	v3 =	vand.u32 $0x7, v3;
	v4 =	vand.u32 $0xFFFFFFC0, v62  }
0x380: {  	v3 =	vor.u32 v3, v4  }
0x381: {  	v4 =	vperm.xlane v3, v0;
	_ =	sdelay $0x1  }
0x382: {  	v4 =	vadd.s32 v1, v4;
	_ =	sdelay $0x4  }
0x383: {  	[tilespmem:s20], [sflag:$0x3] =	stream.indirect_vreg.gather [hbm4b:s4+s2], $0x80, v4, vm0, $0xb8;
	[tilespmem:$0x1D000] =	vst v63  }
0x384: {  	v3 =	vperm.xlane v3, v2;
	s20 =	simm.s32 $0x9800  }
0x385: {  	[tilespmem:s20], [sflag:$0x3] =	stream.indirect_vreg.gather [hbm4b:s5+s2], $0x80, v4, vm0, $0xb8;
	[tilespmem:$0x1D000] =	vst v63  }
0x386: {  	v3 =	vadd.s32 v1, v3  }
0x387: {  	[tilespmem:s17], [sflag:$0x3] =	stream.indirect_vreg.gather [hbm4b:s6+s2], $0x80, v4, vm0, $0xb8;
	[tilespmem:$0x1D000] =	vst v63  }
0x388: {  	_ = 	snop  }
0x389: {  	[tilespmem:s24], [sflag:$0x3] =	stream.indirect_vreg.gather [hbm4b:s7+s2], $0x80, v4, vm0, $0xb8;
	[tilespmem:$0x1D000] =	vst v63  }
0x38a: {  	s14 =	simm.s32 $0xB000  }
0x38b: {  	[tilespmem:s14], [sflag:$0x3] =	stream.indirect_vreg.gather [hbm4b:s4+s2], $0x80, v3, vm0, $0xb8;
	[tilespmem:$0x1D000] =	vst v63  }
0x38c: {  	s15 =	simm.s32 $0xB800  }
0x38d: {  	[tilespmem:s15], [sflag:$0x3] =	stream.indirect_vreg.gather [hbm4b:s5+s2], $0x80, v3, vm0, $0xb8;
	[tilespmem:$0x1D000] =	vst v63  }
0x38e: {  	s17 =	simm.s32 $0xC000  }
0x38f: {  	[tilespmem:s17], [sflag:$0x3] =	stream.indirect_vreg.gather [hbm4b:s6+s2], $0x80, v3, vm0, $0xb8;
	[tilespmem:$0x1D000] =	vst v63  }
0x390: {  	s24 =	simm.s32 $0xC800  }
0x391: {  	[tilespmem:s24], [sflag:$0x3] =	stream.indirect_vreg.gather [hbm4b:s7+s2], $0x80, v3, vm0, $0xb8;
	[tilespmem:$0x1D000] =	vst v63  }
0x392: {  	s10 =	simm.s32 $0x15000;
	s20 =	rddreg [dreg:$0x1d]  }
0x393: {  	[hbm4b:s20+s2] =	stream.linear.scatter [tilespmem:s10], [sflag:$0xD], $0x4000, $0x38;
	[tilespmem:$0x1D000] =	vst v63  }
0x394: {  	_ =	swait.ge [sflag:s11], $0x4000  }
0x395: {  	[sflag:s11] =	ssyncset.done $0x0  }
0x396: {  	[sflag:s11] =	ssyncadd.s32 $0xFFFFC000  }
0x397: {  	_ =	swait.ge [sflag:s9], $0x4000  }
0x398: {  	[sflag:s9] =	ssyncset.done $0x0  }
0x399: {  	[sflag:s9] =	ssyncadd.s32 $0xFFFFC000  }
0x39a: {  	v3 =	vld [tilespmem:$0xF80];
	_ =	sdelay $0x4  }
0x39b: {  	v63 =	vshll.u32 v3, $0x3  }
0x39c: {  	v3 =	vand.u32 $0x7, v3;
	v4 =	vand.u32 $0xFFFFFFC0, v63  }
0x39d: {  	v3 =	vor.u32 v3, v4  }
0x39e: {  	v4 =	vperm.xlane v3, v0;
	_ =	sdelay $0x1  }
0x39f: {  	v4 =	vadd.s32 v1, v4;
	_ =	sdelay $0x4  }
0x3a0: {  	[tilespmem:s26], [sflag:$0x4] =	stream.indirect_vreg.gather [hbm4b:s4+s2], $0x80, v4, vm0, $0xb8;
	[tilespmem:$0x1D000] =	vst v63  }
0x3a1: {  	v3 =	vperm.xlane v3, v2;
	s26 =	simm.s32 $0xD800  }
0x3a2: {  	[tilespmem:s26], [sflag:$0x4] =	stream.indirect_vreg.gather [hbm4b:s5+s2], $0x80, v4, vm0, $0xb8;
	[tilespmem:$0x1D000] =	vst v63  }
0x3a3: {  	s11 =	simm.s32 $0xE000;
	v3 =	vadd.s32 v1, v3  }
0x3a4: {  	[tilespmem:s11], [sflag:$0x4] =	stream.indirect_vreg.gather [hbm4b:s6+s2], $0x80, v4, vm0, $0xb8;
	[tilespmem:$0x1D000] =	vst v63  }
0x3a5: {  	s14 =	simm.s32 $0xE800  }
0x3a6: {  	[tilespmem:s14], [sflag:$0x4] =	stream.indirect_vreg.gather [hbm4b:s7+s2], $0x80, v4, vm0, $0xb8;
	[tilespmem:$0x1D000] =	vst v63  }
0x3a7: {  	s15 =	simm.s32 $0xF000  }
0x3a8: {  	[tilespmem:s15], [sflag:$0x4] =	stream.indirect_vreg.gather [hbm4b:s4+s2], $0x80, v3, vm0, $0xb8;
	[tilespmem:$0x1D000] =	vst v63  }
0x3a9: {  	s17 =	simm.s32 $0xF800  }
0x3aa: {  	[tilespmem:s17], [sflag:$0x4] =	stream.indirect_vreg.gather [hbm4b:s5+s2], $0x80, v3, vm0, $0xb8;
	[tilespmem:$0x1D000] =	vst v63  }
0x3ab: {  	s22 =	simm.s32 $0x10000  }
0x3ac: {  	[tilespmem:s22], [sflag:$0x4] =	stream.indirect_vreg.gather [hbm4b:s6+s2], $0x80, v3, vm0, $0xb8;
	[tilespmem:$0x1D000] =	vst v63  }
0x3ad: {  	s22 =	simm.s32 $0x10800  }
0x3ae: {  	[tilespmem:s22], [sflag:$0x4] =	stream.indirect_vreg.gather [hbm4b:s7+s2], $0x80, v3, vm0, $0xb8;
	[tilespmem:$0x1D000] =	vst v63  }
0x3af: {  	s20 =	rddreg [dreg:$0x1e]  }
0x3b0: {  	[hbm4b:s20+s2] =	stream.linear.scatter [tilespmem:s29], [sflag:$0xE], $0x4000, $0x38;
	[tilespmem:$0x1D000] =	vst v63  }
0x3b1: {  	_ =	swait.ge [sflag:s19], $0x4000  }
0x3b2: {  	[sflag:s19] =	ssyncset.done $0x0  }
0x3b3: {  	s18 =	simm.s32 $0x1000;
	s24 =	rddreg [dreg:$0x1f];
	[sflag:s19] =	ssyncadd.s32 $0xFFFFC000  }
0x3b4: {  	[hbm4b:s24+s2] =	stream.linear.scatter [tilespmem:s18], [sflag:$0x8], $0x4000, $0x38;
	[tilespmem:$0x1D000] =	vst v63  }
0x3b5: {  	_ =	swait.ge [sflag:s21], $0x4000  }
0x3b6: {  	s26 =	sld [smem:$0x7FA]  }
0x3b7: {  	[sflag:s21] =	ssyncset.done $0x0  }
0x3b8: {  	s31 =	simm.s32 $0x5000;
	[sflag:s21] =	ssyncadd.s32 $0xFFFFC000  }
0x3b9: {  	[hbm4b:s26+s2] =	stream.linear.scatter [tilespmem:s31], [sflag:$0x9], $0x4000, $0x38;
	[tilespmem:$0x1D000] =	vst v63  }
0x3ba: {  	_ =	swait.ge [sflag:s23], $0x4000  }
0x3bb: {  	s29 =	sld [smem:$0x7FB]  }
0x3bc: {  	[sflag:s23] =	ssyncset.done $0x0  }
0x3bd: {  	s0 =	simm.s32 $0x9000;
	[sflag:s23] =	ssyncadd.s32 $0xFFFFC000  }
0x3be: {  	[hbm4b:s29+s2] =	stream.linear.scatter [tilespmem:s0], [sflag:$0xA], $0x4000, $0x38;
	[tilespmem:$0x1D000] =	vst v63  }
0x3bf: {  	_ =	swait.ge [sflag:s25], $0x4000  }
0x3c0: {  	s31 =	sld [smem:$0x7FD]  }
0x3c1: {  	[sflag:s25] =	ssyncset.done $0x0  }
0x3c2: {  	s3 =	simm.s32 $0xD000;
	[sflag:s25] =	ssyncadd.s32 $0xFFFFC000  }
0x3c3: {  	[hbm4b:s31+s2] =	stream.linear.scatter [tilespmem:s3], [sflag:$0xB], $0x4000, $0x38;
	[tilespmem:$0x1D000] =	vst v63  }
0x3c4: {  	_ =	swait.ge [sflag:s28], $0x4000  }
0x3c5: {  	[sflag:s28] =	ssyncset.done $0x0  }
0x3c6: {  	[sflag:s28] =	ssyncadd.s32 $0xFFFFC000  }
0x3c7: {  	_ =	swait.ge [sflag:s30], $0x4000  }
0x3c8: {  	[sflag:s30] =	ssyncset.done $0x0  }
0x3c9: {  	[sflag:s30] =	ssyncadd.s32 $0xFFFFC000  }
0x3ca: {  	_ =	swait.ge [sflag:s1], $0x4000  }
0x3cb: {  	[sflag:s1] =	ssyncset.done $0x0  }
0x3cc: {  	[sflag:s1] =	ssyncadd.s32 $0xFFFFC000  }
0x3cd: {  	_ =	swait.ge [sflag:s9], $0x4000  }
0x3ce: {  	[sflag:s9] =	ssyncset.done $0x0  }
0x3cf: {  	[sflag:s9] =	ssyncadd.s32 $0xFFFFC000  }
0x3d0: {  	_ =	swait.ge [sflag:s12], $0x4000  }
0x3d1: {  	[sflag:s12] =	ssyncset.done $0x0  }
0x3d2: {  	[sflag:s12] =	ssyncadd.s32 $0xFFFFC000  }
0x3d3: {  	p0 =	sne.s32 s16, $0x1;
	_ =	swait.ge [sflag:s13], $0x4000  }
.Ltmp0:
0x3d4: {  	[sflag:s13] =	ssyncset.done $0x0;
	(pc) =	sbr.rel @p0 .LBB2_1-.Ltmp0, $4  }
0x3d5: {  	[sflag:s13] =	ssyncadd.s32 $0xFFFFC000  }
0x3d6: {  	_ =	swait.ge [sflag:s8], $0x4000  }
0x3d7: {  	[sflag:s8] =	ssyncset.done $0x0  }
0x3d8: {  	s16 =	sadd.s32 $0xFFFFFFFF, s16;
	[sflag:s8] =	ssyncadd.s32 $0xFFFFC000  }
0x3d9: {  	_ =	sfence.sel $0x180000  }
0x3da: {  	[bflag:$0x0] =	sbarrier.arrive $0xFFFF  }
0x3db: {  	_ =	strace $0x90000047  }
0x3dc: {  	s0 =	stileid.u32;
	[bflag:$0x2] =	sbarrier.arrive $0xFFFF  }
0x3dd: {  	p0 =	sne.s32 s0, $0x0;
	s0 =	rddreg [dreg:$0x2]  }
0x3de: {  	s0 =	sadd.s32 @!p0 $0x100000, s0  }
0x3df: {  	[sflag:s0] =	ssyncadd.tile.s32 @!p0 $0x1;
	_ =	shalt  }
.Lfunc_end2:
_tile_overlayer_lowered:
.L_overlay_start_2:
0x3e0: {  	(tag) =	ssettag $0x2  }
0x3e1: {  	s0 =	rddreg [dreg:$0x0];
	s2 =	stileid.u32  }
0x3e2: {  	s1 =	rddreg [dreg:$0x1];
	p0 =	sne.s32 s2, $0x0  }
0x3e3: {  	s3 =	rddreg [dreg:$0x2];
	[bflag:$0x3] =	sbarrier.arrive $0xFFFF;
	s2 =	simm.s32 @!p0 $0x1C0F  }
0x3e4: {  	[timem:s3], [sflag:s2] =	dma.local @!p0 [hbm:s0], s1  }
0x3e5: {  	s0 =	simm.s32 @!p0 $0xF  }
0x3e6: {  	_ =	swait.ge @!p0 [sflag:s0], s1  }
0x3e7: {  	s1 =	ssub.s32 @!p0 $0x0, s1;
	[sflag:s0] =	ssyncset.done @!p0 $0x0  }
0x3e8: {  	[sflag:s0] =	ssyncadd.s32 @!p0 s1  }
0x3e9: {  	[bflag:$0x3] =	sbarrier.arrive $0xFFFF  }
0x3ea: {  	_ =	shalt  }

</sc_bundles>
